<compile_context>
chip_gen: v7x
topology: tpu7x:2x2x1
jax: 0.10.2.dev20260603
libtpu: 0.0.44.dev20260713+nightly
codegen_flags: <defaults>
</compile_context>

<pallas_src>
import functools

import numpy as np
import jax
import jax.numpy as jnp
from jax import lax
from jax.experimental import pallas as pl
from jax.experimental.pallas import tpu as pltpu
from jax.experimental.pallas import tpu_sc as plsc

_NUM_CLASSES = 1000
_NROWS = 32768
_HALF = _NROWS // 2
_TEMP_LOGITS = 0.1
_NEPOCHS = 200
_TEACHER_TEMP = np.concatenate(
    (np.linspace(0.07, 0.04, 30), np.ones(_NEPOCHS - 30) * 0.04))
_RATIO = np.concatenate(
    (np.zeros(0), np.linspace(0.2, 1.0, 100), np.ones(_NEPOCHS - 0 - 100) * 1.0))
_EPOCH_FOR_RATIO = 50
_K = int(_HALF * float(_RATIO[_EPOCH_FOR_RATIO]))

_LOG2E = 1.4426950408889634

_B = 1024
_NBLK = _NROWS // _B


def _rowsum_t(m):
    ones = jnp.ones((1, _NUM_CLASSES), jnp.float32)
    return jax.lax.dot_general(
        ones, m, (((1,), (1,)), ((), ())),
        preferred_element_type=jnp.float32)


def _stage1(temp_ref, t_ref, s_ref, r_ref, d_ref, soft_ref):
    ct = jnp.float32(_LOG2E) / temp_ref[0, 0]
    cs = jnp.float32(_LOG2E / _TEMP_LOGITS)
    inv_tl = jnp.float32(1.0 / _TEMP_LOGITS)

    t = t_ref[...]
    mt1 = jnp.max(t, axis=1, keepdims=True)
    iota = jax.lax.broadcasted_iota(jnp.int32, (_B, _NUM_CLASSES), 1)
    jstar = jnp.min(jnp.where(t == mt1, iota, _NUM_CLASSES), axis=1,
                    keepdims=True)
    eqj = iota == jstar
    mt2 = jnp.max(jnp.where(eqj, -jnp.inf, t), axis=1, keepdims=True)
    e = jnp.exp2((t - mt1) * ct)

    x = s_ref[...]

    z = _rowsum_t(e)
    zs = _rowsum_t(jnp.exp2(x * cs))
    sex = _rowsum_t(e * x)
    sj = _rowsum_t(jnp.where(eqj, x, 0.0))

    eye = jnp.eye(_B, dtype=jnp.float32)
    dm = jax.lax.dot_general(
        mt2 - mt1, eye, (((0,), (0,)), ((), ())),
        preferred_element_type=jnp.float32)

    e2 = jnp.exp2(dm * ct)
    r_ref[0, :, :] = (1.0 / z) / (e2 / z + 1e-6)
    dot = sex * inv_tl / z
    lse = jnp.log(zs)
    d_ref[0, :, :] = dot - sj * inv_tl
    soft_ref[0, :, :] = lse - dot



_NTILE = 16
_PER_TILE = _HALF // _NTILE
_NVREG = _PER_TILE // 16
_UNROLL = 8


def _sc_select_body(r_hbm, d_hbm, soft_hbm, out_hbm,
                    r_v, d_v, soft_v, io_v, fio_v, iacc_v, cnt16_v,
                    acc_v, shared_v, shared_cnt):
    cid = lax.axis_index("c")
    sid = lax.axis_index("s")
    base = sid * _PER_TILE
    lane = lax.iota(jnp.int32, 16)

    pltpu.sync_copy(r_hbm.at[cid, pl.ds(base, _PER_TILE)], r_v)
    pltpu.sync_copy(d_hbm.at[cid, pl.ds(base, _PER_TILE)], d_v)
    pltpu.sync_copy(soft_hbm.at[cid, pl.ds(base, _PER_TILE)], soft_v)
    plsc.subcore_barrier()

    def count(pred):
        def blk(j, acc):
            for u in range(_UNROLL):
                off = j * (_UNROLL * 16) + u * 16
                v = r_v[pl.ds(off, 16)]
                gidx = lane + (base + off)
                acc = acc + jnp.where(pred(v, gidx), 1, 0).astype(jnp.int32)
            return acc

        return lax.fori_loop(0, _NVREG // _UNROLL, blk,
                             jnp.zeros((16,), jnp.int32))

    def global_count(slot, accvec):
        par = slot & 1
        iacc_v[pl.ds(0, 16)] = accvec
        pltpu.sync_copy(iacc_v, shared_cnt.at[par, sid])
        plsc.subcore_barrier()
        pltpu.sync_copy(shared_cnt.at[par], cnt16_v)
        tv = cnt16_v[0, pl.ds(0, 16)]
        for k in range(1, _NTILE):
            tv = tv + cnt16_v[k, pl.ds(0, 16)]
        cnt = tv[0]
        for k in range(1, 16):
            cnt = cnt + tv[k]
        return cnt

    def bs_body(it, carry):
        lo, hi = carry
        mid = lo + (hi - lo + 1) // 2
        mid_f = lax.bitcast_convert_type(mid, jnp.float32)
        total = global_count(it, count(lambda v, g: v >= mid_f))
        ge = total >= _K
        return jnp.where(ge, mid, lo), jnp.where(ge, hi, mid - 1)

    thr_i, _ = lax.fori_loop(0, 28, bs_body,
                             (jnp.int32(0x3F000000), jnp.int32(0x49F42400)))
    thr = lax.bitcast_convert_type(thr_i, jnp.float32)

    n_gt = global_count(28, count(lambda v, g: v > thr))
    need = _K - n_gt

    def tie_body(it, carry):
        lo2, hi2 = carry
        mid = (lo2 + hi2) // 2
        total = global_count(29 + it,
                             count(lambda v, g: (v == thr) & (g <= mid)))
        ok = total >= need
        return jnp.where(ok, lo2, mid + 1), jnp.where(ok, mid, hi2)

    cutoff, _ = lax.fori_loop(0, 14, tie_body,
                              (jnp.int32(0), jnp.int32(_HALF - 1)))

    def fin(j, carry):
        fa, sa = carry
        for u in range(_UNROLL):
            off = j * (_UNROLL * 16) + u * 16
            v = r_v[pl.ds(off, 16)]
            gidx = lane + (base + off)
            sel = (v > thr) | ((v == thr) & (gidx <= cutoff))
            fa = fa + jnp.where(sel, d_v[pl.ds(off, 16)], 0.0)
            sa = sa + soft_v[pl.ds(off, 16)]
        return fa, sa

    fa, sa = lax.fori_loop(0, _NVREG // _UNROLL, fin,
                           (jnp.zeros((16,), jnp.float32),
                            jnp.zeros((16,), jnp.float32)))
    fio_v[pl.ds(0, 16)] = fa + sa
    pltpu.sync_copy(fio_v, shared_v.at[sid])
    plsc.subcore_barrier()

    @pl.when(sid == 0)
    def _():
        pltpu.sync_copy(shared_v, acc_v)
        tot = acc_v[0, pl.ds(0, 16)]
        for i in range(1, _NTILE):
            tot = tot + acc_v[i, pl.ds(0, 16)]
        chunk_total = tot[0]
        for k in range(1, 16):
            chunk_total = chunk_total + tot[k]
        io_v[...] = jnp.where(lane == 0, chunk_total, 0.0)
        pltpu.sync_copy(io_v, out_hbm.at[cid])


_sc_select = functools.partial(
    pl.kernel,
    out_type=jax.ShapeDtypeStruct((2, 16), jnp.float32),
    mesh=plsc.VectorSubcoreMesh(core_axis_name="c", subcore_axis_name="s"),
    scratch_types=[
        pltpu.VMEM((_PER_TILE,), jnp.float32),
        pltpu.VMEM((_PER_TILE,), jnp.float32),
        pltpu.VMEM((_PER_TILE,), jnp.float32),
        pltpu.VMEM((16,), jnp.float32),
        pltpu.VMEM((128,), jnp.float32),
        pltpu.VMEM((128,), jnp.int32),
        pltpu.VMEM((_NTILE, 128), jnp.int32),
        pltpu.VMEM((_NTILE, 128), jnp.float32),
        pltpu.VMEM_SHARED((_NTILE, 128), jnp.float32),
        pltpu.VMEM_SHARED((2, _NTILE, 128), jnp.int32),
    ],
)(_sc_select_body)


def kernel(student_output, teacher_output, epoch):
    temp = jnp.asarray(_TEACHER_TEMP, jnp.float32)[epoch].reshape(1, 1)

    outs = pl.pallas_call(
        _stage1,
        grid=(_NBLK,),
        in_specs=[
            pl.BlockSpec((1, 1), lambda i: (0, 0), memory_space=pltpu.SMEM),
            pl.BlockSpec((_B, _NUM_CLASSES), lambda i: (i, 0)),
            pl.BlockSpec((_B, _NUM_CLASSES),
                         lambda i: ((i + _NBLK // 2) % _NBLK, 0)),
        ],
        out_specs=[pl.BlockSpec((1, 1, _B), lambda i: (i, 0, 0))] * 3,
        out_shape=[jax.ShapeDtypeStruct((_NBLK, 1, _B), jnp.float32)] * 3,
    )(temp, teacher_output, student_output)

    r2, d2, soft2 = [o.reshape(2, _HALF) for o in outs]

    totals = _sc_select(r2, d2, soft2)
    return (totals[0, 0] / _HALF + totals[1, 0] / _HALF) * 0.5

# --- scband reference (transcript-rebuilt; emitter-appended) ---
"""Pipeline reference for scband-distill-loss-ratio-ramp-32435593020219 (READ-ONLY COPY).

The authoritative reference and input builder live on the scoring server;
editing this copy changes nothing except your own understanding.
"""

import jax, jax.numpy as jnp
import numpy as np

NUM_CLASSES = 1000
NCROPS = 2
NEPOCHS = 200
TEMP_LOGITS = 0.1
TEACHER_TEMP_SCHEDULE = np.concatenate((np.linspace(0.07, 0.04, 30), np.ones(NEPOCHS - 30) * 0.04))
RATIO_SCHEDULE = np.concatenate((np.zeros(0), np.linspace(0.2, 1.0, 100), np.ones(NEPOCHS - 0 - 100) * 1.0))

_EPOCH_STATIC = 50


def setup_inputs(seed: int = 0) -> dict:
    key = jax.random.key(seed)
    k1, k2 = jax.random.split(key, 2)
    student_output = jax.random.normal(k1, (32768, 1000), dtype=jnp.float32)
    teacher_output = jax.random.normal(k2, (32768, 1000), dtype=jnp.float32)
    epoch = _EPOCH_STATIC
    return {"student_output": student_output, "teacher_output": teacher_output, "epoch": epoch}


def reference(student_output, teacher_output, epoch):
    student_out = student_output / TEMP_LOGITS
    student_chunks = jnp.split(student_out, NCROPS, axis=0)
    temp_teacher_epoch = jnp.asarray(TEACHER_TEMP_SCHEDULE, dtype=jnp.float32)[epoch]
    ratio_epoch = float(RATIO_SCHEDULE[_EPOCH_STATIC])
    teacher_soft = jax.nn.softmax(teacher_output / temp_teacher_epoch, axis=-1)
    teacher_soft = jax.lax.stop_gradient(teacher_soft)
    teacher_chunks = jnp.split(teacher_soft, NCROPS, axis=0)
    teacher_label = []
    for i in range(NCROPS):
        t = teacher_chunks[i]
        top2, _ = jax.lax.top_k(t, 2)
        top2_div = top2[:, 0] / (top2[:, 1] + 1e-06)
        filter_number = int(t.shape[0] * ratio_epoch)
        _, topk_filter = jax.lax.top_k(top2_div, filter_number)
        pseudo_label = jax.nn.one_hot(jnp.argmax(t, axis=-1), NUM_CLASSES, dtype=jnp.float32)
        t = t.at[topk_filter].set(pseudo_label[topk_filter])
        teacher_label.append(t)
    total_loss = 0.0
    n_loss_terms = 0
    for iq, q in enumerate(teacher_label):
        for iv, v in enumerate(student_chunks):
            if iv == iq:
                continue
            loss = jnp.sum(-q * jax.nn.log_softmax(v, axis=-1), axis=-1)
            total_loss = total_loss + loss.mean()
            n_loss_terms += 1
    total_loss = total_loss / n_loss_terms
    return total_loss

if __name__ == "__main__":
    import jax
    _d = setup_inputs()
    print(jax.jit(kernel)(*tuple(_d.values())))

</pallas_src>

<mosaic_0001>
#map = affine_map<(d0, d1) -> (0, 0)>
module attributes {stable_mosaic.version = 14 : i64} {
  func.func @_sc_select_body(%arg0: i32, %arg1: i32, %arg2: memref<2x16384xf32, #tpu.memory_space<hbm>>, %arg3: memref<2x16384xf32, #tpu.memory_space<hbm>>, %arg4: memref<2x16384xf32, #tpu.memory_space<hbm>>, %arg5: memref<2x16xf32, #tpu.memory_space<hbm>>, %arg6: memref<1024xf32, #tpu.memory_space<vmem>>, %arg7: memref<1024xf32, #tpu.memory_space<vmem>>, %arg8: memref<1024xf32, #tpu.memory_space<vmem>>, %arg9: memref<16xf32, #tpu.memory_space<vmem>>, %arg10: memref<128xf32, #tpu.memory_space<vmem>>, %arg11: memref<128xi32, #tpu.memory_space<vmem>>, %arg12: memref<16x128xi32, #tpu.memory_space<vmem>>, %arg13: memref<16x128xf32, #tpu.memory_space<vmem>>, %arg14: memref<16x128xf32, #tpu.memory_space<vmem_shared>>, %arg15: memref<2x16x128xi32, #tpu.memory_space<vmem_shared>>) attributes {dimension_semantics = [#tpu.dimension_semantics<core_parallel>, #tpu.dimension_semantics<subcore_parallel>], iteration_bounds = array<i64: 2, 16>, scalar_prefetch = 0 : i64, scratch_operands = 10 : i64, tpu.core_type = #tpu.core_type<sc_vector_subcore>, window_params = [{transform_indices = #map}, {transform_indices = #map}, {transform_indices = #map}, {transform_indices = #map}]} {
    %mul3A = arith.constant 1024 : i32
    %mul3A_0 = arith.muli %arg1, %mul3A : i32
    %iota3A = tpu.iota {dimensions = array<i32: 0>} : vector<16xi32>
    "tpu.region"() ({
      %run_scoped3A_185 = tpu.sem_alloc : memref<!tpu.dma_semaphore, #tpu.memory_space<semaphore_mem>>
      %dma_start3A = tpu.memref_slice %arg2[%arg0, %mul3A_0] : memref<2x16384xf32, #tpu.memory_space<hbm>> -> memref<1x1024xf32, #tpu.memory_space<hbm>>
      %dma_start3A_186 = tpu.memref_squeeze %dma_start3A : memref<1x1024xf32, #tpu.memory_space<hbm>> -> memref<1024xf32, #tpu.memory_space<hbm>>
      %dma_start3A_187 = tpu.memref_slice %arg2[%arg0, %mul3A_0] : memref<2x16384xf32, #tpu.memory_space<hbm>> -> memref<1x1024xf32, #tpu.memory_space<hbm>>
      %dma_start3A_188 = tpu.memref_squeeze %dma_start3A_187 : memref<1x1024xf32, #tpu.memory_space<hbm>> -> memref<1024xf32, #tpu.memory_space<hbm>>
      tpu.enqueue_dma source(%dma_start3A_188 : memref<1024xf32, #tpu.memory_space<hbm>>) target(%arg6 : memref<1024xf32, #tpu.memory_space<vmem>>) target_semaphore(%run_scoped3A_185 : memref<!tpu.dma_semaphore, #tpu.memory_space<semaphore_mem>>)
      %dma_wait3A = tpu.memref_slice %arg2[%arg0, %mul3A_0] : memref<2x16384xf32, #tpu.memory_space<hbm>> -> memref<1x1024xf32, #tpu.memory_space<hbm>>
      %dma_wait3A_189 = tpu.memref_squeeze %dma_wait3A : memref<1x1024xf32, #tpu.memory_space<hbm>> -> memref<1024xf32, #tpu.memory_space<hbm>>
      %dma_wait3A_190 = tpu.memref_slice %arg2[%arg0, %mul3A_0] : memref<2x16384xf32, #tpu.memory_space<hbm>> -> memref<1x1024xf32, #tpu.memory_space<hbm>>
      %dma_wait3A_191 = tpu.memref_squeeze %dma_wait3A_190 : memref<1x1024xf32, #tpu.memory_space<hbm>> -> memref<1024xf32, #tpu.memory_space<hbm>>
      tpu.wait_dma2 semaphore(%run_scoped3A_185 : memref<!tpu.dma_semaphore, #tpu.memory_space<semaphore_mem>>) src(%dma_wait3A_191 : memref<1024xf32, #tpu.memory_space<hbm>>) dst(%arg6 : memref<1024xf32, #tpu.memory_space<vmem>>)
      tpu.yield
    }) : () -> ()
    "tpu.region"() ({
      %run_scoped3A_185 = tpu.sem_alloc : memref<!tpu.dma_semaphore, #tpu.memory_space<semaphore_mem>>
      %dma_start3A = tpu.memref_slice %arg3[%arg0, %mul3A_0] : memref<2x16384xf32, #tpu.memory_space<hbm>> -> memref<1x1024xf32, #tpu.memory_space<hbm>>
      %dma_start3A_186 = tpu.memref_squeeze %dma_start3A : memref<1x1024xf32, #tpu.memory_space<hbm>> -> memref<1024xf32, #tpu.memory_space<hbm>>
      %dma_start3A_187 = tpu.memref_slice %arg3[%arg0, %mul3A_0] : memref<2x16384xf32, #tpu.memory_space<hbm>> -> memref<1x1024xf32, #tpu.memory_space<hbm>>
      %dma_start3A_188 = tpu.memref_squeeze %dma_start3A_187 : memref<1x1024xf32, #tpu.memory_space<hbm>> -> memref<1024xf32, #tpu.memory_space<hbm>>
      tpu.enqueue_dma source(%dma_start3A_188 : memref<1024xf32, #tpu.memory_space<hbm>>) target(%arg7 : memref<1024xf32, #tpu.memory_space<vmem>>) target_semaphore(%run_scoped3A_185 : memref<!tpu.dma_semaphore, #tpu.memory_space<semaphore_mem>>)
      %dma_wait3A = tpu.memref_slice %arg3[%arg0, %mul3A_0] : memref<2x16384xf32, #tpu.memory_space<hbm>> -> memref<1x1024xf32, #tpu.memory_space<hbm>>
      %dma_wait3A_189 = tpu.memref_squeeze %dma_wait3A : memref<1x1024xf32, #tpu.memory_space<hbm>> -> memref<1024xf32, #tpu.memory_space<hbm>>
      %dma_wait3A_190 = tpu.memref_slice %arg3[%arg0, %mul3A_0] : memref<2x16384xf32, #tpu.memory_space<hbm>> -> memref<1x1024xf32, #tpu.memory_space<hbm>>
      %dma_wait3A_191 = tpu.memref_squeeze %dma_wait3A_190 : memref<1x1024xf32, #tpu.memory_space<hbm>> -> memref<1024xf32, #tpu.memory_space<hbm>>
      tpu.wait_dma2 semaphore(%run_scoped3A_185 : memref<!tpu.dma_semaphore, #tpu.memory_space<semaphore_mem>>) src(%dma_wait3A_191 : memref<1024xf32, #tpu.memory_space<hbm>>) dst(%arg7 : memref<1024xf32, #tpu.memory_space<vmem>>)
      tpu.yield
    }) : () -> ()
    "tpu.region"() ({
      %run_scoped3A_185 = tpu.sem_alloc : memref<!tpu.dma_semaphore, #tpu.memory_space<semaphore_mem>>
      %dma_start3A = tpu.memref_slice %arg4[%arg0, %mul3A_0] : memref<2x16384xf32, #tpu.memory_space<hbm>> -> memref<1x1024xf32, #tpu.memory_space<hbm>>
      %dma_start3A_186 = tpu.memref_squeeze %dma_start3A : memref<1x1024xf32, #tpu.memory_space<hbm>> -> memref<1024xf32, #tpu.memory_space<hbm>>
      %dma_start3A_187 = tpu.memref_slice %arg4[%arg0, %mul3A_0] : memref<2x16384xf32, #tpu.memory_space<hbm>> -> memref<1x1024xf32, #tpu.memory_space<hbm>>
      %dma_start3A_188 = tpu.memref_squeeze %dma_start3A_187 : memref<1x1024xf32, #tpu.memory_space<hbm>> -> memref<1024xf32, #tpu.memory_space<hbm>>
      tpu.enqueue_dma source(%dma_start3A_188 : memref<1024xf32, #tpu.memory_space<hbm>>) target(%arg8 : memref<1024xf32, #tpu.memory_space<vmem>>) target_semaphore(%run_scoped3A_185 : memref<!tpu.dma_semaphore, #tpu.memory_space<semaphore_mem>>)
      %dma_wait3A = tpu.memref_slice %arg4[%arg0, %mul3A_0] : memref<2x16384xf32, #tpu.memory_space<hbm>> -> memref<1x1024xf32, #tpu.memory_space<hbm>>
      %dma_wait3A_189 = tpu.memref_squeeze %dma_wait3A : memref<1x1024xf32, #tpu.memory_space<hbm>> -> memref<1024xf32, #tpu.memory_space<hbm>>
      %dma_wait3A_190 = tpu.memref_slice %arg4[%arg0, %mul3A_0] : memref<2x16384xf32, #tpu.memory_space<hbm>> -> memref<1x1024xf32, #tpu.memory_space<hbm>>
      %dma_wait3A_191 = tpu.memref_squeeze %dma_wait3A_190 : memref<1x1024xf32, #tpu.memory_space<hbm>> -> memref<1024xf32, #tpu.memory_space<hbm>>
      tpu.wait_dma2 semaphore(%run_scoped3A_185 : memref<!tpu.dma_semaphore, #tpu.memory_space<semaphore_mem>>) src(%dma_wait3A_191 : memref<1024xf32, #tpu.memory_space<hbm>>) dst(%arg8 : memref<1024xf32, #tpu.memory_space<vmem>>)
      tpu.yield
    }) : () -> ()
    %barrier3A = arith.constant 0 : index
    tpu.barrier barrier_id(%barrier3A)
    %scan3A = arith.constant 1056964608 : i32
    %scan3A_1 = arith.constant 1240736768 : i32
    %scan3A_2 = arith.constant 0 : i32
    %scan3A_3 = arith.constant 28 : i32
    %scan3A_4 = arith.addi %scan3A_2, %scan3A_3 : i32
    %scan3A_5 = arith.constant 1 : i32
    %scan3A_6:2 = scf.for %scan3A_185 = %scan3A_2 to %scan3A_4 step %scan3A_5 iter_args(%scan3A_186 = %scan3A, %scan3A_187 = %scan3A_1) -> (i32, i32)  : i32 {
      %sub3A_188 = arith.subi %scan3A_187, %scan3A_186 : i32
      %add3A_189 = arith.constant 1 : i32
      %add3A_190 = arith.addi %sub3A_188, %add3A_189 : i32
      %jit3A = arith.constant 2 : i32
      %div3A = arith.divsi %add3A_190, %jit3A : i32
      %sign3A = arith.constant 0 : i32
      %sign3A_191 = arith.cmpi sgt, %add3A_190, %sign3A : i32
      %sign3A_192 = arith.extui %sign3A_191 : i1 to i32
      %sign3A_193 = arith.constant 0 : i32
      %sign3A_194 = arith.cmpi slt, %add3A_190, %sign3A_193 : i32
      %sign3A_195 = arith.extui %sign3A_194 : i1 to i32
      %sign3A_196 = arith.subi %sign3A_192, %sign3A_195 : i32
      %sign3A_197 = arith.constant 0 : i32
      %sign3A_198 = arith.cmpi sgt, %jit3A, %sign3A_197 : i32
      %sign3A_199 = arith.extui %sign3A_198 : i1 to i32
      %sign3A_200 = arith.constant 0 : i32
      %sign3A_201 = arith.cmpi slt, %jit3A, %sign3A_200 : i32
      %sign3A_202 = arith.extui %sign3A_201 : i1 to i32
      %sign3A_203 = arith.subi %sign3A_199, %sign3A_202 : i32
      %ne3A = arith.cmpi ne, %sign3A_196, %sign3A_203 : i32
      %rem3A = arith.remsi %add3A_190, %jit3A : i32
      %ne3A_204 = arith.constant 0 : i32
      %ne3A_205 = arith.cmpi ne, %rem3A, %ne3A_204 : i32
      %and3A = arith.andi %ne3A, %ne3A_205 : i1
      %sub3A_206 = arith.constant 1 : i32
      %sub3A_207 = arith.subi %div3A, %sub3A_206 : i32
      %select_n3A = arith.select %and3A, %sub3A_207, %div3A : i32
      %add3A_208 = arith.addi %scan3A_186, %select_n3A : i32
      %bitcast_convert_type3A_209 = arith.bitcast %add3A_208 : i32 to f32
      %broadcast_in_dim3A_210 = arith.constant 0 : i32
      %broadcast_in_dim3A_211 = vector.broadcast %broadcast_in_dim3A_210 : i32 to vector<16xi32>
      %scan3A_212 = arith.constant 0 : i32
      %scan3A_213 = arith.constant 8 : i32
      %scan3A_214 = arith.addi %scan3A_212, %scan3A_213 : i32
      %scan3A_215 = arith.constant 1 : i32
      %scan3A_216 = scf.for %scan3A_372 = %scan3A_212 to %scan3A_214 step %scan3A_215 iter_args(%scan3A_373 = %broadcast_in_dim3A_211) -> (vector<16xi32>)  : i32 {
        %mul3A_374 = arith.constant 128 : i32
        %mul3A_375 = arith.muli %scan3A_372, %mul3A_374 : i32
        %add3A_376 = arith.constant 0 : i32
        %add3A_377 = arith.addi %mul3A_375, %add3A_376 : i32
        %get3A_378 = arith.index_cast %add3A_377 : i32 to index
        %get3A_379 = tpu.vector_load %arg6[%get3A_378] {strides = array<i32>} : memref<1024xf32, #tpu.memory_space<vmem>>, vector<16xf32>,
        %get3A_380 = vector.shape_cast %get3A_379 : vector<16xf32> to vector<16xf32>
        %add3A_381 = arith.addi %mul3A_0, %add3A_377 : i32
        %add3A_382 = vector.broadcast %add3A_381 : i32 to vector<16xi32>
        %add3A_383 = arith.addi %iota3A, %add3A_382 : vector<16xi32>
        %ge3A_384 = vector.broadcast %bitcast_convert_type3A_209 : f32 to vector<16xf32>
        %ge3A_385 = arith.cmpf oge, %get3A_380, %ge3A_384 : vector<16xf32>
        %jit3A_386 = arith.constant 1 : i32
        %jit3A_387 = arith.constant 0 : i32
        %broadcast_in_dim3A_388 = vector.broadcast %jit3A_386 : i32 to vector<16xi32>
        %broadcast_in_dim3A_389 = vector.broadcast %jit3A_387 : i32 to vector<16xi32>
        %select_n3A_390 = arith.select %ge3A_385, %broadcast_in_dim3A_388, %broadcast_in_dim3A_389 : vector<16xi1>, vector<16xi32>
        %add3A_391 = arith.addi %scan3A_373, %select_n3A_390 : vector<16xi32>
        %mul3A_392 = arith.constant 128 : i32
        %mul3A_393 = arith.muli %scan3A_372, %mul3A_392 : i32
        %add3A_394 = arith.constant 16 : i32
        %add3A_395 = arith.addi %mul3A_393, %add3A_394 : i32
        %get3A_396 = arith.index_cast %add3A_395 : i32 to index
        %get3A_397 = tpu.vector_load %arg6[%get3A_396] {strides = array<i32>} : memref<1024xf32, #tpu.memory_space<vmem>>, vector<16xf32>,
        %get3A_398 = vector.shape_cast %get3A_397 : vector<16xf32> to vector<16xf32>
        %add3A_399 = arith.addi %mul3A_0, %add3A_395 : i32
        %add3A_400 = vector.broadcast %add3A_399 : i32 to vector<16xi32>
        %add3A_401 = arith.addi %iota3A, %add3A_400 : vector<16xi32>
        %ge3A_402 = vector.broadcast %bitcast_convert_type3A_209 : f32 to vector<16xf32>
        %ge3A_403 = arith.cmpf oge, %get3A_398, %ge3A_402 : vector<16xf32>
        %jit3A_404 = arith.constant 1 : i32
        %jit3A_405 = arith.constant 0 : i32
        %broadcast_in_dim3A_406 = vector.broadcast %jit3A_404 : i32 to vector<16xi32>
        %broadcast_in_dim3A_407 = vector.broadcast %jit3A_405 : i32 to vector<16xi32>
        %select_n3A_408 = arith.select %ge3A_403, %broadcast_in_dim3A_406, %broadcast_in_dim3A_407 : vector<16xi1>, vector<16xi32>
        %add3A_409 = arith.addi %add3A_391, %select_n3A_408 : vector<16xi32>
        %mul3A_410 = arith.constant 128 : i32
        %mul3A_411 = arith.muli %scan3A_372, %mul3A_410 : i32
        %add3A_412 = arith.constant 32 : i32
        %add3A_413 = arith.addi %mul3A_411, %add3A_412 : i32
        %get3A_414 = arith.index_cast %add3A_413 : i32 to index
        %get3A_415 = tpu.vector_load %arg6[%get3A_414] {strides = array<i32>} : memref<1024xf32, #tpu.memory_space<vmem>>, vector<16xf32>,
        %get3A_416 = vector.shape_cast %get3A_415 : vector<16xf32> to vector<16xf32>
        %add3A_417 = arith.addi %mul3A_0, %add3A_413 : i32
        %add3A_418 = vector.broadcast %add3A_417 : i32 to vector<16xi32>
        %add3A_419 = arith.addi %iota3A, %add3A_418 : vector<16xi32>
        %ge3A_420 = vector.broadcast %bitcast_convert_type3A_209 : f32 to vector<16xf32>
        %ge3A_421 = arith.cmpf oge, %get3A_416, %ge3A_420 : vector<16xf32>
        %jit3A_422 = arith.constant 1 : i32
        %jit3A_423 = arith.constant 0 : i32
        %broadcast_in_dim3A_424 = vector.broadcast %jit3A_422 : i32 to vector<16xi32>
        %broadcast_in_dim3A_425 = vector.broadcast %jit3A_423 : i32 to vector<16xi32>
        %select_n3A_426 = arith.select %ge3A_421, %broadcast_in_dim3A_424, %broadcast_in_dim3A_425 : vector<16xi1>, vector<16xi32>
        %add3A_427 = arith.addi %add3A_409, %select_n3A_426 : vector<16xi32>
        %mul3A_428 = arith.constant 128 : i32
        %mul3A_429 = arith.muli %scan3A_372, %mul3A_428 : i32
        %add3A_430 = arith.constant 48 : i32
        %add3A_431 = arith.addi %mul3A_429, %add3A_430 : i32
        %get3A_432 = arith.index_cast %add3A_431 : i32 to index
        %get3A_433 = tpu.vector_load %arg6[%get3A_432] {strides = array<i32>} : memref<1024xf32, #tpu.memory_space<vmem>>, vector<16xf32>,
        %get3A_434 = vector.shape_cast %get3A_433 : vector<16xf32> to vector<16xf32>
        %add3A_435 = arith.addi %mul3A_0, %add3A_431 : i32
        %add3A_436 = vector.broadcast %add3A_435 : i32 to vector<16xi32>
        %add3A_437 = arith.addi %iota3A, %add3A_436 : vector<16xi32>
        %ge3A_438 = vector.broadcast %bitcast_convert_type3A_209 : f32 to vector<16xf32>
        %ge3A_439 = arith.cmpf oge, %get3A_434, %ge3A_438 : vector<16xf32>
        %jit3A_440 = arith.constant 1 : i32
        %jit3A_441 = arith.constant 0 : i32
        %broadcast_in_dim3A_442 = vector.broadcast %jit3A_440 : i32 to vector<16xi32>
        %broadcast_in_dim3A_443 = vector.broadcast %jit3A_441 : i32 to vector<16xi32>
        %select_n3A_444 = arith.select %ge3A_439, %broadcast_in_dim3A_442, %broadcast_in_dim3A_443 : vector<16xi1>, vector<16xi32>
        %add3A_445 = arith.addi %add3A_427, %select_n3A_444 : vector<16xi32>
        %mul3A_446 = arith.constant 128 : i32
        %mul3A_447 = arith.muli %scan3A_372, %mul3A_446 : i32
        %add3A_448 = arith.constant 64 : i32
        %add3A_449 = arith.addi %mul3A_447, %add3A_448 : i32
        %get3A_450 = arith.index_cast %add3A_449 : i32 to index
        %get3A_451 = tpu.vector_load %arg6[%get3A_450] {strides = array<i32>} : memref<1024xf32, #tpu.memory_space<vmem>>, vector<16xf32>,
        %get3A_452 = vector.shape_cast %get3A_451 : vector<16xf32> to vector<16xf32>
        %add3A_453 = arith.addi %mul3A_0, %add3A_449 : i32
        %add3A_454 = vector.broadcast %add3A_453 : i32 to vector<16xi32>
        %add3A_455 = arith.addi %iota3A, %add3A_454 : vector<16xi32>
        %ge3A_456 = vector.broadcast %bitcast_convert_type3A_209 : f32 to vector<16xf32>
        %ge3A_457 = arith.cmpf oge, %get3A_452, %ge3A_456 : vector<16xf32>
        %jit3A_458 = arith.constant 1 : i32
        %jit3A_459 = arith.constant 0 : i32
        %broadcast_in_dim3A_460 = vector.broadcast %jit3A_458 : i32 to vector<16xi32>
        %broadcast_in_dim3A_461 = vector.broadcast %jit3A_459 : i32 to vector<16xi32>
        %select_n3A_462 = arith.select %ge3A_457, %broadcast_in_dim3A_460, %broadcast_in_dim3A_461 : vector<16xi1>, vector<16xi32>
        %add3A_463 = arith.addi %add3A_445, %select_n3A_462 : vector<16xi32>
        %mul3A_464 = arith.constant 128 : i32
        %mul3A_465 = arith.muli %scan3A_372, %mul3A_464 : i32
        %add3A_466 = arith.constant 80 : i32
        %add3A_467 = arith.addi %mul3A_465, %add3A_466 : i32
        %get3A_468 = arith.index_cast %add3A_467 : i32 to index
        %get3A_469 = tpu.vector_load %arg6[%get3A_468] {strides = array<i32>} : memref<1024xf32, #tpu.memory_space<vmem>>, vector<16xf32>,
        %get3A_470 = vector.shape_cast %get3A_469 : vector<16xf32> to vector<16xf32>
        %add3A_471 = arith.addi %mul3A_0, %add3A_467 : i32
        %add3A_472 = vector.broadcast %add3A_471 : i32 to vector<16xi32>
        %add3A_473 = arith.addi %iota3A, %add3A_472 : vector<16xi32>
        %ge3A_474 = vector.broadcast %bitcast_convert_type3A_209 : f32 to vector<16xf32>
        %ge3A_475 = arith.cmpf oge, %get3A_470, %ge3A_474 : vector<16xf32>
        %jit3A_476 = arith.constant 1 : i32
        %jit3A_477 = arith.constant 0 : i32
        %broadcast_in_dim3A_478 = vector.broadcast %jit3A_476 : i32 to vector<16xi32>
        %broadcast_in_dim3A_479 = vector.broadcast %jit3A_477 : i32 to vector<16xi32>
        %select_n3A_480 = arith.select %ge3A_475, %broadcast_in_dim3A_478, %broadcast_in_dim3A_479 : vector<16xi1>, vector<16xi32>
        %add3A_481 = arith.addi %add3A_463, %select_n3A_480 : vector<16xi32>
        %mul3A_482 = arith.constant 128 : i32
        %mul3A_483 = arith.muli %scan3A_372, %mul3A_482 : i32
        %add3A_484 = arith.constant 96 : i32
        %add3A_485 = arith.addi %mul3A_483, %add3A_484 : i32
        %get3A_486 = arith.index_cast %add3A_485 : i32 to index
        %get3A_487 = tpu.vector_load %arg6[%get3A_486] {strides = array<i32>} : memref<1024xf32, #tpu.memory_space<vmem>>, vector<16xf32>,
        %get3A_488 = vector.shape_cast %get3A_487 : vector<16xf32> to vector<16xf32>
        %add3A_489 = arith.addi %mul3A_0, %add3A_485 : i32
        %add3A_490 = vector.broadcast %add3A_489 : i32 to vector<16xi32>
        %add3A_491 = arith.addi %iota3A, %add3A_490 : vector<16xi32>
        %ge3A_492 = vector.broadcast %bitcast_convert_type3A_209 : f32 to vector<16xf32>
        %ge3A_493 = arith.cmpf oge, %get3A_488, %ge3A_492 : vector<16xf32>
        %jit3A_494 = arith.constant 1 : i32
        %jit3A_495 = arith.constant 0 : i32
        %broadcast_in_dim3A_496 = vector.broadcast %jit3A_494 : i32 to vector<16xi32>
        %broadcast_in_dim3A_497 = vector.broadcast %jit3A_495 : i32 to vector<16xi32>
        %select_n3A_498 = arith.select %ge3A_493, %broadcast_in_dim3A_496, %broadcast_in_dim3A_497 : vector<16xi1>, vector<16xi32>
        %add3A_499 = arith.addi %add3A_481, %select_n3A_498 : vector<16xi32>
        %mul3A_500 = arith.constant 128 : i32
        %mul3A_501 = arith.muli %scan3A_372, %mul3A_500 : i32
        %add3A_502 = arith.constant 112 : i32
        %add3A_503 = arith.addi %mul3A_501, %add3A_502 : i32
        %get3A_504 = arith.index_cast %add3A_503 : i32 to index
        %get3A_505 = tpu.vector_load %arg6[%get3A_504] {strides = array<i32>} : memref<1024xf32, #tpu.memory_space<vmem>>, vector<16xf32>,
        %get3A_506 = vector.shape_cast %get3A_505 : vector<16xf32> to vector<16xf32>
        %add3A_507 = arith.addi %mul3A_0, %add3A_503 : i32
        %add3A_508 = vector.broadcast %add3A_507 : i32 to vector<16xi32>
        %add3A_509 = arith.addi %iota3A, %add3A_508 : vector<16xi32>
        %ge3A_510 = vector.broadcast %bitcast_convert_type3A_209 : f32 to vector<16xf32>
        %ge3A_511 = arith.cmpf oge, %get3A_506, %ge3A_510 : vector<16xf32>
        %jit3A_512 = arith.constant 1 : i32
        %jit3A_513 = arith.constant 0 : i32
        %broadcast_in_dim3A_514 = vector.broadcast %jit3A_512 : i32 to vector<16xi32>
        %broadcast_in_dim3A_515 = vector.broadcast %jit3A_513 : i32 to vector<16xi32>
        %select_n3A_516 = arith.select %ge3A_511, %broadcast_in_dim3A_514, %broadcast_in_dim3A_515 : vector<16xi1>, vector<16xi32>
        %add3A_517 = arith.addi %add3A_499, %select_n3A_516 : vector<16xi32>
        scf.yield %add3A_517 : vector<16xi32>
      }
      %scan3A_217 = arith.constant 8 : i32
      %and3A_218 = arith.constant 1 : i32
      %and3A_219 = arith.andi %scan3A_185, %and3A_218 : i32
      %swap3A_220 = arith.constant 0 : index
      %swap3A_221 = tpu.vector_load %arg11[%swap3A_220] {strides = array<i32>} : memref<128xi32, #tpu.memory_space<vmem>>, vector<16xi32>,
      %swap3A_222 = vector.shape_cast %swap3A_221 : vector<16xi32> to vector<16xi32>
      %swap3A_223 = vector.shape_cast %scan3A_216 : vector<16xi32> to vector<16xi32>
      tpu.vector_store %arg11[%swap3A_220], %swap3A_223 {strides = array<i32>} : memref<128xi32, #tpu.memory_space<vmem>>, vector<16xi32>,
      "tpu.region"() ({
        %run_scoped3A_372 = tpu.sem_alloc : memref<!tpu.dma_semaphore, #tpu.memory_space<semaphore_mem>>
        %dma_start3A = arith.constant 0 : i32
        %dma_start3A_373 = tpu.memref_slice %arg15[%and3A_219, %arg1, %dma_start3A] : memref<2x16x128xi32, #tpu.memory_space<vmem_shared>> -> memref<1x1x128xi32, #tpu.memory_space<vmem_shared>>
        %dma_start3A_374 = tpu.memref_squeeze %dma_start3A_373 : memref<1x1x128xi32, #tpu.memory_space<vmem_shared>> -> memref<128xi32, #tpu.memory_space<vmem_shared>>
        %dma_start3A_375 = arith.constant 0 : i32
        %dma_start3A_376 = tpu.memref_slice %arg15[%and3A_219, %arg1, %dma_start3A_375] : memref<2x16x128xi32, #tpu.memory_space<vmem_shared>> -> memref<1x1x128xi32, #tpu.memory_space<vmem_shared>>
        %dma_start3A_377 = tpu.memref_squeeze %dma_start3A_376 : memref<1x1x128xi32, #tpu.memory_space<vmem_shared>> -> memref<128xi32, #tpu.memory_space<vmem_shared>>
        tpu.enqueue_dma source(%arg11 : memref<128xi32, #tpu.memory_space<vmem>>) target(%dma_start3A_377 : memref<128xi32, #tpu.memory_space<vmem_shared>>) target_semaphore(%run_scoped3A_372 : memref<!tpu.dma_semaphore, #tpu.memory_space<semaphore_mem>>)
        %dma_wait3A = arith.constant 0 : i32
        %dma_wait3A_378 = tpu.memref_slice %arg15[%and3A_219, %arg1, %dma_wait3A] : memref<2x16x128xi32, #tpu.memory_space<vmem_shared>> -> memref<1x1x128xi32, #tpu.memory_space<vmem_shared>>
        %dma_wait3A_379 = tpu.memref_squeeze %dma_wait3A_378 : memref<1x1x128xi32, #tpu.memory_space<vmem_shared>> -> memref<128xi32, #tpu.memory_space<vmem_shared>>
        %dma_wait3A_380 = arith.constant 0 : i32
        %dma_wait3A_381 = tpu.memref_slice %arg15[%and3A_219, %arg1, %dma_wait3A_380] : memref<2x16x128xi32, #tpu.memory_space<vmem_shared>> -> memref<1x1x128xi32, #tpu.memory_space<vmem_shared>>
        %dma_wait3A_382 = tpu.memref_squeeze %dma_wait3A_381 : memref<1x1x128xi32, #tpu.memory_space<vmem_shared>> -> memref<128xi32, #tpu.memory_space<vmem_shared>>
        tpu.wait_dma2 semaphore(%run_scoped3A_372 : memref<!tpu.dma_semaphore, #tpu.memory_space<semaphore_mem>>) src(%arg11 : memref<128xi32, #tpu.memory_space<vmem>>) dst(%dma_wait3A_382 : memref<128xi32, #tpu.memory_space<vmem_shared>>)
        tpu.yield
      }) : () -> ()
      %barrier3A_224 = arith.constant 0 : index
      tpu.barrier barrier_id(%barrier3A_224)
      "tpu.region"() ({
        %run_scoped3A_372 = tpu.sem_alloc : memref<!tpu.dma_semaphore, #tpu.memory_space<semaphore_mem>>
        %dma_start3A = arith.constant 0 : i32
        %dma_start3A_373 = arith.constant 0 : i32
        %dma_start3A_374 = tpu.memref_slice %arg15[%and3A_219, %dma_start3A, %dma_start3A_373] : memref<2x16x128xi32, #tpu.memory_space<vmem_shared>> -> memref<1x16x128xi32, #tpu.memory_space<vmem_shared>>
        %dma_start3A_375 = tpu.memref_squeeze %dma_start3A_374 : memref<1x16x128xi32, #tpu.memory_space<vmem_shared>> -> memref<16x128xi32, #tpu.memory_space<vmem_shared>>
        %dma_start3A_376 = arith.constant 0 : i32
        %dma_start3A_377 = arith.constant 0 : i32
        %dma_start3A_378 = tpu.memref_slice %arg15[%and3A_219, %dma_start3A_376, %dma_start3A_377] : memref<2x16x128xi32, #tpu.memory_space<vmem_shared>> -> memref<1x16x128xi32, #tpu.memory_space<vmem_shared>>
        %dma_start3A_379 = tpu.memref_squeeze %dma_start3A_378 : memref<1x16x128xi32, #tpu.memory_space<vmem_shared>> -> memref<16x128xi32, #tpu.memory_space<vmem_shared>>
        tpu.enqueue_dma source(%dma_start3A_379 : memref<16x128xi32, #tpu.memory_space<vmem_shared>>) target(%arg12 : memref<16x128xi32, #tpu.memory_space<vmem>>) target_semaphore(%run_scoped3A_372 : memref<!tpu.dma_semaphore, #tpu.memory_space<semaphore_mem>>)
        %dma_wait3A = arith.constant 0 : i32
        %dma_wait3A_380 = arith.constant 0 : i32
        %dma_wait3A_381 = tpu.memref_slice %arg15[%and3A_219, %dma_wait3A, %dma_wait3A_380] : memref<2x16x128xi32, #tpu.memory_space<vmem_shared>> -> memref<1x16x128xi32, #tpu.memory_space<vmem_shared>>
        %dma_wait3A_382 = tpu.memref_squeeze %dma_wait3A_381 : memref<1x16x128xi32, #tpu.memory_space<vmem_shared>> -> memref<16x128xi32, #tpu.memory_space<vmem_shared>>
        %dma_wait3A_383 = arith.constant 0 : i32
        %dma_wait3A_384 = arith.constant 0 : i32
        %dma_wait3A_385 = tpu.memref_slice %arg15[%and3A_219, %dma_wait3A_383, %dma_wait3A_384] : memref<2x16x128xi32, #tpu.memory_space<vmem_shared>> -> memref<1x16x128xi32, #tpu.memory_space<vmem_shared>>
        %dma_wait3A_386 = tpu.memref_squeeze %dma_wait3A_385 : memref<1x16x128xi32, #tpu.memory_space<vmem_shared>> -> memref<16x128xi32, #tpu.memory_space<vmem_shared>>
        tpu.wait_dma2 semaphore(%run_scoped3A_372 : memref<!tpu.dma_semaphore, #tpu.memory_space<semaphore_mem>>) src(%dma_wait3A_386 : memref<16x128xi32, #tpu.memory_space<vmem_shared>>) dst(%arg12 : memref<16x128xi32, #tpu.memory_space<vmem>>)
        tpu.yield
      }) : () -> ()
      %get3A_225 = arith.constant 0 : i32
      %get3A_226 = arith.index_cast %get3A_225 : i32 to index
      %get3A_227 = arith.constant 0 : index
      %get3A_228 = tpu.vector_load %arg12[%get3A_226, %get3A_227] {strides = array<i32>} : memref<16x128xi32, #tpu.memory_space<vmem>>, vector<1x16xi32>,
      %get3A_229 = vector.shape_cast %get3A_228 : vector<1x16xi32> to vector<16xi32>
      %get3A_230 = arith.constant 1 : i32
      %get3A_231 = arith.index_cast %get3A_230 : i32 to index
      %get3A_232 = arith.constant 0 : index
      %get3A_233 = tpu.vector_load %arg12[%get3A_231, %get3A_232] {strides = array<i32>} : memref<16x128xi32, #tpu.memory_space<vmem>>, vector<1x16xi32>,
      %get3A_234 = vector.shape_cast %get3A_233 : vector<1x16xi32> to vector<16xi32>
      %add3A_235 = arith.addi %get3A_229, %get3A_234 : vector<16xi32>
      %get3A_236 = arith.constant 2 : i32
      %get3A_237 = arith.index_cast %get3A_236 : i32 to index
      %get3A_238 = arith.constant 0 : index
      %get3A_239 = tpu.vector_load %arg12[%get3A_237, %get3A_238] {strides = array<i32>} : memref<16x128xi32, #tpu.memory_space<vmem>>, vector<1x16xi32>,
      %get3A_240 = vector.shape_cast %get3A_239 : vector<1x16xi32> to vector<16xi32>
      %add3A_241 = arith.addi %add3A_235, %get3A_240 : vector<16xi32>
      %get3A_242 = arith.constant 3 : i32
      %get3A_243 = arith.index_cast %get3A_242 : i32 to index
      %get3A_244 = arith.constant 0 : index
      %get3A_245 = tpu.vector_load %arg12[%get3A_243, %get3A_244] {strides = array<i32>} : memref<16x128xi32, #tpu.memory_space<vmem>>, vector<1x16xi32>,
      %get3A_246 = vector.shape_cast %get3A_245 : vector<1x16xi32> to vector<16xi32>
      %add3A_247 = arith.addi %add3A_241, %get3A_246 : vector<16xi32>
      %get3A_248 = arith.constant 4 : i32
      %get3A_249 = arith.index_cast %get3A_248 : i32 to index
      %get3A_250 = arith.constant 0 : index
      %get3A_251 = tpu.vector_load %arg12[%get3A_249, %get3A_250] {strides = array<i32>} : memref<16x128xi32, #tpu.memory_space<vmem>>, vector<1x16xi32>,
      %get3A_252 = vector.shape_cast %get3A_251 : vector<1x16xi32> to vector<16xi32>
      %add3A_253 = arith.addi %add3A_247, %get3A_252 : vector<16xi32>
      %get3A_254 = arith.constant 5 : i32
      %get3A_255 = arith.index_cast %get3A_254 : i32 to index
      %get3A_256 = arith.constant 0 : index
      %get3A_257 = tpu.vector_load %arg12[%get3A_255, %get3A_256] {strides = array<i32>} : memref<16x128xi32, #tpu.memory_space<vmem>>, vector<1x16xi32>,
      %get3A_258 = vector.shape_cast %get3A_257 : vector<1x16xi32> to vector<16xi32>
      %add3A_259 = arith.addi %add3A_253, %get3A_258 : vector<16xi32>
      %get3A_260 = arith.constant 6 : i32
      %get3A_261 = arith.index_cast %get3A_260 : i32 to index
      %get3A_262 = arith.constant 0 : index
      %get3A_263 = tpu.vector_load %arg12[%get3A_261, %get3A_262] {strides = array<i32>} : memref<16x128xi32, #tpu.memory_space<vmem>>, vector<1x16xi32>,
      %get3A_264 = vector.shape_cast %get3A_263 : vector<1x16xi32> to vector<16xi32>
      %add3A_265 = arith.addi %add3A_259, %get3A_264 : vector<16xi32>
      %get3A_266 = arith.constant 7 : i32
      %get3A_267 = arith.index_cast %get3A_266 : i32 to index
      %get3A_268 = arith.constant 0 : index
      %get3A_269 = tpu.vector_load %arg12[%get3A_267, %get3A_268] {strides = array<i32>} : memref<16x128xi32, #tpu.memory_space<vmem>>, vector<1x16xi32>,
      %get3A_270 = vector.shape_cast %get3A_269 : vector<1x16xi32> to vector<16xi32>
      %add3A_271 = arith.addi %add3A_265, %get3A_270 : vector<16xi32>
      %get3A_272 = arith.constant 8 : i32
      %get3A_273 = arith.index_cast %get3A_272 : i32 to index
      %get3A_274 = arith.constant 0 : index
      %get3A_275 = tpu.vector_load %arg12[%get3A_273, %get3A_274] {strides = array<i32>} : memref<16x128xi32, #tpu.memory_space<vmem>>, vector<1x16xi32>,
      %get3A_276 = vector.shape_cast %get3A_275 : vector<1x16xi32> to vector<16xi32>
      %add3A_277 = arith.addi %add3A_271, %get3A_276 : vector<16xi32>
      %get3A_278 = arith.constant 9 : i32
      %get3A_279 = arith.index_cast %get3A_278 : i32 to index
      %get3A_280 = arith.constant 0 : index
      %get3A_281 = tpu.vector_load %arg12[%get3A_279, %get3A_280] {strides = array<i32>} : memref<16x128xi32, #tpu.memory_space<vmem>>, vector<1x16xi32>,
      %get3A_282 = vector.shape_cast %get3A_281 : vector<1x16xi32> to vector<16xi32>
      %add3A_283 = arith.addi %add3A_277, %get3A_282 : vector<16xi32>
      %get3A_284 = arith.constant 10 : i32
      %get3A_285 = arith.index_cast %get3A_284 : i32 to index
      %get3A_286 = arith.constant 0 : index
      %get3A_287 = tpu.vector_load %arg12[%get3A_285, %get3A_286] {strides = array<i32>} : memref<16x128xi32, #tpu.memory_space<vmem>>, vector<1x16xi32>,
      %get3A_288 = vector.shape_cast %get3A_287 : vector<1x16xi32> to vector<16xi32>
      %add3A_289 = arith.addi %add3A_283, %get3A_288 : vector<16xi32>
      %get3A_290 = arith.constant 11 : i32
      %get3A_291 = arith.index_cast %get3A_290 : i32 to index
      %get3A_292 = arith.constant 0 : index
      %get3A_293 = tpu.vector_load %arg12[%get3A_291, %get3A_292] {strides = array<i32>} : memref<16x128xi32, #tpu.memory_space<vmem>>, vector<1x16xi32>,
      %get3A_294 = vector.shape_cast %get3A_293 : vector<1x16xi32> to vector<16xi32>
      %add3A_295 = arith.addi %add3A_289, %get3A_294 : vector<16xi32>
      %get3A_296 = arith.constant 12 : i32
      %get3A_297 = arith.index_cast %get3A_296 : i32 to index
      %get3A_298 = arith.constant 0 : index
      %get3A_299 = tpu.vector_load %arg12[%get3A_297, %get3A_298] {strides = array<i32>} : memref<16x128xi32, #tpu.memory_space<vmem>>, vector<1x16xi32>,
      %get3A_300 = vector.shape_cast %get3A_299 : vector<1x16xi32> to vector<16xi32>
      %add3A_301 = arith.addi %add3A_295, %get3A_300 : vector<16xi32>
      %get3A_302 = arith.constant 13 : i32
      %get3A_303 = arith.index_cast %get3A_302 : i32 to index
      %get3A_304 = arith.constant 0 : index
      %get3A_305 = tpu.vector_load %arg12[%get3A_303, %get3A_304] {strides = array<i32>} : memref<16x128xi32, #tpu.memory_space<vmem>>, vector<1x16xi32>,
      %get3A_306 = vector.shape_cast %get3A_305 : vector<1x16xi32> to vector<16xi32>
      %add3A_307 = arith.addi %add3A_301, %get3A_306 : vector<16xi32>
      %get3A_308 = arith.constant 14 : i32
      %get3A_309 = arith.index_cast %get3A_308 : i32 to index
      %get3A_310 = arith.constant 0 : index
      %get3A_311 = tpu.vector_load %arg12[%get3A_309, %get3A_310] {strides = array<i32>} : memref<16x128xi32, #tpu.memory_space<vmem>>, vector<1x16xi32>,
      %get3A_312 = vector.shape_cast %get3A_311 : vector<1x16xi32> to vector<16xi32>
      %add3A_313 = arith.addi %add3A_307, %get3A_312 : vector<16xi32>
      %get3A_314 = arith.constant 15 : i32
      %get3A_315 = arith.index_cast %get3A_314 : i32 to index
      %get3A_316 = arith.constant 0 : index
      %get3A_317 = tpu.vector_load %arg12[%get3A_315, %get3A_316] {strides = array<i32>} : memref<16x128xi32, #tpu.memory_space<vmem>>, vector<1x16xi32>,
      %get3A_318 = vector.shape_cast %get3A_317 : vector<1x16xi32> to vector<16xi32>
      %add3A_319 = arith.addi %add3A_313, %get3A_318 : vector<16xi32>
      %slice3A_320 = vector.extract_strided_slice %add3A_319 {offsets = [0], sizes = [1], strides = [1]} : vector<16xi32> to vector<1xi32>
      %squeeze3A_321 = vector.extract %slice3A_320[0] : i32 from vector<1xi32>
      %slice3A_322 = vector.extract_strided_slice %add3A_319 {offsets = [1], sizes = [1], strides = [1]} : vector<16xi32> to vector<1xi32>
      %squeeze3A_323 = vector.extract %slice3A_322[0] : i32 from vector<1xi32>
      %add3A_324 = arith.addi %squeeze3A_321, %squeeze3A_323 : i32
      %slice3A_325 = vector.extract_strided_slice %add3A_319 {offsets = [2], sizes = [1], strides = [1]} : vector<16xi32> to vector<1xi32>
      %squeeze3A_326 = vector.extract %slice3A_325[0] : i32 from vector<1xi32>
      %add3A_327 = arith.addi %add3A_324, %squeeze3A_326 : i32
      %slice3A_328 = vector.extract_strided_slice %add3A_319 {offsets = [3], sizes = [1], strides = [1]} : vector<16xi32> to vector<1xi32>
      %squeeze3A_329 = vector.extract %slice3A_328[0] : i32 from vector<1xi32>
      %add3A_330 = arith.addi %add3A_327, %squeeze3A_329 : i32
      %slice3A_331 = vector.extract_strided_slice %add3A_319 {offsets = [4], sizes = [1], strides = [1]} : vector<16xi32> to vector<1xi32>
      %squeeze3A_332 = vector.extract %slice3A_331[0] : i32 from vector<1xi32>
      %add3A_333 = arith.addi %add3A_330, %squeeze3A_332 : i32
      %slice3A_334 = vector.extract_strided_slice %add3A_319 {offsets = [5], sizes = [1], strides = [1]} : vector<16xi32> to vector<1xi32>
      %squeeze3A_335 = vector.extract %slice3A_334[0] : i32 from vector<1xi32>
      %add3A_336 = arith.addi %add3A_333, %squeeze3A_335 : i32
      %slice3A_337 = vector.extract_strided_slice %add3A_319 {offsets = [6], sizes = [1], strides = [1]} : vector<16xi32> to vector<1xi32>
      %squeeze3A_338 = vector.extract %slice3A_337[0] : i32 from vector<1xi32>
      %add3A_339 = arith.addi %add3A_336, %squeeze3A_338 : i32
      %slice3A_340 = vector.extract_strided_slice %add3A_319 {offsets = [7], sizes = [1], strides = [1]} : vector<16xi32> to vector<1xi32>
      %squeeze3A_341 = vector.extract %slice3A_340[0] : i32 from vector<1xi32>
      %add3A_342 = arith.addi %add3A_339, %squeeze3A_341 : i32
      %slice3A_343 = vector.extract_strided_slice %add3A_319 {offsets = [8], sizes = [1], strides = [1]} : vector<16xi32> to vector<1xi32>
      %squeeze3A_344 = vector.extract %slice3A_343[0] : i32 from vector<1xi32>
      %add3A_345 = arith.addi %add3A_342, %squeeze3A_344 : i32
      %slice3A_346 = vector.extract_strided_slice %add3A_319 {offsets = [9], sizes = [1], strides = [1]} : vector<16xi32> to vector<1xi32>
      %squeeze3A_347 = vector.extract %slice3A_346[0] : i32 from vector<1xi32>
      %add3A_348 = arith.addi %add3A_345, %squeeze3A_347 : i32
      %slice3A_349 = vector.extract_strided_slice %add3A_319 {offsets = [10], sizes = [1], strides = [1]} : vector<16xi32> to vector<1xi32>
      %squeeze3A_350 = vector.extract %slice3A_349[0] : i32 from vector<1xi32>
      %add3A_351 = arith.addi %add3A_348, %squeeze3A_350 : i32
      %slice3A_352 = vector.extract_strided_slice %add3A_319 {offsets = [11], sizes = [1], strides = [1]} : vector<16xi32> to vector<1xi32>
      %squeeze3A_353 = vector.extract %slice3A_352[0] : i32 from vector<1xi32>
      %add3A_354 = arith.addi %add3A_351, %squeeze3A_353 : i32
      %slice3A_355 = vector.extract_strided_slice %add3A_319 {offsets = [12], sizes = [1], strides = [1]} : vector<16xi32> to vector<1xi32>
      %squeeze3A_356 = vector.extract %slice3A_355[0] : i32 from vector<1xi32>
      %add3A_357 = arith.addi %add3A_354, %squeeze3A_356 : i32
      %slice3A_358 = vector.extract_strided_slice %add3A_319 {offsets = [13], sizes = [1], strides = [1]} : vector<16xi32> to vector<1xi32>
      %squeeze3A_359 = vector.extract %slice3A_358[0] : i32 from vector<1xi32>
      %add3A_360 = arith.addi %add3A_357, %squeeze3A_359 : i32
      %slice3A_361 = vector.extract_strided_slice %add3A_319 {offsets = [14], sizes = [1], strides = [1]} : vector<16xi32> to vector<1xi32>
      %squeeze3A_362 = vector.extract %slice3A_361[0] : i32 from vector<1xi32>
      %add3A_363 = arith.addi %add3A_360, %squeeze3A_362 : i32
      %slice3A_364 = vector.extract_strided_slice %add3A_319 {offsets = [15], sizes = [1], strides = [1]} : vector<16xi32> to vector<1xi32>
      %squeeze3A_365 = vector.extract %slice3A_364[0] : i32 from vector<1xi32>
      %add3A_366 = arith.addi %add3A_363, %squeeze3A_365 : i32
      %ge3A = arith.constant 9896 : i32
      %ge3A_367 = arith.cmpi sge, %add3A_366, %ge3A : i32
      %select_n3A_368 = arith.select %ge3A_367, %add3A_208, %scan3A_186 : i32
      %sub3A_369 = arith.constant 1 : i32
      %sub3A_370 = arith.subi %add3A_208, %sub3A_369 : i32
      %select_n3A_371 = arith.select %ge3A_367, %scan3A_187, %sub3A_370 : i32
      scf.yield %select_n3A_368, %select_n3A_371 : i32, i32
    }
    %scan3A_7 = arith.constant 28 : i32
    %bitcast_convert_type3A = arith.bitcast %scan3A_6#0 : i32 to f32
    %broadcast_in_dim3A = arith.constant 0 : i32
    %broadcast_in_dim3A_8 = vector.broadcast %broadcast_in_dim3A : i32 to vector<16xi32>
    %scan3A_9 = arith.constant 0 : i32
    %scan3A_10 = arith.constant 8 : i32
    %scan3A_11 = arith.addi %scan3A_9, %scan3A_10 : i32
    %scan3A_12 = arith.constant 1 : i32
    %scan3A_13 = scf.for %scan3A_185 = %scan3A_9 to %scan3A_11 step %scan3A_12 iter_args(%scan3A_186 = %broadcast_in_dim3A_8) -> (vector<16xi32>)  : i32 {
      %mul3A_187 = arith.constant 128 : i32
      %mul3A_188 = arith.muli %scan3A_185, %mul3A_187 : i32
      %add3A_189 = arith.constant 0 : i32
      %add3A_190 = arith.addi %mul3A_188, %add3A_189 : i32
      %get3A_191 = arith.index_cast %add3A_190 : i32 to index
      %get3A_192 = tpu.vector_load %arg6[%get3A_191] {strides = array<i32>} : memref<1024xf32, #tpu.memory_space<vmem>>, vector<16xf32>,
      %get3A_193 = vector.shape_cast %get3A_192 : vector<16xf32> to vector<16xf32>
      %add3A_194 = arith.addi %mul3A_0, %add3A_190 : i32
      %add3A_195 = vector.broadcast %add3A_194 : i32 to vector<16xi32>
      %add3A_196 = arith.addi %iota3A, %add3A_195 : vector<16xi32>
      %gt3A = vector.broadcast %bitcast_convert_type3A : f32 to vector<16xf32>
      %gt3A_197 = arith.cmpf ogt, %get3A_193, %gt3A : vector<16xf32>
      %jit3A = arith.constant 1 : i32
      %jit3A_198 = arith.constant 0 : i32
      %broadcast_in_dim3A_199 = vector.broadcast %jit3A : i32 to vector<16xi32>
      %broadcast_in_dim3A_200 = vector.broadcast %jit3A_198 : i32 to vector<16xi32>
      %select_n3A = arith.select %gt3A_197, %broadcast_in_dim3A_199, %broadcast_in_dim3A_200 : vector<16xi1>, vector<16xi32>
      %add3A_201 = arith.addi %scan3A_186, %select_n3A : vector<16xi32>
      %mul3A_202 = arith.constant 128 : i32
      %mul3A_203 = arith.muli %scan3A_185, %mul3A_202 : i32
      %add3A_204 = arith.constant 16 : i32
      %add3A_205 = arith.addi %mul3A_203, %add3A_204 : i32
      %get3A_206 = arith.index_cast %add3A_205 : i32 to index
      %get3A_207 = tpu.vector_load %arg6[%get3A_206] {strides = array<i32>} : memref<1024xf32, #tpu.memory_space<vmem>>, vector<16xf32>,
      %get3A_208 = vector.shape_cast %get3A_207 : vector<16xf32> to vector<16xf32>
      %add3A_209 = arith.addi %mul3A_0, %add3A_205 : i32
      %add3A_210 = vector.broadcast %add3A_209 : i32 to vector<16xi32>
      %add3A_211 = arith.addi %iota3A, %add3A_210 : vector<16xi32>
      %gt3A_212 = vector.broadcast %bitcast_convert_type3A : f32 to vector<16xf32>
      %gt3A_213 = arith.cmpf ogt, %get3A_208, %gt3A_212 : vector<16xf32>
      %jit3A_214 = arith.constant 1 : i32
      %jit3A_215 = arith.constant 0 : i32
      %broadcast_in_dim3A_216 = vector.broadcast %jit3A_214 : i32 to vector<16xi32>
      %broadcast_in_dim3A_217 = vector.broadcast %jit3A_215 : i32 to vector<16xi32>
      %select_n3A_218 = arith.select %gt3A_213, %broadcast_in_dim3A_216, %broadcast_in_dim3A_217 : vector<16xi1>, vector<16xi32>
      %add3A_219 = arith.addi %add3A_201, %select_n3A_218 : vector<16xi32>
      %mul3A_220 = arith.constant 128 : i32
      %mul3A_221 = arith.muli %scan3A_185, %mul3A_220 : i32
      %add3A_222 = arith.constant 32 : i32
      %add3A_223 = arith.addi %mul3A_221, %add3A_222 : i32
      %get3A_224 = arith.index_cast %add3A_223 : i32 to index
      %get3A_225 = tpu.vector_load %arg6[%get3A_224] {strides = array<i32>} : memref<1024xf32, #tpu.memory_space<vmem>>, vector<16xf32>,
      %get3A_226 = vector.shape_cast %get3A_225 : vector<16xf32> to vector<16xf32>
      %add3A_227 = arith.addi %mul3A_0, %add3A_223 : i32
      %add3A_228 = vector.broadcast %add3A_227 : i32 to vector<16xi32>
      %add3A_229 = arith.addi %iota3A, %add3A_228 : vector<16xi32>
      %gt3A_230 = vector.broadcast %bitcast_convert_type3A : f32 to vector<16xf32>
      %gt3A_231 = arith.cmpf ogt, %get3A_226, %gt3A_230 : vector<16xf32>
      %jit3A_232 = arith.constant 1 : i32
      %jit3A_233 = arith.constant 0 : i32
      %broadcast_in_dim3A_234 = vector.broadcast %jit3A_232 : i32 to vector<16xi32>
      %broadcast_in_dim3A_235 = vector.broadcast %jit3A_233 : i32 to vector<16xi32>
      %select_n3A_236 = arith.select %gt3A_231, %broadcast_in_dim3A_234, %broadcast_in_dim3A_235 : vector<16xi1>, vector<16xi32>
      %add3A_237 = arith.addi %add3A_219, %select_n3A_236 : vector<16xi32>
      %mul3A_238 = arith.constant 128 : i32
      %mul3A_239 = arith.muli %scan3A_185, %mul3A_238 : i32
      %add3A_240 = arith.constant 48 : i32
      %add3A_241 = arith.addi %mul3A_239, %add3A_240 : i32
      %get3A_242 = arith.index_cast %add3A_241 : i32 to index
      %get3A_243 = tpu.vector_load %arg6[%get3A_242] {strides = array<i32>} : memref<1024xf32, #tpu.memory_space<vmem>>, vector<16xf32>,
      %get3A_244 = vector.shape_cast %get3A_243 : vector<16xf32> to vector<16xf32>
      %add3A_245 = arith.addi %mul3A_0, %add3A_241 : i32
      %add3A_246 = vector.broadcast %add3A_245 : i32 to vector<16xi32>
      %add3A_247 = arith.addi %iota3A, %add3A_246 : vector<16xi32>
      %gt3A_248 = vector.broadcast %bitcast_convert_type3A : f32 to vector<16xf32>
      %gt3A_249 = arith.cmpf ogt, %get3A_244, %gt3A_248 : vector<16xf32>
      %jit3A_250 = arith.constant 1 : i32
      %jit3A_251 = arith.constant 0 : i32
      %broadcast_in_dim3A_252 = vector.broadcast %jit3A_250 : i32 to vector<16xi32>
      %broadcast_in_dim3A_253 = vector.broadcast %jit3A_251 : i32 to vector<16xi32>
      %select_n3A_254 = arith.select %gt3A_249, %broadcast_in_dim3A_252, %broadcast_in_dim3A_253 : vector<16xi1>, vector<16xi32>
      %add3A_255 = arith.addi %add3A_237, %select_n3A_254 : vector<16xi32>
      %mul3A_256 = arith.constant 128 : i32
      %mul3A_257 = arith.muli %scan3A_185, %mul3A_256 : i32
      %add3A_258 = arith.constant 64 : i32
      %add3A_259 = arith.addi %mul3A_257, %add3A_258 : i32
      %get3A_260 = arith.index_cast %add3A_259 : i32 to index
      %get3A_261 = tpu.vector_load %arg6[%get3A_260] {strides = array<i32>} : memref<1024xf32, #tpu.memory_space<vmem>>, vector<16xf32>,
      %get3A_262 = vector.shape_cast %get3A_261 : vector<16xf32> to vector<16xf32>
      %add3A_263 = arith.addi %mul3A_0, %add3A_259 : i32
      %add3A_264 = vector.broadcast %add3A_263 : i32 to vector<16xi32>
      %add3A_265 = arith.addi %iota3A, %add3A_264 : vector<16xi32>
      %gt3A_266 = vector.broadcast %bitcast_convert_type3A : f32 to vector<16xf32>
      %gt3A_267 = arith.cmpf ogt, %get3A_262, %gt3A_266 : vector<16xf32>
      %jit3A_268 = arith.constant 1 : i32
      %jit3A_269 = arith.constant 0 : i32
      %broadcast_in_dim3A_270 = vector.broadcast %jit3A_268 : i32 to vector<16xi32>
      %broadcast_in_dim3A_271 = vector.broadcast %jit3A_269 : i32 to vector<16xi32>
      %select_n3A_272 = arith.select %gt3A_267, %broadcast_in_dim3A_270, %broadcast_in_dim3A_271 : vector<16xi1>, vector<16xi32>
      %add3A_273 = arith.addi %add3A_255, %select_n3A_272 : vector<16xi32>
      %mul3A_274 = arith.constant 128 : i32
      %mul3A_275 = arith.muli %scan3A_185, %mul3A_274 : i32
      %add3A_276 = arith.constant 80 : i32
      %add3A_277 = arith.addi %mul3A_275, %add3A_276 : i32
      %get3A_278 = arith.index_cast %add3A_277 : i32 to index
      %get3A_279 = tpu.vector_load %arg6[%get3A_278] {strides = array<i32>} : memref<1024xf32, #tpu.memory_space<vmem>>, vector<16xf32>,
      %get3A_280 = vector.shape_cast %get3A_279 : vector<16xf32> to vector<16xf32>
      %add3A_281 = arith.addi %mul3A_0, %add3A_277 : i32
      %add3A_282 = vector.broadcast %add3A_281 : i32 to vector<16xi32>
      %add3A_283 = arith.addi %iota3A, %add3A_282 : vector<16xi32>
      %gt3A_284 = vector.broadcast %bitcast_convert_type3A : f32 to vector<16xf32>
      %gt3A_285 = arith.cmpf ogt, %get3A_280, %gt3A_284 : vector<16xf32>
      %jit3A_286 = arith.constant 1 : i32
      %jit3A_287 = arith.constant 0 : i32
      %broadcast_in_dim3A_288 = vector.broadcast %jit3A_286 : i32 to vector<16xi32>
      %broadcast_in_dim3A_289 = vector.broadcast %jit3A_287 : i32 to vector<16xi32>
      %select_n3A_290 = arith.select %gt3A_285, %broadcast_in_dim3A_288, %broadcast_in_dim3A_289 : vector<16xi1>, vector<16xi32>
      %add3A_291 = arith.addi %add3A_273, %select_n3A_290 : vector<16xi32>
      %mul3A_292 = arith.constant 128 : i32
      %mul3A_293 = arith.muli %scan3A_185, %mul3A_292 : i32
      %add3A_294 = arith.constant 96 : i32
      %add3A_295 = arith.addi %mul3A_293, %add3A_294 : i32
      %get3A_296 = arith.index_cast %add3A_295 : i32 to index
      %get3A_297 = tpu.vector_load %arg6[%get3A_296] {strides = array<i32>} : memref<1024xf32, #tpu.memory_space<vmem>>, vector<16xf32>,
      %get3A_298 = vector.shape_cast %get3A_297 : vector<16xf32> to vector<16xf32>
      %add3A_299 = arith.addi %mul3A_0, %add3A_295 : i32
      %add3A_300 = vector.broadcast %add3A_299 : i32 to vector<16xi32>
      %add3A_301 = arith.addi %iota3A, %add3A_300 : vector<16xi32>
      %gt3A_302 = vector.broadcast %bitcast_convert_type3A : f32 to vector<16xf32>
      %gt3A_303 = arith.cmpf ogt, %get3A_298, %gt3A_302 : vector<16xf32>
      %jit3A_304 = arith.constant 1 : i32
      %jit3A_305 = arith.constant 0 : i32
      %broadcast_in_dim3A_306 = vector.broadcast %jit3A_304 : i32 to vector<16xi32>
      %broadcast_in_dim3A_307 = vector.broadcast %jit3A_305 : i32 to vector<16xi32>
      %select_n3A_308 = arith.select %gt3A_303, %broadcast_in_dim3A_306, %broadcast_in_dim3A_307 : vector<16xi1>, vector<16xi32>
      %add3A_309 = arith.addi %add3A_291, %select_n3A_308 : vector<16xi32>
      %mul3A_310 = arith.constant 128 : i32
      %mul3A_311 = arith.muli %scan3A_185, %mul3A_310 : i32
      %add3A_312 = arith.constant 112 : i32
      %add3A_313 = arith.addi %mul3A_311, %add3A_312 : i32
      %get3A_314 = arith.index_cast %add3A_313 : i32 to index
      %get3A_315 = tpu.vector_load %arg6[%get3A_314] {strides = array<i32>} : memref<1024xf32, #tpu.memory_space<vmem>>, vector<16xf32>,
      %get3A_316 = vector.shape_cast %get3A_315 : vector<16xf32> to vector<16xf32>
      %add3A_317 = arith.addi %mul3A_0, %add3A_313 : i32
      %add3A_318 = vector.broadcast %add3A_317 : i32 to vector<16xi32>
      %add3A_319 = arith.addi %iota3A, %add3A_318 : vector<16xi32>
      %gt3A_320 = vector.broadcast %bitcast_convert_type3A : f32 to vector<16xf32>
      %gt3A_321 = arith.cmpf ogt, %get3A_316, %gt3A_320 : vector<16xf32>
      %jit3A_322 = arith.constant 1 : i32
      %jit3A_323 = arith.constant 0 : i32
      %broadcast_in_dim3A_324 = vector.broadcast %jit3A_322 : i32 to vector<16xi32>
      %broadcast_in_dim3A_325 = vector.broadcast %jit3A_323 : i32 to vector<16xi32>
      %select_n3A_326 = arith.select %gt3A_321, %broadcast_in_dim3A_324, %broadcast_in_dim3A_325 : vector<16xi1>, vector<16xi32>
      %add3A_327 = arith.addi %add3A_309, %select_n3A_326 : vector<16xi32>
      scf.yield %add3A_327 : vector<16xi32>
    }
    %scan3A_14 = arith.constant 8 : i32
    %swap3A = arith.constant 0 : index
    %swap3A_15 = tpu.vector_load %arg11[%swap3A] {strides = array<i32>} : memref<128xi32, #tpu.memory_space<vmem>>, vector<16xi32>,
    %swap3A_16 = vector.shape_cast %swap3A_15 : vector<16xi32> to vector<16xi32>
    %swap3A_17 = vector.shape_cast %scan3A_13 : vector<16xi32> to vector<16xi32>
    tpu.vector_store %arg11[%swap3A], %swap3A_17 {strides = array<i32>} : memref<128xi32, #tpu.memory_space<vmem>>, vector<16xi32>,
    %run_scoped3A = arith.constant 0 : i32
    "tpu.region"() ({
      %run_scoped3A_185 = tpu.sem_alloc : memref<!tpu.dma_semaphore, #tpu.memory_space<semaphore_mem>>
      %dma_start3A = arith.constant 0 : i32
      %dma_start3A_186 = tpu.memref_slice %arg15[%run_scoped3A, %arg1, %dma_start3A] : memref<2x16x128xi32, #tpu.memory_space<vmem_shared>> -> memref<1x1x128xi32, #tpu.memory_space<vmem_shared>>
      %dma_start3A_187 = tpu.memref_squeeze %dma_start3A_186 : memref<1x1x128xi32, #tpu.memory_space<vmem_shared>> -> memref<128xi32, #tpu.memory_space<vmem_shared>>
      %dma_start3A_188 = arith.constant 0 : i32
      %dma_start3A_189 = tpu.memref_slice %arg15[%run_scoped3A, %arg1, %dma_start3A_188] : memref<2x16x128xi32, #tpu.memory_space<vmem_shared>> -> memref<1x1x128xi32, #tpu.memory_space<vmem_shared>>
      %dma_start3A_190 = tpu.memref_squeeze %dma_start3A_189 : memref<1x1x128xi32, #tpu.memory_space<vmem_shared>> -> memref<128xi32, #tpu.memory_space<vmem_shared>>
      tpu.enqueue_dma source(%arg11 : memref<128xi32, #tpu.memory_space<vmem>>) target(%dma_start3A_190 : memref<128xi32, #tpu.memory_space<vmem_shared>>) target_semaphore(%run_scoped3A_185 : memref<!tpu.dma_semaphore, #tpu.memory_space<semaphore_mem>>)
      %dma_wait3A = arith.constant 0 : i32
      %dma_wait3A_191 = tpu.memref_slice %arg15[%run_scoped3A, %arg1, %dma_wait3A] : memref<2x16x128xi32, #tpu.memory_space<vmem_shared>> -> memref<1x1x128xi32, #tpu.memory_space<vmem_shared>>
      %dma_wait3A_192 = tpu.memref_squeeze %dma_wait3A_191 : memref<1x1x128xi32, #tpu.memory_space<vmem_shared>> -> memref<128xi32, #tpu.memory_space<vmem_shared>>
      %dma_wait3A_193 = arith.constant 0 : i32
      %dma_wait3A_194 = tpu.memref_slice %arg15[%run_scoped3A, %arg1, %dma_wait3A_193] : memref<2x16x128xi32, #tpu.memory_space<vmem_shared>> -> memref<1x1x128xi32, #tpu.memory_space<vmem_shared>>
      %dma_wait3A_195 = tpu.memref_squeeze %dma_wait3A_194 : memref<1x1x128xi32, #tpu.memory_space<vmem_shared>> -> memref<128xi32, #tpu.memory_space<vmem_shared>>
      tpu.wait_dma2 semaphore(%run_scoped3A_185 : memref<!tpu.dma_semaphore, #tpu.memory_space<semaphore_mem>>) src(%arg11 : memref<128xi32, #tpu.memory_space<vmem>>) dst(%dma_wait3A_195 : memref<128xi32, #tpu.memory_space<vmem_shared>>)
      tpu.yield
    }) : () -> ()
    %barrier3A_18 = arith.constant 0 : index
    tpu.barrier barrier_id(%barrier3A_18)
    %run_scoped3A_19 = arith.constant 0 : i32
    "tpu.region"() ({
      %run_scoped3A_185 = tpu.sem_alloc : memref<!tpu.dma_semaphore, #tpu.memory_space<semaphore_mem>>
      %dma_start3A = arith.constant 0 : i32
      %dma_start3A_186 = arith.constant 0 : i32
      %dma_start3A_187 = tpu.memref_slice %arg15[%run_scoped3A_19, %dma_start3A, %dma_start3A_186] : memref<2x16x128xi32, #tpu.memory_space<vmem_shared>> -> memref<1x16x128xi32, #tpu.memory_space<vmem_shared>>
      %dma_start3A_188 = tpu.memref_squeeze %dma_start3A_187 : memref<1x16x128xi32, #tpu.memory_space<vmem_shared>> -> memref<16x128xi32, #tpu.memory_space<vmem_shared>>
      %dma_start3A_189 = arith.constant 0 : i32
      %dma_start3A_190 = arith.constant 0 : i32
      %dma_start3A_191 = tpu.memref_slice %arg15[%run_scoped3A_19, %dma_start3A_189, %dma_start3A_190] : memref<2x16x128xi32, #tpu.memory_space<vmem_shared>> -> memref<1x16x128xi32, #tpu.memory_space<vmem_shared>>
      %dma_start3A_192 = tpu.memref_squeeze %dma_start3A_191 : memref<1x16x128xi32, #tpu.memory_space<vmem_shared>> -> memref<16x128xi32, #tpu.memory_space<vmem_shared>>
      tpu.enqueue_dma source(%dma_start3A_192 : memref<16x128xi32, #tpu.memory_space<vmem_shared>>) target(%arg12 : memref<16x128xi32, #tpu.memory_space<vmem>>) target_semaphore(%run_scoped3A_185 : memref<!tpu.dma_semaphore, #tpu.memory_space<semaphore_mem>>)
      %dma_wait3A = arith.constant 0 : i32
      %dma_wait3A_193 = arith.constant 0 : i32
      %dma_wait3A_194 = tpu.memref_slice %arg15[%run_scoped3A_19, %dma_wait3A, %dma_wait3A_193] : memref<2x16x128xi32, #tpu.memory_space<vmem_shared>> -> memref<1x16x128xi32, #tpu.memory_space<vmem_shared>>
      %dma_wait3A_195 = tpu.memref_squeeze %dma_wait3A_194 : memref<1x16x128xi32, #tpu.memory_space<vmem_shared>> -> memref<16x128xi32, #tpu.memory_space<vmem_shared>>
      %dma_wait3A_196 = arith.constant 0 : i32
      %dma_wait3A_197 = arith.constant 0 : i32
      %dma_wait3A_198 = tpu.memref_slice %arg15[%run_scoped3A_19, %dma_wait3A_196, %dma_wait3A_197] : memref<2x16x128xi32, #tpu.memory_space<vmem_shared>> -> memref<1x16x128xi32, #tpu.memory_space<vmem_shared>>
      %dma_wait3A_199 = tpu.memref_squeeze %dma_wait3A_198 : memref<1x16x128xi32, #tpu.memory_space<vmem_shared>> -> memref<16x128xi32, #tpu.memory_space<vmem_shared>>
      tpu.wait_dma2 semaphore(%run_scoped3A_185 : memref<!tpu.dma_semaphore, #tpu.memory_space<semaphore_mem>>) src(%dma_wait3A_199 : memref<16x128xi32, #tpu.memory_space<vmem_shared>>) dst(%arg12 : memref<16x128xi32, #tpu.memory_space<vmem>>)
      tpu.yield
    }) : () -> ()
    %get3A = arith.constant 0 : i32
    %get3A_20 = arith.index_cast %get3A : i32 to index
    %get3A_21 = arith.constant 0 : index
    %get3A_22 = tpu.vector_load %arg12[%get3A_20, %get3A_21] {strides = array<i32>} : memref<16x128xi32, #tpu.memory_space<vmem>>, vector<1x16xi32>,
    %get3A_23 = vector.shape_cast %get3A_22 : vector<1x16xi32> to vector<16xi32>
    %get3A_24 = arith.constant 1 : i32
    %get3A_25 = arith.index_cast %get3A_24 : i32 to index
    %get3A_26 = arith.constant 0 : index
    %get3A_27 = tpu.vector_load %arg12[%get3A_25, %get3A_26] {strides = array<i32>} : memref<16x128xi32, #tpu.memory_space<vmem>>, vector<1x16xi32>,
    %get3A_28 = vector.shape_cast %get3A_27 : vector<1x16xi32> to vector<16xi32>
    %add3A = arith.addi %get3A_23, %get3A_28 : vector<16xi32>
    %get3A_29 = arith.constant 2 : i32
    %get3A_30 = arith.index_cast %get3A_29 : i32 to index
    %get3A_31 = arith.constant 0 : index
    %get3A_32 = tpu.vector_load %arg12[%get3A_30, %get3A_31] {strides = array<i32>} : memref<16x128xi32, #tpu.memory_space<vmem>>, vector<1x16xi32>,
    %get3A_33 = vector.shape_cast %get3A_32 : vector<1x16xi32> to vector<16xi32>
    %add3A_34 = arith.addi %add3A, %get3A_33 : vector<16xi32>
    %get3A_35 = arith.constant 3 : i32
    %get3A_36 = arith.index_cast %get3A_35 : i32 to index
    %get3A_37 = arith.constant 0 : index
    %get3A_38 = tpu.vector_load %arg12[%get3A_36, %get3A_37] {strides = array<i32>} : memref<16x128xi32, #tpu.memory_space<vmem>>, vector<1x16xi32>,
    %get3A_39 = vector.shape_cast %get3A_38 : vector<1x16xi32> to vector<16xi32>
    %add3A_40 = arith.addi %add3A_34, %get3A_39 : vector<16xi32>
    %get3A_41 = arith.constant 4 : i32
    %get3A_42 = arith.index_cast %get3A_41 : i32 to index
    %get3A_43 = arith.constant 0 : index
    %get3A_44 = tpu.vector_load %arg12[%get3A_42, %get3A_43] {strides = array<i32>} : memref<16x128xi32, #tpu.memory_space<vmem>>, vector<1x16xi32>,
    %get3A_45 = vector.shape_cast %get3A_44 : vector<1x16xi32> to vector<16xi32>
    %add3A_46 = arith.addi %add3A_40, %get3A_45 : vector<16xi32>
    %get3A_47 = arith.constant 5 : i32
    %get3A_48 = arith.index_cast %get3A_47 : i32 to index
    %get3A_49 = arith.constant 0 : index
    %get3A_50 = tpu.vector_load %arg12[%get3A_48, %get3A_49] {strides = array<i32>} : memref<16x128xi32, #tpu.memory_space<vmem>>, vector<1x16xi32>,
    %get3A_51 = vector.shape_cast %get3A_50 : vector<1x16xi32> to vector<16xi32>
    %add3A_52 = arith.addi %add3A_46, %get3A_51 : vector<16xi32>
    %get3A_53 = arith.constant 6 : i32
    %get3A_54 = arith.index_cast %get3A_53 : i32 to index
    %get3A_55 = arith.constant 0 : index
    %get3A_56 = tpu.vector_load %arg12[%get3A_54, %get3A_55] {strides = array<i32>} : memref<16x128xi32, #tpu.memory_space<vmem>>, vector<1x16xi32>,
    %get3A_57 = vector.shape_cast %get3A_56 : vector<1x16xi32> to vector<16xi32>
    %add3A_58 = arith.addi %add3A_52, %get3A_57 : vector<16xi32>
    %get3A_59 = arith.constant 7 : i32
    %get3A_60 = arith.index_cast %get3A_59 : i32 to index
    %get3A_61 = arith.constant 0 : index
    %get3A_62 = tpu.vector_load %arg12[%get3A_60, %get3A_61] {strides = array<i32>} : memref<16x128xi32, #tpu.memory_space<vmem>>, vector<1x16xi32>,
    %get3A_63 = vector.shape_cast %get3A_62 : vector<1x16xi32> to vector<16xi32>
    %add3A_64 = arith.addi %add3A_58, %get3A_63 : vector<16xi32>
    %get3A_65 = arith.constant 8 : i32
    %get3A_66 = arith.index_cast %get3A_65 : i32 to index
    %get3A_67 = arith.constant 0 : index
    %get3A_68 = tpu.vector_load %arg12[%get3A_66, %get3A_67] {strides = array<i32>} : memref<16x128xi32, #tpu.memory_space<vmem>>, vector<1x16xi32>,
    %get3A_69 = vector.shape_cast %get3A_68 : vector<1x16xi32> to vector<16xi32>
    %add3A_70 = arith.addi %add3A_64, %get3A_69 : vector<16xi32>
    %get3A_71 = arith.constant 9 : i32
    %get3A_72 = arith.index_cast %get3A_71 : i32 to index
    %get3A_73 = arith.constant 0 : index
    %get3A_74 = tpu.vector_load %arg12[%get3A_72, %get3A_73] {strides = array<i32>} : memref<16x128xi32, #tpu.memory_space<vmem>>, vector<1x16xi32>,
    %get3A_75 = vector.shape_cast %get3A_74 : vector<1x16xi32> to vector<16xi32>
    %add3A_76 = arith.addi %add3A_70, %get3A_75 : vector<16xi32>
    %get3A_77 = arith.constant 10 : i32
    %get3A_78 = arith.index_cast %get3A_77 : i32 to index
    %get3A_79 = arith.constant 0 : index
    %get3A_80 = tpu.vector_load %arg12[%get3A_78, %get3A_79] {strides = array<i32>} : memref<16x128xi32, #tpu.memory_space<vmem>>, vector<1x16xi32>,
    %get3A_81 = vector.shape_cast %get3A_80 : vector<1x16xi32> to vector<16xi32>
    %add3A_82 = arith.addi %add3A_76, %get3A_81 : vector<16xi32>
    %get3A_83 = arith.constant 11 : i32
    %get3A_84 = arith.index_cast %get3A_83 : i32 to index
    %get3A_85 = arith.constant 0 : index
    %get3A_86 = tpu.vector_load %arg12[%get3A_84, %get3A_85] {strides = array<i32>} : memref<16x128xi32, #tpu.memory_space<vmem>>, vector<1x16xi32>,
    %get3A_87 = vector.shape_cast %get3A_86 : vector<1x16xi32> to vector<16xi32>
    %add3A_88 = arith.addi %add3A_82, %get3A_87 : vector<16xi32>
    %get3A_89 = arith.constant 12 : i32
    %get3A_90 = arith.index_cast %get3A_89 : i32 to index
    %get3A_91 = arith.constant 0 : index
    %get3A_92 = tpu.vector_load %arg12[%get3A_90, %get3A_91] {strides = array<i32>} : memref<16x128xi32, #tpu.memory_space<vmem>>, vector<1x16xi32>,
    %get3A_93 = vector.shape_cast %get3A_92 : vector<1x16xi32> to vector<16xi32>
    %add3A_94 = arith.addi %add3A_88, %get3A_93 : vector<16xi32>
    %get3A_95 = arith.constant 13 : i32
    %get3A_96 = arith.index_cast %get3A_95 : i32 to index
    %get3A_97 = arith.constant 0 : index
    %get3A_98 = tpu.vector_load %arg12[%get3A_96, %get3A_97] {strides = array<i32>} : memref<16x128xi32, #tpu.memory_space<vmem>>, vector<1x16xi32>,
    %get3A_99 = vector.shape_cast %get3A_98 : vector<1x16xi32> to vector<16xi32>
    %add3A_100 = arith.addi %add3A_94, %get3A_99 : vector<16xi32>
    %get3A_101 = arith.constant 14 : i32
    %get3A_102 = arith.index_cast %get3A_101 : i32 to index
    %get3A_103 = arith.constant 0 : index
    %get3A_104 = tpu.vector_load %arg12[%get3A_102, %get3A_103] {strides = array<i32>} : memref<16x128xi32, #tpu.memory_space<vmem>>, vector<1x16xi32>,
    %get3A_105 = vector.shape_cast %get3A_104 : vector<1x16xi32> to vector<16xi32>
    %add3A_106 = arith.addi %add3A_100, %get3A_105 : vector<16xi32>
    %get3A_107 = arith.constant 15 : i32
    %get3A_108 = arith.index_cast %get3A_107 : i32 to index
    %get3A_109 = arith.constant 0 : index
    %get3A_110 = tpu.vector_load %arg12[%get3A_108, %get3A_109] {strides = array<i32>} : memref<16x128xi32, #tpu.memory_space<vmem>>, vector<1x16xi32>,
    %get3A_111 = vector.shape_cast %get3A_110 : vector<1x16xi32> to vector<16xi32>
    %add3A_112 = arith.addi %add3A_106, %get3A_111 : vector<16xi32>
    %slice3A = vector.extract_strided_slice %add3A_112 {offsets = [0], sizes = [1], strides = [1]} : vector<16xi32> to vector<1xi32>
    %squeeze3A = vector.extract %slice3A[0] : i32 from vector<1xi32>
    %slice3A_113 = vector.extract_strided_slice %add3A_112 {offsets = [1], sizes = [1], strides = [1]} : vector<16xi32> to vector<1xi32>
    %squeeze3A_114 = vector.extract %slice3A_113[0] : i32 from vector<1xi32>
    %add3A_115 = arith.addi %squeeze3A, %squeeze3A_114 : i32
    %slice3A_116 = vector.extract_strided_slice %add3A_112 {offsets = [2], sizes = [1], strides = [1]} : vector<16xi32> to vector<1xi32>
    %squeeze3A_117 = vector.extract %slice3A_116[0] : i32 from vector<1xi32>
    %add3A_118 = arith.addi %add3A_115, %squeeze3A_117 : i32
    %slice3A_119 = vector.extract_strided_slice %add3A_112 {offsets = [3], sizes = [1], strides = [1]} : vector<16xi32> to vector<1xi32>
    %squeeze3A_120 = vector.extract %slice3A_119[0] : i32 from vector<1xi32>
    %add3A_121 = arith.addi %add3A_118, %squeeze3A_120 : i32
    %slice3A_122 = vector.extract_strided_slice %add3A_112 {offsets = [4], sizes = [1], strides = [1]} : vector<16xi32> to vector<1xi32>
    %squeeze3A_123 = vector.extract %slice3A_122[0] : i32 from vector<1xi32>
    %add3A_124 = arith.addi %add3A_121, %squeeze3A_123 : i32
    %slice3A_125 = vector.extract_strided_slice %add3A_112 {offsets = [5], sizes = [1], strides = [1]} : vector<16xi32> to vector<1xi32>
    %squeeze3A_126 = vector.extract %slice3A_125[0] : i32 from vector<1xi32>
    %add3A_127 = arith.addi %add3A_124, %squeeze3A_126 : i32
    %slice3A_128 = vector.extract_strided_slice %add3A_112 {offsets = [6], sizes = [1], strides = [1]} : vector<16xi32> to vector<1xi32>
    %squeeze3A_129 = vector.extract %slice3A_128[0] : i32 from vector<1xi32>
    %add3A_130 = arith.addi %add3A_127, %squeeze3A_129 : i32
    %slice3A_131 = vector.extract_strided_slice %add3A_112 {offsets = [7], sizes = [1], strides = [1]} : vector<16xi32> to vector<1xi32>
    %squeeze3A_132 = vector.extract %slice3A_131[0] : i32 from vector<1xi32>
    %add3A_133 = arith.addi %add3A_130, %squeeze3A_132 : i32
    %slice3A_134 = vector.extract_strided_slice %add3A_112 {offsets = [8], sizes = [1], strides = [1]} : vector<16xi32> to vector<1xi32>
    %squeeze3A_135 = vector.extract %slice3A_134[0] : i32 from vector<1xi32>
    %add3A_136 = arith.addi %add3A_133, %squeeze3A_135 : i32
    %slice3A_137 = vector.extract_strided_slice %add3A_112 {offsets = [9], sizes = [1], strides = [1]} : vector<16xi32> to vector<1xi32>
    %squeeze3A_138 = vector.extract %slice3A_137[0] : i32 from vector<1xi32>
    %add3A_139 = arith.addi %add3A_136, %squeeze3A_138 : i32
    %slice3A_140 = vector.extract_strided_slice %add3A_112 {offsets = [10], sizes = [1], strides = [1]} : vector<16xi32> to vector<1xi32>
    %squeeze3A_141 = vector.extract %slice3A_140[0] : i32 from vector<1xi32>
    %add3A_142 = arith.addi %add3A_139, %squeeze3A_141 : i32
    %slice3A_143 = vector.extract_strided_slice %add3A_112 {offsets = [11], sizes = [1], strides = [1]} : vector<16xi32> to vector<1xi32>
    %squeeze3A_144 = vector.extract %slice3A_143[0] : i32 from vector<1xi32>
    %add3A_145 = arith.addi %add3A_142, %squeeze3A_144 : i32
    %slice3A_146 = vector.extract_strided_slice %add3A_112 {offsets = [12], sizes = [1], strides = [1]} : vector<16xi32> to vector<1xi32>
    %squeeze3A_147 = vector.extract %slice3A_146[0] : i32 from vector<1xi32>
    %add3A_148 = arith.addi %add3A_145, %squeeze3A_147 : i32
    %slice3A_149 = vector.extract_strided_slice %add3A_112 {offsets = [13], sizes = [1], strides = [1]} : vector<16xi32> to vector<1xi32>
    %squeeze3A_150 = vector.extract %slice3A_149[0] : i32 from vector<1xi32>
    %add3A_151 = arith.addi %add3A_148, %squeeze3A_150 : i32
    %slice3A_152 = vector.extract_strided_slice %add3A_112 {offsets = [14], sizes = [1], strides = [1]} : vector<16xi32> to vector<1xi32>
    %squeeze3A_153 = vector.extract %slice3A_152[0] : i32 from vector<1xi32>
    %add3A_154 = arith.addi %add3A_151, %squeeze3A_153 : i32
    %slice3A_155 = vector.extract_strided_slice %add3A_112 {offsets = [15], sizes = [1], strides = [1]} : vector<16xi32> to vector<1xi32>
    %squeeze3A_156 = vector.extract %slice3A_155[0] : i32 from vector<1xi32>
    %add3A_157 = arith.addi %add3A_154, %squeeze3A_156 : i32
    %sub3A = arith.constant 9896 : i32
    %sub3A_158 = arith.subi %sub3A, %add3A_157 : i32
    %scan3A_159 = arith.constant 0 : i32
    %scan3A_160 = arith.constant 16383 : i32
    %scan3A_161 = arith.constant 0 : i32
    %scan3A_162 = arith.constant 14 : i32
    %scan3A_163 = arith.addi %scan3A_161, %scan3A_162 : i32
    %scan3A_164 = arith.constant 1 : i32
    %scan3A_165:2 = scf.for %scan3A_185 = %scan3A_161 to %scan3A_163 step %scan3A_164 iter_args(%scan3A_186 = %scan3A_159, %scan3A_187 = %scan3A_160) -> (i32, i32)  : i32 {
      %add3A_188 = arith.addi %scan3A_186, %scan3A_187 : i32
      %jit3A = arith.constant 2 : i32
      %div3A = arith.divsi %add3A_188, %jit3A : i32
      %sign3A = arith.constant 0 : i32
      %sign3A_189 = arith.cmpi sgt, %add3A_188, %sign3A : i32
      %sign3A_190 = arith.extui %sign3A_189 : i1 to i32
      %sign3A_191 = arith.constant 0 : i32
      %sign3A_192 = arith.cmpi slt, %add3A_188, %sign3A_191 : i32
      %sign3A_193 = arith.extui %sign3A_192 : i1 to i32
      %sign3A_194 = arith.subi %sign3A_190, %sign3A_193 : i32
      %sign3A_195 = arith.constant 0 : i32
      %sign3A_196 = arith.cmpi sgt, %jit3A, %sign3A_195 : i32
      %sign3A_197 = arith.extui %sign3A_196 : i1 to i32
      %sign3A_198 = arith.constant 0 : i32
      %sign3A_199 = arith.cmpi slt, %jit3A, %sign3A_198 : i32
      %sign3A_200 = arith.extui %sign3A_199 : i1 to i32
      %sign3A_201 = arith.subi %sign3A_197, %sign3A_200 : i32
      %ne3A = arith.cmpi ne, %sign3A_194, %sign3A_201 : i32
      %rem3A = arith.remsi %add3A_188, %jit3A : i32
      %ne3A_202 = arith.constant 0 : i32
      %ne3A_203 = arith.cmpi ne, %rem3A, %ne3A_202 : i32
      %and3A = arith.andi %ne3A, %ne3A_203 : i1
      %sub3A_204 = arith.constant 1 : i32
      %sub3A_205 = arith.subi %div3A, %sub3A_204 : i32
      %select_n3A = arith.select %and3A, %sub3A_205, %div3A : i32
      %add3A_206 = arith.constant 29 : i32
      %add3A_207 = arith.addi %add3A_206, %scan3A_185 : i32
      %broadcast_in_dim3A_208 = arith.constant 0 : i32
      %broadcast_in_dim3A_209 = vector.broadcast %broadcast_in_dim3A_208 : i32 to vector<16xi32>
      %scan3A_210 = arith.constant 0 : i32
      %scan3A_211 = arith.constant 8 : i32
      %scan3A_212 = arith.addi %scan3A_210, %scan3A_211 : i32
      %scan3A_213 = arith.constant 1 : i32
      %scan3A_214 = scf.for %scan3A_369 = %scan3A_210 to %scan3A_212 step %scan3A_213 iter_args(%scan3A_370 = %broadcast_in_dim3A_209) -> (vector<16xi32>)  : i32 {
        %mul3A_371 = arith.constant 128 : i32
        %mul3A_372 = arith.muli %scan3A_369, %mul3A_371 : i32
        %add3A_373 = arith.constant 0 : i32
        %add3A_374 = arith.addi %mul3A_372, %add3A_373 : i32
        %get3A_375 = arith.index_cast %add3A_374 : i32 to index
        %get3A_376 = tpu.vector_load %arg6[%get3A_375] {strides = array<i32>} : memref<1024xf32, #tpu.memory_space<vmem>>, vector<16xf32>,
        %get3A_377 = vector.shape_cast %get3A_376 : vector<16xf32> to vector<16xf32>
        %add3A_378 = arith.addi %mul3A_0, %add3A_374 : i32
        %add3A_379 = vector.broadcast %add3A_378 : i32 to vector<16xi32>
        %add3A_380 = arith.addi %iota3A, %add3A_379 : vector<16xi32>
        %eq3A_381 = vector.broadcast %bitcast_convert_type3A : f32 to vector<16xf32>
        %eq3A_382 = arith.cmpf oeq, %get3A_377, %eq3A_381 : vector<16xf32>
        %le3A = vector.broadcast %select_n3A : i32 to vector<16xi32>
        %le3A_383 = arith.cmpi sle, %add3A_380, %le3A : vector<16xi32>
        %and3A_384 = arith.andi %eq3A_382, %le3A_383 : vector<16xi1>
        %jit3A_385 = arith.constant 1 : i32
        %jit3A_386 = arith.constant 0 : i32
        %broadcast_in_dim3A_387 = vector.broadcast %jit3A_385 : i32 to vector<16xi32>
        %broadcast_in_dim3A_388 = vector.broadcast %jit3A_386 : i32 to vector<16xi32>
        %select_n3A_389 = arith.select %and3A_384, %broadcast_in_dim3A_387, %broadcast_in_dim3A_388 : vector<16xi1>, vector<16xi32>
        %add3A_390 = arith.addi %scan3A_370, %select_n3A_389 : vector<16xi32>
        %mul3A_391 = arith.constant 128 : i32
        %mul3A_392 = arith.muli %scan3A_369, %mul3A_391 : i32
        %add3A_393 = arith.constant 16 : i32
        %add3A_394 = arith.addi %mul3A_392, %add3A_393 : i32
        %get3A_395 = arith.index_cast %add3A_394 : i32 to index
        %get3A_396 = tpu.vector_load %arg6[%get3A_395] {strides = array<i32>} : memref<1024xf32, #tpu.memory_space<vmem>>, vector<16xf32>,
        %get3A_397 = vector.shape_cast %get3A_396 : vector<16xf32> to vector<16xf32>
        %add3A_398 = arith.addi %mul3A_0, %add3A_394 : i32
        %add3A_399 = vector.broadcast %add3A_398 : i32 to vector<16xi32>
        %add3A_400 = arith.addi %iota3A, %add3A_399 : vector<16xi32>
        %eq3A_401 = vector.broadcast %bitcast_convert_type3A : f32 to vector<16xf32>
        %eq3A_402 = arith.cmpf oeq, %get3A_397, %eq3A_401 : vector<16xf32>
        %le3A_403 = vector.broadcast %select_n3A : i32 to vector<16xi32>
        %le3A_404 = arith.cmpi sle, %add3A_400, %le3A_403 : vector<16xi32>
        %and3A_405 = arith.andi %eq3A_402, %le3A_404 : vector<16xi1>
        %jit3A_406 = arith.constant 1 : i32
        %jit3A_407 = arith.constant 0 : i32
        %broadcast_in_dim3A_408 = vector.broadcast %jit3A_406 : i32 to vector<16xi32>
        %broadcast_in_dim3A_409 = vector.broadcast %jit3A_407 : i32 to vector<16xi32>
        %select_n3A_410 = arith.select %and3A_405, %broadcast_in_dim3A_408, %broadcast_in_dim3A_409 : vector<16xi1>, vector<16xi32>
        %add3A_411 = arith.addi %add3A_390, %select_n3A_410 : vector<16xi32>
        %mul3A_412 = arith.constant 128 : i32
        %mul3A_413 = arith.muli %scan3A_369, %mul3A_412 : i32
        %add3A_414 = arith.constant 32 : i32
        %add3A_415 = arith.addi %mul3A_413, %add3A_414 : i32
        %get3A_416 = arith.index_cast %add3A_415 : i32 to index
        %get3A_417 = tpu.vector_load %arg6[%get3A_416] {strides = array<i32>} : memref<1024xf32, #tpu.memory_space<vmem>>, vector<16xf32>,
        %get3A_418 = vector.shape_cast %get3A_417 : vector<16xf32> to vector<16xf32>
        %add3A_419 = arith.addi %mul3A_0, %add3A_415 : i32
        %add3A_420 = vector.broadcast %add3A_419 : i32 to vector<16xi32>
        %add3A_421 = arith.addi %iota3A, %add3A_420 : vector<16xi32>
        %eq3A_422 = vector.broadcast %bitcast_convert_type3A : f32 to vector<16xf32>
        %eq3A_423 = arith.cmpf oeq, %get3A_418, %eq3A_422 : vector<16xf32>
        %le3A_424 = vector.broadcast %select_n3A : i32 to vector<16xi32>
        %le3A_425 = arith.cmpi sle, %add3A_421, %le3A_424 : vector<16xi32>
        %and3A_426 = arith.andi %eq3A_423, %le3A_425 : vector<16xi1>
        %jit3A_427 = arith.constant 1 : i32
        %jit3A_428 = arith.constant 0 : i32
        %broadcast_in_dim3A_429 = vector.broadcast %jit3A_427 : i32 to vector<16xi32>
        %broadcast_in_dim3A_430 = vector.broadcast %jit3A_428 : i32 to vector<16xi32>
        %select_n3A_431 = arith.select %and3A_426, %broadcast_in_dim3A_429, %broadcast_in_dim3A_430 : vector<16xi1>, vector<16xi32>
        %add3A_432 = arith.addi %add3A_411, %select_n3A_431 : vector<16xi32>
        %mul3A_433 = arith.constant 128 : i32
        %mul3A_434 = arith.muli %scan3A_369, %mul3A_433 : i32
        %add3A_435 = arith.constant 48 : i32
        %add3A_436 = arith.addi %mul3A_434, %add3A_435 : i32
        %get3A_437 = arith.index_cast %add3A_436 : i32 to index
        %get3A_438 = tpu.vector_load %arg6[%get3A_437] {strides = array<i32>} : memref<1024xf32, #tpu.memory_space<vmem>>, vector<16xf32>,
        %get3A_439 = vector.shape_cast %get3A_438 : vector<16xf32> to vector<16xf32>
        %add3A_440 = arith.addi %mul3A_0, %add3A_436 : i32
        %add3A_441 = vector.broadcast %add3A_440 : i32 to vector<16xi32>
        %add3A_442 = arith.addi %iota3A, %add3A_441 : vector<16xi32>
        %eq3A_443 = vector.broadcast %bitcast_convert_type3A : f32 to vector<16xf32>
        %eq3A_444 = arith.cmpf oeq, %get3A_439, %eq3A_443 : vector<16xf32>
        %le3A_445 = vector.broadcast %select_n3A : i32 to vector<16xi32>
        %le3A_446 = arith.cmpi sle, %add3A_442, %le3A_445 : vector<16xi32>
        %and3A_447 = arith.andi %eq3A_444, %le3A_446 : vector<16xi1>
        %jit3A_448 = arith.constant 1 : i32
        %jit3A_449 = arith.constant 0 : i32
        %broadcast_in_dim3A_450 = vector.broadcast %jit3A_448 : i32 to vector<16xi32>
        %broadcast_in_dim3A_451 = vector.broadcast %jit3A_449 : i32 to vector<16xi32>
        %select_n3A_452 = arith.select %and3A_447, %broadcast_in_dim3A_450, %broadcast_in_dim3A_451 : vector<16xi1>, vector<16xi32>
        %add3A_453 = arith.addi %add3A_432, %select_n3A_452 : vector<16xi32>
        %mul3A_454 = arith.constant 128 : i32
        %mul3A_455 = arith.muli %scan3A_369, %mul3A_454 : i32
        %add3A_456 = arith.constant 64 : i32
        %add3A_457 = arith.addi %mul3A_455, %add3A_456 : i32
        %get3A_458 = arith.index_cast %add3A_457 : i32 to index
        %get3A_459 = tpu.vector_load %arg6[%get3A_458] {strides = array<i32>} : memref<1024xf32, #tpu.memory_space<vmem>>, vector<16xf32>,
        %get3A_460 = vector.shape_cast %get3A_459 : vector<16xf32> to vector<16xf32>
        %add3A_461 = arith.addi %mul3A_0, %add3A_457 : i32
        %add3A_462 = vector.broadcast %add3A_461 : i32 to vector<16xi32>
        %add3A_463 = arith.addi %iota3A, %add3A_462 : vector<16xi32>
        %eq3A_464 = vector.broadcast %bitcast_convert_type3A : f32 to vector<16xf32>
        %eq3A_465 = arith.cmpf oeq, %get3A_460, %eq3A_464 : vector<16xf32>
        %le3A_466 = vector.broadcast %select_n3A : i32 to vector<16xi32>
        %le3A_467 = arith.cmpi sle, %add3A_463, %le3A_466 : vector<16xi32>
        %and3A_468 = arith.andi %eq3A_465, %le3A_467 : vector<16xi1>
        %jit3A_469 = arith.constant 1 : i32
        %jit3A_470 = arith.constant 0 : i32
        %broadcast_in_dim3A_471 = vector.broadcast %jit3A_469 : i32 to vector<16xi32>
        %broadcast_in_dim3A_472 = vector.broadcast %jit3A_470 : i32 to vector<16xi32>
        %select_n3A_473 = arith.select %and3A_468, %broadcast_in_dim3A_471, %broadcast_in_dim3A_472 : vector<16xi1>, vector<16xi32>
        %add3A_474 = arith.addi %add3A_453, %select_n3A_473 : vector<16xi32>
        %mul3A_475 = arith.constant 128 : i32
        %mul3A_476 = arith.muli %scan3A_369, %mul3A_475 : i32
        %add3A_477 = arith.constant 80 : i32
        %add3A_478 = arith.addi %mul3A_476, %add3A_477 : i32
        %get3A_479 = arith.index_cast %add3A_478 : i32 to index
        %get3A_480 = tpu.vector_load %arg6[%get3A_479] {strides = array<i32>} : memref<1024xf32, #tpu.memory_space<vmem>>, vector<16xf32>,
        %get3A_481 = vector.shape_cast %get3A_480 : vector<16xf32> to vector<16xf32>
        %add3A_482 = arith.addi %mul3A_0, %add3A_478 : i32
        %add3A_483 = vector.broadcast %add3A_482 : i32 to vector<16xi32>
        %add3A_484 = arith.addi %iota3A, %add3A_483 : vector<16xi32>
        %eq3A_485 = vector.broadcast %bitcast_convert_type3A : f32 to vector<16xf32>
        %eq3A_486 = arith.cmpf oeq, %get3A_481, %eq3A_485 : vector<16xf32>
        %le3A_487 = vector.broadcast %select_n3A : i32 to vector<16xi32>
        %le3A_488 = arith.cmpi sle, %add3A_484, %le3A_487 : vector<16xi32>
        %and3A_489 = arith.andi %eq3A_486, %le3A_488 : vector<16xi1>
        %jit3A_490 = arith.constant 1 : i32
        %jit3A_491 = arith.constant 0 : i32
        %broadcast_in_dim3A_492 = vector.broadcast %jit3A_490 : i32 to vector<16xi32>
        %broadcast_in_dim3A_493 = vector.broadcast %jit3A_491 : i32 to vector<16xi32>
        %select_n3A_494 = arith.select %and3A_489, %broadcast_in_dim3A_492, %broadcast_in_dim3A_493 : vector<16xi1>, vector<16xi32>
        %add3A_495 = arith.addi %add3A_474, %select_n3A_494 : vector<16xi32>
        %mul3A_496 = arith.constant 128 : i32
        %mul3A_497 = arith.muli %scan3A_369, %mul3A_496 : i32
        %add3A_498 = arith.constant 96 : i32
        %add3A_499 = arith.addi %mul3A_497, %add3A_498 : i32
        %get3A_500 = arith.index_cast %add3A_499 : i32 to index
        %get3A_501 = tpu.vector_load %arg6[%get3A_500] {strides = array<i32>} : memref<1024xf32, #tpu.memory_space<vmem>>, vector<16xf32>,
        %get3A_502 = vector.shape_cast %get3A_501 : vector<16xf32> to vector<16xf32>
        %add3A_503 = arith.addi %mul3A_0, %add3A_499 : i32
        %add3A_504 = vector.broadcast %add3A_503 : i32 to vector<16xi32>
        %add3A_505 = arith.addi %iota3A, %add3A_504 : vector<16xi32>
        %eq3A_506 = vector.broadcast %bitcast_convert_type3A : f32 to vector<16xf32>
        %eq3A_507 = arith.cmpf oeq, %get3A_502, %eq3A_506 : vector<16xf32>
        %le3A_508 = vector.broadcast %select_n3A : i32 to vector<16xi32>
        %le3A_509 = arith.cmpi sle, %add3A_505, %le3A_508 : vector<16xi32>
        %and3A_510 = arith.andi %eq3A_507, %le3A_509 : vector<16xi1>
        %jit3A_511 = arith.constant 1 : i32
        %jit3A_512 = arith.constant 0 : i32
        %broadcast_in_dim3A_513 = vector.broadcast %jit3A_511 : i32 to vector<16xi32>
        %broadcast_in_dim3A_514 = vector.broadcast %jit3A_512 : i32 to vector<16xi32>
        %select_n3A_515 = arith.select %and3A_510, %broadcast_in_dim3A_513, %broadcast_in_dim3A_514 : vector<16xi1>, vector<16xi32>
        %add3A_516 = arith.addi %add3A_495, %select_n3A_515 : vector<16xi32>
        %mul3A_517 = arith.constant 128 : i32
        %mul3A_518 = arith.muli %scan3A_369, %mul3A_517 : i32
        %add3A_519 = arith.constant 112 : i32
        %add3A_520 = arith.addi %mul3A_518, %add3A_519 : i32
        %get3A_521 = arith.index_cast %add3A_520 : i32 to index
        %get3A_522 = tpu.vector_load %arg6[%get3A_521] {strides = array<i32>} : memref<1024xf32, #tpu.memory_space<vmem>>, vector<16xf32>,
        %get3A_523 = vector.shape_cast %get3A_522 : vector<16xf32> to vector<16xf32>
        %add3A_524 = arith.addi %mul3A_0, %add3A_520 : i32
        %add3A_525 = vector.broadcast %add3A_524 : i32 to vector<16xi32>
        %add3A_526 = arith.addi %iota3A, %add3A_525 : vector<16xi32>
        %eq3A_527 = vector.broadcast %bitcast_convert_type3A : f32 to vector<16xf32>
        %eq3A_528 = arith.cmpf oeq, %get3A_523, %eq3A_527 : vector<16xf32>
        %le3A_529 = vector.broadcast %select_n3A : i32 to vector<16xi32>
        %le3A_530 = arith.cmpi sle, %add3A_526, %le3A_529 : vector<16xi32>
        %and3A_531 = arith.andi %eq3A_528, %le3A_530 : vector<16xi1>
        %jit3A_532 = arith.constant 1 : i32
        %jit3A_533 = arith.constant 0 : i32
        %broadcast_in_dim3A_534 = vector.broadcast %jit3A_532 : i32 to vector<16xi32>
        %broadcast_in_dim3A_535 = vector.broadcast %jit3A_533 : i32 to vector<16xi32>
        %select_n3A_536 = arith.select %and3A_531, %broadcast_in_dim3A_534, %broadcast_in_dim3A_535 : vector<16xi1>, vector<16xi32>
        %add3A_537 = arith.addi %add3A_516, %select_n3A_536 : vector<16xi32>
        scf.yield %add3A_537 : vector<16xi32>
      }
      %scan3A_215 = arith.constant 8 : i32
      %and3A_216 = arith.constant 1 : i32
      %and3A_217 = arith.andi %add3A_207, %and3A_216 : i32
      %swap3A_218 = arith.constant 0 : index
      %swap3A_219 = tpu.vector_load %arg11[%swap3A_218] {strides = array<i32>} : memref<128xi32, #tpu.memory_space<vmem>>, vector<16xi32>,
      %swap3A_220 = vector.shape_cast %swap3A_219 : vector<16xi32> to vector<16xi32>
      %swap3A_221 = vector.shape_cast %scan3A_214 : vector<16xi32> to vector<16xi32>
      tpu.vector_store %arg11[%swap3A_218], %swap3A_221 {strides = array<i32>} : memref<128xi32, #tpu.memory_space<vmem>>, vector<16xi32>,
      "tpu.region"() ({
        %run_scoped3A_369 = tpu.sem_alloc : memref<!tpu.dma_semaphore, #tpu.memory_space<semaphore_mem>>
        %dma_start3A = arith.constant 0 : i32
        %dma_start3A_370 = tpu.memref_slice %arg15[%and3A_217, %arg1, %dma_start3A] : memref<2x16x128xi32, #tpu.memory_space<vmem_shared>> -> memref<1x1x128xi32, #tpu.memory_space<vmem_shared>>
        %dma_start3A_371 = tpu.memref_squeeze %dma_start3A_370 : memref<1x1x128xi32, #tpu.memory_space<vmem_shared>> -> memref<128xi32, #tpu.memory_space<vmem_shared>>
        %dma_start3A_372 = arith.constant 0 : i32
        %dma_start3A_373 = tpu.memref_slice %arg15[%and3A_217, %arg1, %dma_start3A_372] : memref<2x16x128xi32, #tpu.memory_space<vmem_shared>> -> memref<1x1x128xi32, #tpu.memory_space<vmem_shared>>
        %dma_start3A_374 = tpu.memref_squeeze %dma_start3A_373 : memref<1x1x128xi32, #tpu.memory_space<vmem_shared>> -> memref<128xi32, #tpu.memory_space<vmem_shared>>
        tpu.enqueue_dma source(%arg11 : memref<128xi32, #tpu.memory_space<vmem>>) target(%dma_start3A_374 : memref<128xi32, #tpu.memory_space<vmem_shared>>) target_semaphore(%run_scoped3A_369 : memref<!tpu.dma_semaphore, #tpu.memory_space<semaphore_mem>>)
        %dma_wait3A = arith.constant 0 : i32
        %dma_wait3A_375 = tpu.memref_slice %arg15[%and3A_217, %arg1, %dma_wait3A] : memref<2x16x128xi32, #tpu.memory_space<vmem_shared>> -> memref<1x1x128xi32, #tpu.memory_space<vmem_shared>>
        %dma_wait3A_376 = tpu.memref_squeeze %dma_wait3A_375 : memref<1x1x128xi32, #tpu.memory_space<vmem_shared>> -> memref<128xi32, #tpu.memory_space<vmem_shared>>
        %dma_wait3A_377 = arith.constant 0 : i32
        %dma_wait3A_378 = tpu.memref_slice %arg15[%and3A_217, %arg1, %dma_wait3A_377] : memref<2x16x128xi32, #tpu.memory_space<vmem_shared>> -> memref<1x1x128xi32, #tpu.memory_space<vmem_shared>>
        %dma_wait3A_379 = tpu.memref_squeeze %dma_wait3A_378 : memref<1x1x128xi32, #tpu.memory_space<vmem_shared>> -> memref<128xi32, #tpu.memory_space<vmem_shared>>
        tpu.wait_dma2 semaphore(%run_scoped3A_369 : memref<!tpu.dma_semaphore, #tpu.memory_space<semaphore_mem>>) src(%arg11 : memref<128xi32, #tpu.memory_space<vmem>>) dst(%dma_wait3A_379 : memref<128xi32, #tpu.memory_space<vmem_shared>>)
        tpu.yield
      }) : () -> ()
      %barrier3A_222 = arith.constant 0 : index
      tpu.barrier barrier_id(%barrier3A_222)
      "tpu.region"() ({
        %run_scoped3A_369 = tpu.sem_alloc : memref<!tpu.dma_semaphore, #tpu.memory_space<semaphore_mem>>
        %dma_start3A = arith.constant 0 : i32
        %dma_start3A_370 = arith.constant 0 : i32
        %dma_start3A_371 = tpu.memref_slice %arg15[%and3A_217, %dma_start3A, %dma_start3A_370] : memref<2x16x128xi32, #tpu.memory_space<vmem_shared>> -> memref<1x16x128xi32, #tpu.memory_space<vmem_shared>>
        %dma_start3A_372 = tpu.memref_squeeze %dma_start3A_371 : memref<1x16x128xi32, #tpu.memory_space<vmem_shared>> -> memref<16x128xi32, #tpu.memory_space<vmem_shared>>
        %dma_start3A_373 = arith.constant 0 : i32
        %dma_start3A_374 = arith.constant 0 : i32
        %dma_start3A_375 = tpu.memref_slice %arg15[%and3A_217, %dma_start3A_373, %dma_start3A_374] : memref<2x16x128xi32, #tpu.memory_space<vmem_shared>> -> memref<1x16x128xi32, #tpu.memory_space<vmem_shared>>
        %dma_start3A_376 = tpu.memref_squeeze %dma_start3A_375 : memref<1x16x128xi32, #tpu.memory_space<vmem_shared>> -> memref<16x128xi32, #tpu.memory_space<vmem_shared>>
        tpu.enqueue_dma source(%dma_start3A_376 : memref<16x128xi32, #tpu.memory_space<vmem_shared>>) target(%arg12 : memref<16x128xi32, #tpu.memory_space<vmem>>) target_semaphore(%run_scoped3A_369 : memref<!tpu.dma_semaphore, #tpu.memory_space<semaphore_mem>>)
        %dma_wait3A = arith.constant 0 : i32
        %dma_wait3A_377 = arith.constant 0 : i32
        %dma_wait3A_378 = tpu.memref_slice %arg15[%and3A_217, %dma_wait3A, %dma_wait3A_377] : memref<2x16x128xi32, #tpu.memory_space<vmem_shared>> -> memref<1x16x128xi32, #tpu.memory_space<vmem_shared>>
        %dma_wait3A_379 = tpu.memref_squeeze %dma_wait3A_378 : memref<1x16x128xi32, #tpu.memory_space<vmem_shared>> -> memref<16x128xi32, #tpu.memory_space<vmem_shared>>
        %dma_wait3A_380 = arith.constant 0 : i32
        %dma_wait3A_381 = arith.constant 0 : i32
        %dma_wait3A_382 = tpu.memref_slice %arg15[%and3A_217, %dma_wait3A_380, %dma_wait3A_381] : memref<2x16x128xi32, #tpu.memory_space<vmem_shared>> -> memref<1x16x128xi32, #tpu.memory_space<vmem_shared>>
        %dma_wait3A_383 = tpu.memref_squeeze %dma_wait3A_382 : memref<1x16x128xi32, #tpu.memory_space<vmem_shared>> -> memref<16x128xi32, #tpu.memory_space<vmem_shared>>
        tpu.wait_dma2 semaphore(%run_scoped3A_369 : memref<!tpu.dma_semaphore, #tpu.memory_space<semaphore_mem>>) src(%dma_wait3A_383 : memref<16x128xi32, #tpu.memory_space<vmem_shared>>) dst(%arg12 : memref<16x128xi32, #tpu.memory_space<vmem>>)
        tpu.yield
      }) : () -> ()
      %get3A_223 = arith.constant 0 : i32
      %get3A_224 = arith.index_cast %get3A_223 : i32 to index
      %get3A_225 = arith.constant 0 : index
      %get3A_226 = tpu.vector_load %arg12[%get3A_224, %get3A_225] {strides = array<i32>} : memref<16x128xi32, #tpu.memory_space<vmem>>, vector<1x16xi32>,
      %get3A_227 = vector.shape_cast %get3A_226 : vector<1x16xi32> to vector<16xi32>
      %get3A_228 = arith.constant 1 : i32
      %get3A_229 = arith.index_cast %get3A_228 : i32 to index
      %get3A_230 = arith.constant 0 : index
      %get3A_231 = tpu.vector_load %arg12[%get3A_229, %get3A_230] {strides = array<i32>} : memref<16x128xi32, #tpu.memory_space<vmem>>, vector<1x16xi32>,
      %get3A_232 = vector.shape_cast %get3A_231 : vector<1x16xi32> to vector<16xi32>
      %add3A_233 = arith.addi %get3A_227, %get3A_232 : vector<16xi32>
      %get3A_234 = arith.constant 2 : i32
      %get3A_235 = arith.index_cast %get3A_234 : i32 to index
      %get3A_236 = arith.constant 0 : index
      %get3A_237 = tpu.vector_load %arg12[%get3A_235, %get3A_236] {strides = array<i32>} : memref<16x128xi32, #tpu.memory_space<vmem>>, vector<1x16xi32>,
      %get3A_238 = vector.shape_cast %get3A_237 : vector<1x16xi32> to vector<16xi32>
      %add3A_239 = arith.addi %add3A_233, %get3A_238 : vector<16xi32>
      %get3A_240 = arith.constant 3 : i32
      %get3A_241 = arith.index_cast %get3A_240 : i32 to index
      %get3A_242 = arith.constant 0 : index
      %get3A_243 = tpu.vector_load %arg12[%get3A_241, %get3A_242] {strides = array<i32>} : memref<16x128xi32, #tpu.memory_space<vmem>>, vector<1x16xi32>,
      %get3A_244 = vector.shape_cast %get3A_243 : vector<1x16xi32> to vector<16xi32>
      %add3A_245 = arith.addi %add3A_239, %get3A_244 : vector<16xi32>
      %get3A_246 = arith.constant 4 : i32
      %get3A_247 = arith.index_cast %get3A_246 : i32 to index
      %get3A_248 = arith.constant 0 : index
      %get3A_249 = tpu.vector_load %arg12[%get3A_247, %get3A_248] {strides = array<i32>} : memref<16x128xi32, #tpu.memory_space<vmem>>, vector<1x16xi32>,
      %get3A_250 = vector.shape_cast %get3A_249 : vector<1x16xi32> to vector<16xi32>
      %add3A_251 = arith.addi %add3A_245, %get3A_250 : vector<16xi32>
      %get3A_252 = arith.constant 5 : i32
      %get3A_253 = arith.index_cast %get3A_252 : i32 to index
      %get3A_254 = arith.constant 0 : index
      %get3A_255 = tpu.vector_load %arg12[%get3A_253, %get3A_254] {strides = array<i32>} : memref<16x128xi32, #tpu.memory_space<vmem>>, vector<1x16xi32>,
      %get3A_256 = vector.shape_cast %get3A_255 : vector<1x16xi32> to vector<16xi32>
      %add3A_257 = arith.addi %add3A_251, %get3A_256 : vector<16xi32>
      %get3A_258 = arith.constant 6 : i32
      %get3A_259 = arith.index_cast %get3A_258 : i32 to index
      %get3A_260 = arith.constant 0 : index
      %get3A_261 = tpu.vector_load %arg12[%get3A_259, %get3A_260] {strides = array<i32>} : memref<16x128xi32, #tpu.memory_space<vmem>>, vector<1x16xi32>,
      %get3A_262 = vector.shape_cast %get3A_261 : vector<1x16xi32> to vector<16xi32>
      %add3A_263 = arith.addi %add3A_257, %get3A_262 : vector<16xi32>
      %get3A_264 = arith.constant 7 : i32
      %get3A_265 = arith.index_cast %get3A_264 : i32 to index
      %get3A_266 = arith.constant 0 : index
      %get3A_267 = tpu.vector_load %arg12[%get3A_265, %get3A_266] {strides = array<i32>} : memref<16x128xi32, #tpu.memory_space<vmem>>, vector<1x16xi32>,
      %get3A_268 = vector.shape_cast %get3A_267 : vector<1x16xi32> to vector<16xi32>
      %add3A_269 = arith.addi %add3A_263, %get3A_268 : vector<16xi32>
      %get3A_270 = arith.constant 8 : i32
      %get3A_271 = arith.index_cast %get3A_270 : i32 to index
      %get3A_272 = arith.constant 0 : index
      %get3A_273 = tpu.vector_load %arg12[%get3A_271, %get3A_272] {strides = array<i32>} : memref<16x128xi32, #tpu.memory_space<vmem>>, vector<1x16xi32>,
      %get3A_274 = vector.shape_cast %get3A_273 : vector<1x16xi32> to vector<16xi32>
      %add3A_275 = arith.addi %add3A_269, %get3A_274 : vector<16xi32>
      %get3A_276 = arith.constant 9 : i32
      %get3A_277 = arith.index_cast %get3A_276 : i32 to index
      %get3A_278 = arith.constant 0 : index
      %get3A_279 = tpu.vector_load %arg12[%get3A_277, %get3A_278] {strides = array<i32>} : memref<16x128xi32, #tpu.memory_space<vmem>>, vector<1x16xi32>,
      %get3A_280 = vector.shape_cast %get3A_279 : vector<1x16xi32> to vector<16xi32>
      %add3A_281 = arith.addi %add3A_275, %get3A_280 : vector<16xi32>
      %get3A_282 = arith.constant 10 : i32
      %get3A_283 = arith.index_cast %get3A_282 : i32 to index
      %get3A_284 = arith.constant 0 : index
      %get3A_285 = tpu.vector_load %arg12[%get3A_283, %get3A_284] {strides = array<i32>} : memref<16x128xi32, #tpu.memory_space<vmem>>, vector<1x16xi32>,
      %get3A_286 = vector.shape_cast %get3A_285 : vector<1x16xi32> to vector<16xi32>
      %add3A_287 = arith.addi %add3A_281, %get3A_286 : vector<16xi32>
      %get3A_288 = arith.constant 11 : i32
      %get3A_289 = arith.index_cast %get3A_288 : i32 to index
      %get3A_290 = arith.constant 0 : index
      %get3A_291 = tpu.vector_load %arg12[%get3A_289, %get3A_290] {strides = array<i32>} : memref<16x128xi32, #tpu.memory_space<vmem>>, vector<1x16xi32>,
      %get3A_292 = vector.shape_cast %get3A_291 : vector<1x16xi32> to vector<16xi32>
      %add3A_293 = arith.addi %add3A_287, %get3A_292 : vector<16xi32>
      %get3A_294 = arith.constant 12 : i32
      %get3A_295 = arith.index_cast %get3A_294 : i32 to index
      %get3A_296 = arith.constant 0 : index
      %get3A_297 = tpu.vector_load %arg12[%get3A_295, %get3A_296] {strides = array<i32>} : memref<16x128xi32, #tpu.memory_space<vmem>>, vector<1x16xi32>,
      %get3A_298 = vector.shape_cast %get3A_297 : vector<1x16xi32> to vector<16xi32>
      %add3A_299 = arith.addi %add3A_293, %get3A_298 : vector<16xi32>
      %get3A_300 = arith.constant 13 : i32
      %get3A_301 = arith.index_cast %get3A_300 : i32 to index
      %get3A_302 = arith.constant 0 : index
      %get3A_303 = tpu.vector_load %arg12[%get3A_301, %get3A_302] {strides = array<i32>} : memref<16x128xi32, #tpu.memory_space<vmem>>, vector<1x16xi32>,
      %get3A_304 = vector.shape_cast %get3A_303 : vector<1x16xi32> to vector<16xi32>
      %add3A_305 = arith.addi %add3A_299, %get3A_304 : vector<16xi32>
      %get3A_306 = arith.constant 14 : i32
      %get3A_307 = arith.index_cast %get3A_306 : i32 to index
      %get3A_308 = arith.constant 0 : index
      %get3A_309 = tpu.vector_load %arg12[%get3A_307, %get3A_308] {strides = array<i32>} : memref<16x128xi32, #tpu.memory_space<vmem>>, vector<1x16xi32>,
      %get3A_310 = vector.shape_cast %get3A_309 : vector<1x16xi32> to vector<16xi32>
      %add3A_311 = arith.addi %add3A_305, %get3A_310 : vector<16xi32>
      %get3A_312 = arith.constant 15 : i32
      %get3A_313 = arith.index_cast %get3A_312 : i32 to index
      %get3A_314 = arith.constant 0 : index
      %get3A_315 = tpu.vector_load %arg12[%get3A_313, %get3A_314] {strides = array<i32>} : memref<16x128xi32, #tpu.memory_space<vmem>>, vector<1x16xi32>,
      %get3A_316 = vector.shape_cast %get3A_315 : vector<1x16xi32> to vector<16xi32>
      %add3A_317 = arith.addi %add3A_311, %get3A_316 : vector<16xi32>
      %slice3A_318 = vector.extract_strided_slice %add3A_317 {offsets = [0], sizes = [1], strides = [1]} : vector<16xi32> to vector<1xi32>
      %squeeze3A_319 = vector.extract %slice3A_318[0] : i32 from vector<1xi32>
      %slice3A_320 = vector.extract_strided_slice %add3A_317 {offsets = [1], sizes = [1], strides = [1]} : vector<16xi32> to vector<1xi32>
      %squeeze3A_321 = vector.extract %slice3A_320[0] : i32 from vector<1xi32>
      %add3A_322 = arith.addi %squeeze3A_319, %squeeze3A_321 : i32
      %slice3A_323 = vector.extract_strided_slice %add3A_317 {offsets = [2], sizes = [1], strides = [1]} : vector<16xi32> to vector<1xi32>
      %squeeze3A_324 = vector.extract %slice3A_323[0] : i32 from vector<1xi32>
      %add3A_325 = arith.addi %add3A_322, %squeeze3A_324 : i32
      %slice3A_326 = vector.extract_strided_slice %add3A_317 {offsets = [3], sizes = [1], strides = [1]} : vector<16xi32> to vector<1xi32>
      %squeeze3A_327 = vector.extract %slice3A_326[0] : i32 from vector<1xi32>
      %add3A_328 = arith.addi %add3A_325, %squeeze3A_327 : i32
      %slice3A_329 = vector.extract_strided_slice %add3A_317 {offsets = [4], sizes = [1], strides = [1]} : vector<16xi32> to vector<1xi32>
      %squeeze3A_330 = vector.extract %slice3A_329[0] : i32 from vector<1xi32>
      %add3A_331 = arith.addi %add3A_328, %squeeze3A_330 : i32
      %slice3A_332 = vector.extract_strided_slice %add3A_317 {offsets = [5], sizes = [1], strides = [1]} : vector<16xi32> to vector<1xi32>
      %squeeze3A_333 = vector.extract %slice3A_332[0] : i32 from vector<1xi32>
      %add3A_334 = arith.addi %add3A_331, %squeeze3A_333 : i32
      %slice3A_335 = vector.extract_strided_slice %add3A_317 {offsets = [6], sizes = [1], strides = [1]} : vector<16xi32> to vector<1xi32>
      %squeeze3A_336 = vector.extract %slice3A_335[0] : i32 from vector<1xi32>
      %add3A_337 = arith.addi %add3A_334, %squeeze3A_336 : i32
      %slice3A_338 = vector.extract_strided_slice %add3A_317 {offsets = [7], sizes = [1], strides = [1]} : vector<16xi32> to vector<1xi32>
      %squeeze3A_339 = vector.extract %slice3A_338[0] : i32 from vector<1xi32>
      %add3A_340 = arith.addi %add3A_337, %squeeze3A_339 : i32
      %slice3A_341 = vector.extract_strided_slice %add3A_317 {offsets = [8], sizes = [1], strides = [1]} : vector<16xi32> to vector<1xi32>
      %squeeze3A_342 = vector.extract %slice3A_341[0] : i32 from vector<1xi32>
      %add3A_343 = arith.addi %add3A_340, %squeeze3A_342 : i32
      %slice3A_344 = vector.extract_strided_slice %add3A_317 {offsets = [9], sizes = [1], strides = [1]} : vector<16xi32> to vector<1xi32>
      %squeeze3A_345 = vector.extract %slice3A_344[0] : i32 from vector<1xi32>
      %add3A_346 = arith.addi %add3A_343, %squeeze3A_345 : i32
      %slice3A_347 = vector.extract_strided_slice %add3A_317 {offsets = [10], sizes = [1], strides = [1]} : vector<16xi32> to vector<1xi32>
      %squeeze3A_348 = vector.extract %slice3A_347[0] : i32 from vector<1xi32>
      %add3A_349 = arith.addi %add3A_346, %squeeze3A_348 : i32
      %slice3A_350 = vector.extract_strided_slice %add3A_317 {offsets = [11], sizes = [1], strides = [1]} : vector<16xi32> to vector<1xi32>
      %squeeze3A_351 = vector.extract %slice3A_350[0] : i32 from vector<1xi32>
      %add3A_352 = arith.addi %add3A_349, %squeeze3A_351 : i32
      %slice3A_353 = vector.extract_strided_slice %add3A_317 {offsets = [12], sizes = [1], strides = [1]} : vector<16xi32> to vector<1xi32>
      %squeeze3A_354 = vector.extract %slice3A_353[0] : i32 from vector<1xi32>
      %add3A_355 = arith.addi %add3A_352, %squeeze3A_354 : i32
      %slice3A_356 = vector.extract_strided_slice %add3A_317 {offsets = [13], sizes = [1], strides = [1]} : vector<16xi32> to vector<1xi32>
      %squeeze3A_357 = vector.extract %slice3A_356[0] : i32 from vector<1xi32>
      %add3A_358 = arith.addi %add3A_355, %squeeze3A_357 : i32
      %slice3A_359 = vector.extract_strided_slice %add3A_317 {offsets = [14], sizes = [1], strides = [1]} : vector<16xi32> to vector<1xi32>
      %squeeze3A_360 = vector.extract %slice3A_359[0] : i32 from vector<1xi32>
      %add3A_361 = arith.addi %add3A_358, %squeeze3A_360 : i32
      %slice3A_362 = vector.extract_strided_slice %add3A_317 {offsets = [15], sizes = [1], strides = [1]} : vector<16xi32> to vector<1xi32>
      %squeeze3A_363 = vector.extract %slice3A_362[0] : i32 from vector<1xi32>
      %add3A_364 = arith.addi %add3A_361, %squeeze3A_363 : i32
      %ge3A = arith.cmpi sge, %add3A_364, %sub3A_158 : i32
      %add3A_365 = arith.constant 1 : i32
      %add3A_366 = arith.addi %select_n3A, %add3A_365 : i32
      %select_n3A_367 = arith.select %ge3A, %scan3A_186, %add3A_366 : i32
      %select_n3A_368 = arith.select %ge3A, %select_n3A, %scan3A_187 : i32
      scf.yield %select_n3A_367, %select_n3A_368 : i32, i32
    }
    %scan3A_166 = arith.constant 14 : i32
    %broadcast_in_dim3A_167 = arith.constant 0.000000e+00 : f32
    %broadcast_in_dim3A_168 = vector.broadcast %broadcast_in_dim3A_167 : f32 to vector<16xf32>
    %broadcast_in_dim3A_169 = arith.constant 0.000000e+00 : f32
    %broadcast_in_dim3A_170 = vector.broadcast %broadcast_in_dim3A_169 : f32 to vector<16xf32>
    %scan3A_171 = arith.constant 0 : i32
    %scan3A_172 = arith.constant 8 : i32
    %scan3A_173 = arith.addi %scan3A_171, %scan3A_172 : i32
    %scan3A_174 = arith.constant 1 : i32
    %scan3A_175:2 = scf.for %scan3A_185 = %scan3A_171 to %scan3A_173 step %scan3A_174 iter_args(%scan3A_186 = %broadcast_in_dim3A_168, %scan3A_187 = %broadcast_in_dim3A_170) -> (vector<16xf32>, vector<16xf32>)  : i32 {
      %mul3A_188 = arith.constant 128 : i32
      %mul3A_189 = arith.muli %scan3A_185, %mul3A_188 : i32
      %add3A_190 = arith.constant 0 : i32
      %add3A_191 = arith.addi %mul3A_189, %add3A_190 : i32
      %get3A_192 = arith.index_cast %add3A_191 : i32 to index
      %get3A_193 = tpu.vector_load %arg6[%get3A_192] {strides = array<i32>} : memref<1024xf32, #tpu.memory_space<vmem>>, vector<16xf32>,
      %get3A_194 = vector.shape_cast %get3A_193 : vector<16xf32> to vector<16xf32>
      %add3A_195 = arith.addi %mul3A_0, %add3A_191 : i32
      %add3A_196 = vector.broadcast %add3A_195 : i32 to vector<16xi32>
      %add3A_197 = arith.addi %iota3A, %add3A_196 : vector<16xi32>
      %gt3A = vector.broadcast %bitcast_convert_type3A : f32 to vector<16xf32>
      %gt3A_198 = arith.cmpf ogt, %get3A_194, %gt3A : vector<16xf32>
      %eq3A_199 = vector.broadcast %bitcast_convert_type3A : f32 to vector<16xf32>
      %eq3A_200 = arith.cmpf oeq, %get3A_194, %eq3A_199 : vector<16xf32>
      %le3A = vector.broadcast %scan3A_165#0 : i32 to vector<16xi32>
      %le3A_201 = arith.cmpi sle, %add3A_197, %le3A : vector<16xi32>
      %and3A = arith.andi %eq3A_200, %le3A_201 : vector<16xi1>
      %or3A = arith.ori %gt3A_198, %and3A : vector<16xi1>
      %get3A_202 = arith.index_cast %add3A_191 : i32 to index
      %get3A_203 = tpu.vector_load %arg7[%get3A_202] {strides = array<i32>} : memref<1024xf32, #tpu.memory_space<vmem>>, vector<16xf32>,
      %get3A_204 = vector.shape_cast %get3A_203 : vector<16xf32> to vector<16xf32>
      %jit3A = arith.constant 0.000000e+00 : f32
      %broadcast_in_dim3A_205 = vector.broadcast %jit3A : f32 to vector<16xf32>
      %select_n3A = arith.select %or3A, %get3A_204, %broadcast_in_dim3A_205 : vector<16xi1>, vector<16xf32>
      %add3A_206 = arith.addf %scan3A_186, %select_n3A : vector<16xf32>
      %get3A_207 = arith.index_cast %add3A_191 : i32 to index
      %get3A_208 = tpu.vector_load %arg8[%get3A_207] {strides = array<i32>} : memref<1024xf32, #tpu.memory_space<vmem>>, vector<16xf32>,
      %get3A_209 = vector.shape_cast %get3A_208 : vector<16xf32> to vector<16xf32>
      %add3A_210 = arith.addf %scan3A_187, %get3A_209 : vector<16xf32>
      %mul3A_211 = arith.constant 128 : i32
      %mul3A_212 = arith.muli %scan3A_185, %mul3A_211 : i32
      %add3A_213 = arith.constant 16 : i32
      %add3A_214 = arith.addi %mul3A_212, %add3A_213 : i32
      %get3A_215 = arith.index_cast %add3A_214 : i32 to index
      %get3A_216 = tpu.vector_load %arg6[%get3A_215] {strides = array<i32>} : memref<1024xf32, #tpu.memory_space<vmem>>, vector<16xf32>,
      %get3A_217 = vector.shape_cast %get3A_216 : vector<16xf32> to vector<16xf32>
      %add3A_218 = arith.addi %mul3A_0, %add3A_214 : i32
      %add3A_219 = vector.broadcast %add3A_218 : i32 to vector<16xi32>
      %add3A_220 = arith.addi %iota3A, %add3A_219 : vector<16xi32>
      %gt3A_221 = vector.broadcast %bitcast_convert_type3A : f32 to vector<16xf32>
      %gt3A_222 = arith.cmpf ogt, %get3A_217, %gt3A_221 : vector<16xf32>
      %eq3A_223 = vector.broadcast %bitcast_convert_type3A : f32 to vector<16xf32>
      %eq3A_224 = arith.cmpf oeq, %get3A_217, %eq3A_223 : vector<16xf32>
      %le3A_225 = vector.broadcast %scan3A_165#0 : i32 to vector<16xi32>
      %le3A_226 = arith.cmpi sle, %add3A_220, %le3A_225 : vector<16xi32>
      %and3A_227 = arith.andi %eq3A_224, %le3A_226 : vector<16xi1>
      %or3A_228 = arith.ori %gt3A_222, %and3A_227 : vector<16xi1>
      %get3A_229 = arith.index_cast %add3A_214 : i32 to index
      %get3A_230 = tpu.vector_load %arg7[%get3A_229] {strides = array<i32>} : memref<1024xf32, #tpu.memory_space<vmem>>, vector<16xf32>,
      %get3A_231 = vector.shape_cast %get3A_230 : vector<16xf32> to vector<16xf32>
      %jit3A_232 = arith.constant 0.000000e+00 : f32
      %broadcast_in_dim3A_233 = vector.broadcast %jit3A_232 : f32 to vector<16xf32>
      %select_n3A_234 = arith.select %or3A_228, %get3A_231, %broadcast_in_dim3A_233 : vector<16xi1>, vector<16xf32>
      %add3A_235 = arith.addf %add3A_206, %select_n3A_234 : vector<16xf32>
      %get3A_236 = arith.index_cast %add3A_214 : i32 to index
      %get3A_237 = tpu.vector_load %arg8[%get3A_236] {strides = array<i32>} : memref<1024xf32, #tpu.memory_space<vmem>>, vector<16xf32>,
      %get3A_238 = vector.shape_cast %get3A_237 : vector<16xf32> to vector<16xf32>
      %add3A_239 = arith.addf %add3A_210, %get3A_238 : vector<16xf32>
      %mul3A_240 = arith.constant 128 : i32
      %mul3A_241 = arith.muli %scan3A_185, %mul3A_240 : i32
      %add3A_242 = arith.constant 32 : i32
      %add3A_243 = arith.addi %mul3A_241, %add3A_242 : i32
      %get3A_244 = arith.index_cast %add3A_243 : i32 to index
      %get3A_245 = tpu.vector_load %arg6[%get3A_244] {strides = array<i32>} : memref<1024xf32, #tpu.memory_space<vmem>>, vector<16xf32>,
      %get3A_246 = vector.shape_cast %get3A_245 : vector<16xf32> to vector<16xf32>
      %add3A_247 = arith.addi %mul3A_0, %add3A_243 : i32
      %add3A_248 = vector.broadcast %add3A_247 : i32 to vector<16xi32>
      %add3A_249 = arith.addi %iota3A, %add3A_248 : vector<16xi32>
      %gt3A_250 = vector.broadcast %bitcast_convert_type3A : f32 to vector<16xf32>
      %gt3A_251 = arith.cmpf ogt, %get3A_246, %gt3A_250 : vector<16xf32>
      %eq3A_252 = vector.broadcast %bitcast_convert_type3A : f32 to vector<16xf32>
      %eq3A_253 = arith.cmpf oeq, %get3A_246, %eq3A_252 : vector<16xf32>
      %le3A_254 = vector.broadcast %scan3A_165#0 : i32 to vector<16xi32>
      %le3A_255 = arith.cmpi sle, %add3A_249, %le3A_254 : vector<16xi32>
      %and3A_256 = arith.andi %eq3A_253, %le3A_255 : vector<16xi1>
      %or3A_257 = arith.ori %gt3A_251, %and3A_256 : vector<16xi1>
      %get3A_258 = arith.index_cast %add3A_243 : i32 to index
      %get3A_259 = tpu.vector_load %arg7[%get3A_258] {strides = array<i32>} : memref<1024xf32, #tpu.memory_space<vmem>>, vector<16xf32>,
      %get3A_260 = vector.shape_cast %get3A_259 : vector<16xf32> to vector<16xf32>
      %jit3A_261 = arith.constant 0.000000e+00 : f32
      %broadcast_in_dim3A_262 = vector.broadcast %jit3A_261 : f32 to vector<16xf32>
      %select_n3A_263 = arith.select %or3A_257, %get3A_260, %broadcast_in_dim3A_262 : vector<16xi1>, vector<16xf32>
      %add3A_264 = arith.addf %add3A_235, %select_n3A_263 : vector<16xf32>
      %get3A_265 = arith.index_cast %add3A_243 : i32 to index
      %get3A_266 = tpu.vector_load %arg8[%get3A_265] {strides = array<i32>} : memref<1024xf32, #tpu.memory_space<vmem>>, vector<16xf32>,
      %get3A_267 = vector.shape_cast %get3A_266 : vector<16xf32> to vector<16xf32>
      %add3A_268 = arith.addf %add3A_239, %get3A_267 : vector<16xf32>
      %mul3A_269 = arith.constant 128 : i32
      %mul3A_270 = arith.muli %scan3A_185, %mul3A_269 : i32
      %add3A_271 = arith.constant 48 : i32
      %add3A_272 = arith.addi %mul3A_270, %add3A_271 : i32
      %get3A_273 = arith.index_cast %add3A_272 : i32 to index
      %get3A_274 = tpu.vector_load %arg6[%get3A_273] {strides = array<i32>} : memref<1024xf32, #tpu.memory_space<vmem>>, vector<16xf32>,
      %get3A_275 = vector.shape_cast %get3A_274 : vector<16xf32> to vector<16xf32>
      %add3A_276 = arith.addi %mul3A_0, %add3A_272 : i32
      %add3A_277 = vector.broadcast %add3A_276 : i32 to vector<16xi32>
      %add3A_278 = arith.addi %iota3A, %add3A_277 : vector<16xi32>
      %gt3A_279 = vector.broadcast %bitcast_convert_type3A : f32 to vector<16xf32>
      %gt3A_280 = arith.cmpf ogt, %get3A_275, %gt3A_279 : vector<16xf32>
      %eq3A_281 = vector.broadcast %bitcast_convert_type3A : f32 to vector<16xf32>
      %eq3A_282 = arith.cmpf oeq, %get3A_275, %eq3A_281 : vector<16xf32>
      %le3A_283 = vector.broadcast %scan3A_165#0 : i32 to vector<16xi32>
      %le3A_284 = arith.cmpi sle, %add3A_278, %le3A_283 : vector<16xi32>
      %and3A_285 = arith.andi %eq3A_282, %le3A_284 : vector<16xi1>
      %or3A_286 = arith.ori %gt3A_280, %and3A_285 : vector<16xi1>
      %get3A_287 = arith.index_cast %add3A_272 : i32 to index
      %get3A_288 = tpu.vector_load %arg7[%get3A_287] {strides = array<i32>} : memref<1024xf32, #tpu.memory_space<vmem>>, vector<16xf32>,
      %get3A_289 = vector.shape_cast %get3A_288 : vector<16xf32> to vector<16xf32>
      %jit3A_290 = arith.constant 0.000000e+00 : f32
      %broadcast_in_dim3A_291 = vector.broadcast %jit3A_290 : f32 to vector<16xf32>
      %select_n3A_292 = arith.select %or3A_286, %get3A_289, %broadcast_in_dim3A_291 : vector<16xi1>, vector<16xf32>
      %add3A_293 = arith.addf %add3A_264, %select_n3A_292 : vector<16xf32>
      %get3A_294 = arith.index_cast %add3A_272 : i32 to index
      %get3A_295 = tpu.vector_load %arg8[%get3A_294] {strides = array<i32>} : memref<1024xf32, #tpu.memory_space<vmem>>, vector<16xf32>,
      %get3A_296 = vector.shape_cast %get3A_295 : vector<16xf32> to vector<16xf32>
      %add3A_297 = arith.addf %add3A_268, %get3A_296 : vector<16xf32>
      %mul3A_298 = arith.constant 128 : i32
      %mul3A_299 = arith.muli %scan3A_185, %mul3A_298 : i32
      %add3A_300 = arith.constant 64 : i32
      %add3A_301 = arith.addi %mul3A_299, %add3A_300 : i32
      %get3A_302 = arith.index_cast %add3A_301 : i32 to index
      %get3A_303 = tpu.vector_load %arg6[%get3A_302] {strides = array<i32>} : memref<1024xf32, #tpu.memory_space<vmem>>, vector<16xf32>,
      %get3A_304 = vector.shape_cast %get3A_303 : vector<16xf32> to vector<16xf32>
      %add3A_305 = arith.addi %mul3A_0, %add3A_301 : i32
      %add3A_306 = vector.broadcast %add3A_305 : i32 to vector<16xi32>
      %add3A_307 = arith.addi %iota3A, %add3A_306 : vector<16xi32>
      %gt3A_308 = vector.broadcast %bitcast_convert_type3A : f32 to vector<16xf32>
      %gt3A_309 = arith.cmpf ogt, %get3A_304, %gt3A_308 : vector<16xf32>
      %eq3A_310 = vector.broadcast %bitcast_convert_type3A : f32 to vector<16xf32>
      %eq3A_311 = arith.cmpf oeq, %get3A_304, %eq3A_310 : vector<16xf32>
      %le3A_312 = vector.broadcast %scan3A_165#0 : i32 to vector<16xi32>
      %le3A_313 = arith.cmpi sle, %add3A_307, %le3A_312 : vector<16xi32>
      %and3A_314 = arith.andi %eq3A_311, %le3A_313 : vector<16xi1>
      %or3A_315 = arith.ori %gt3A_309, %and3A_314 : vector<16xi1>
      %get3A_316 = arith.index_cast %add3A_301 : i32 to index
      %get3A_317 = tpu.vector_load %arg7[%get3A_316] {strides = array<i32>} : memref<1024xf32, #tpu.memory_space<vmem>>, vector<16xf32>,
      %get3A_318 = vector.shape_cast %get3A_317 : vector<16xf32> to vector<16xf32>
      %jit3A_319 = arith.constant 0.000000e+00 : f32
      %broadcast_in_dim3A_320 = vector.broadcast %jit3A_319 : f32 to vector<16xf32>
      %select_n3A_321 = arith.select %or3A_315, %get3A_318, %broadcast_in_dim3A_320 : vector<16xi1>, vector<16xf32>
      %add3A_322 = arith.addf %add3A_293, %select_n3A_321 : vector<16xf32>
      %get3A_323 = arith.index_cast %add3A_301 : i32 to index
      %get3A_324 = tpu.vector_load %arg8[%get3A_323] {strides = array<i32>} : memref<1024xf32, #tpu.memory_space<vmem>>, vector<16xf32>,
      %get3A_325 = vector.shape_cast %get3A_324 : vector<16xf32> to vector<16xf32>
      %add3A_326 = arith.addf %add3A_297, %get3A_325 : vector<16xf32>
      %mul3A_327 = arith.constant 128 : i32
      %mul3A_328 = arith.muli %scan3A_185, %mul3A_327 : i32
      %add3A_329 = arith.constant 80 : i32
      %add3A_330 = arith.addi %mul3A_328, %add3A_329 : i32
      %get3A_331 = arith.index_cast %add3A_330 : i32 to index
      %get3A_332 = tpu.vector_load %arg6[%get3A_331] {strides = array<i32>} : memref<1024xf32, #tpu.memory_space<vmem>>, vector<16xf32>,
      %get3A_333 = vector.shape_cast %get3A_332 : vector<16xf32> to vector<16xf32>
      %add3A_334 = arith.addi %mul3A_0, %add3A_330 : i32
      %add3A_335 = vector.broadcast %add3A_334 : i32 to vector<16xi32>
      %add3A_336 = arith.addi %iota3A, %add3A_335 : vector<16xi32>
      %gt3A_337 = vector.broadcast %bitcast_convert_type3A : f32 to vector<16xf32>
      %gt3A_338 = arith.cmpf ogt, %get3A_333, %gt3A_337 : vector<16xf32>
      %eq3A_339 = vector.broadcast %bitcast_convert_type3A : f32 to vector<16xf32>
      %eq3A_340 = arith.cmpf oeq, %get3A_333, %eq3A_339 : vector<16xf32>
      %le3A_341 = vector.broadcast %scan3A_165#0 : i32 to vector<16xi32>
      %le3A_342 = arith.cmpi sle, %add3A_336, %le3A_341 : vector<16xi32>
      %and3A_343 = arith.andi %eq3A_340, %le3A_342 : vector<16xi1>
      %or3A_344 = arith.ori %gt3A_338, %and3A_343 : vector<16xi1>
      %get3A_345 = arith.index_cast %add3A_330 : i32 to index
      %get3A_346 = tpu.vector_load %arg7[%get3A_345] {strides = array<i32>} : memref<1024xf32, #tpu.memory_space<vmem>>, vector<16xf32>,
      %get3A_347 = vector.shape_cast %get3A_346 : vector<16xf32> to vector<16xf32>
      %jit3A_348 = arith.constant 0.000000e+00 : f32
      %broadcast_in_dim3A_349 = vector.broadcast %jit3A_348 : f32 to vector<16xf32>
      %select_n3A_350 = arith.select %or3A_344, %get3A_347, %broadcast_in_dim3A_349 : vector<16xi1>, vector<16xf32>
      %add3A_351 = arith.addf %add3A_322, %select_n3A_350 : vector<16xf32>
      %get3A_352 = arith.index_cast %add3A_330 : i32 to index
      %get3A_353 = tpu.vector_load %arg8[%get3A_352] {strides = array<i32>} : memref<1024xf32, #tpu.memory_space<vmem>>, vector<16xf32>,
      %get3A_354 = vector.shape_cast %get3A_353 : vector<16xf32> to vector<16xf32>
      %add3A_355 = arith.addf %add3A_326, %get3A_354 : vector<16xf32>
      %mul3A_356 = arith.constant 128 : i32
      %mul3A_357 = arith.muli %scan3A_185, %mul3A_356 : i32
      %add3A_358 = arith.constant 96 : i32
      %add3A_359 = arith.addi %mul3A_357, %add3A_358 : i32
      %get3A_360 = arith.index_cast %add3A_359 : i32 to index
      %get3A_361 = tpu.vector_load %arg6[%get3A_360] {strides = array<i32>} : memref<1024xf32, #tpu.memory_space<vmem>>, vector<16xf32>,
      %get3A_362 = vector.shape_cast %get3A_361 : vector<16xf32> to vector<16xf32>
      %add3A_363 = arith.addi %mul3A_0, %add3A_359 : i32
      %add3A_364 = vector.broadcast %add3A_363 : i32 to vector<16xi32>
      %add3A_365 = arith.addi %iota3A, %add3A_364 : vector<16xi32>
      %gt3A_366 = vector.broadcast %bitcast_convert_type3A : f32 to vector<16xf32>
      %gt3A_367 = arith.cmpf ogt, %get3A_362, %gt3A_366 : vector<16xf32>
      %eq3A_368 = vector.broadcast %bitcast_convert_type3A : f32 to vector<16xf32>
      %eq3A_369 = arith.cmpf oeq, %get3A_362, %eq3A_368 : vector<16xf32>
      %le3A_370 = vector.broadcast %scan3A_165#0 : i32 to vector<16xi32>
      %le3A_371 = arith.cmpi sle, %add3A_365, %le3A_370 : vector<16xi32>
      %and3A_372 = arith.andi %eq3A_369, %le3A_371 : vector<16xi1>
      %or3A_373 = arith.ori %gt3A_367, %and3A_372 : vector<16xi1>
      %get3A_374 = arith.index_cast %add3A_359 : i32 to index
      %get3A_375 = tpu.vector_load %arg7[%get3A_374] {strides = array<i32>} : memref<1024xf32, #tpu.memory_space<vmem>>, vector<16xf32>,
      %get3A_376 = vector.shape_cast %get3A_375 : vector<16xf32> to vector<16xf32>
      %jit3A_377 = arith.constant 0.000000e+00 : f32
      %broadcast_in_dim3A_378 = vector.broadcast %jit3A_377 : f32 to vector<16xf32>
      %select_n3A_379 = arith.select %or3A_373, %get3A_376, %broadcast_in_dim3A_378 : vector<16xi1>, vector<16xf32>
      %add3A_380 = arith.addf %add3A_351, %select_n3A_379 : vector<16xf32>
      %get3A_381 = arith.index_cast %add3A_359 : i32 to index
      %get3A_382 = tpu.vector_load %arg8[%get3A_381] {strides = array<i32>} : memref<1024xf32, #tpu.memory_space<vmem>>, vector<16xf32>,
      %get3A_383 = vector.shape_cast %get3A_382 : vector<16xf32> to vector<16xf32>
      %add3A_384 = arith.addf %add3A_355, %get3A_383 : vector<16xf32>
      %mul3A_385 = arith.constant 128 : i32
      %mul3A_386 = arith.muli %scan3A_185, %mul3A_385 : i32
      %add3A_387 = arith.constant 112 : i32
      %add3A_388 = arith.addi %mul3A_386, %add3A_387 : i32
      %get3A_389 = arith.index_cast %add3A_388 : i32 to index
      %get3A_390 = tpu.vector_load %arg6[%get3A_389] {strides = array<i32>} : memref<1024xf32, #tpu.memory_space<vmem>>, vector<16xf32>,
      %get3A_391 = vector.shape_cast %get3A_390 : vector<16xf32> to vector<16xf32>
      %add3A_392 = arith.addi %mul3A_0, %add3A_388 : i32
      %add3A_393 = vector.broadcast %add3A_392 : i32 to vector<16xi32>
      %add3A_394 = arith.addi %iota3A, %add3A_393 : vector<16xi32>
      %gt3A_395 = vector.broadcast %bitcast_convert_type3A : f32 to vector<16xf32>
      %gt3A_396 = arith.cmpf ogt, %get3A_391, %gt3A_395 : vector<16xf32>
      %eq3A_397 = vector.broadcast %bitcast_convert_type3A : f32 to vector<16xf32>
      %eq3A_398 = arith.cmpf oeq, %get3A_391, %eq3A_397 : vector<16xf32>
      %le3A_399 = vector.broadcast %scan3A_165#0 : i32 to vector<16xi32>
      %le3A_400 = arith.cmpi sle, %add3A_394, %le3A_399 : vector<16xi32>
      %and3A_401 = arith.andi %eq3A_398, %le3A_400 : vector<16xi1>
      %or3A_402 = arith.ori %gt3A_396, %and3A_401 : vector<16xi1>
      %get3A_403 = arith.index_cast %add3A_388 : i32 to index
      %get3A_404 = tpu.vector_load %arg7[%get3A_403] {strides = array<i32>} : memref<1024xf32, #tpu.memory_space<vmem>>, vector<16xf32>,
      %get3A_405 = vector.shape_cast %get3A_404 : vector<16xf32> to vector<16xf32>
      %jit3A_406 = arith.constant 0.000000e+00 : f32
      %broadcast_in_dim3A_407 = vector.broadcast %jit3A_406 : f32 to vector<16xf32>
      %select_n3A_408 = arith.select %or3A_402, %get3A_405, %broadcast_in_dim3A_407 : vector<16xi1>, vector<16xf32>
      %add3A_409 = arith.addf %add3A_380, %select_n3A_408 : vector<16xf32>
      %get3A_410 = arith.index_cast %add3A_388 : i32 to index
      %get3A_411 = tpu.vector_load %arg8[%get3A_410] {strides = array<i32>} : memref<1024xf32, #tpu.memory_space<vmem>>, vector<16xf32>,
      %get3A_412 = vector.shape_cast %get3A_411 : vector<16xf32> to vector<16xf32>
      %add3A_413 = arith.addf %add3A_384, %get3A_412 : vector<16xf32>
      scf.yield %add3A_409, %add3A_413 : vector<16xf32>, vector<16xf32>
    }
    %scan3A_176 = arith.constant 8 : i32
    %add3A_177 = arith.addf %scan3A_175#0, %scan3A_175#1 : vector<16xf32>
    %swap3A_178 = arith.constant 0 : index
    %swap3A_179 = tpu.vector_load %arg10[%swap3A_178] {strides = array<i32>} : memref<128xf32, #tpu.memory_space<vmem>>, vector<16xf32>,
    %swap3A_180 = vector.shape_cast %swap3A_179 : vector<16xf32> to vector<16xf32>
    %swap3A_181 = vector.shape_cast %add3A_177 : vector<16xf32> to vector<16xf32>
    tpu.vector_store %arg10[%swap3A_178], %swap3A_181 {strides = array<i32>} : memref<128xf32, #tpu.memory_space<vmem>>, vector<16xf32>,
    "tpu.region"() ({
      %run_scoped3A_185 = tpu.sem_alloc : memref<!tpu.dma_semaphore, #tpu.memory_space<semaphore_mem>>
      %dma_start3A = arith.constant 0 : i32
      %dma_start3A_186 = tpu.memref_slice %arg14[%arg1, %dma_start3A] : memref<16x128xf32, #tpu.memory_space<vmem_shared>> -> memref<1x128xf32, #tpu.memory_space<vmem_shared>>
      %dma_start3A_187 = tpu.memref_squeeze %dma_start3A_186 : memref<1x128xf32, #tpu.memory_space<vmem_shared>> -> memref<128xf32, #tpu.memory_space<vmem_shared>>
      %dma_start3A_188 = arith.constant 0 : i32
      %dma_start3A_189 = tpu.memref_slice %arg14[%arg1, %dma_start3A_188] : memref<16x128xf32, #tpu.memory_space<vmem_shared>> -> memref<1x128xf32, #tpu.memory_space<vmem_shared>>
      %dma_start3A_190 = tpu.memref_squeeze %dma_start3A_189 : memref<1x128xf32, #tpu.memory_space<vmem_shared>> -> memref<128xf32, #tpu.memory_space<vmem_shared>>
      tpu.enqueue_dma source(%arg10 : memref<128xf32, #tpu.memory_space<vmem>>) target(%dma_start3A_190 : memref<128xf32, #tpu.memory_space<vmem_shared>>) target_semaphore(%run_scoped3A_185 : memref<!tpu.dma_semaphore, #tpu.memory_space<semaphore_mem>>)
      %dma_wait3A = arith.constant 0 : i32
      %dma_wait3A_191 = tpu.memref_slice %arg14[%arg1, %dma_wait3A] : memref<16x128xf32, #tpu.memory_space<vmem_shared>> -> memref<1x128xf32, #tpu.memory_space<vmem_shared>>
      %dma_wait3A_192 = tpu.memref_squeeze %dma_wait3A_191 : memref<1x128xf32, #tpu.memory_space<vmem_shared>> -> memref<128xf32, #tpu.memory_space<vmem_shared>>
      %dma_wait3A_193 = arith.constant 0 : i32
      %dma_wait3A_194 = tpu.memref_slice %arg14[%arg1, %dma_wait3A_193] : memref<16x128xf32, #tpu.memory_space<vmem_shared>> -> memref<1x128xf32, #tpu.memory_space<vmem_shared>>
      %dma_wait3A_195 = tpu.memref_squeeze %dma_wait3A_194 : memref<1x128xf32, #tpu.memory_space<vmem_shared>> -> memref<128xf32, #tpu.memory_space<vmem_shared>>
      tpu.wait_dma2 semaphore(%run_scoped3A_185 : memref<!tpu.dma_semaphore, #tpu.memory_space<semaphore_mem>>) src(%arg10 : memref<128xf32, #tpu.memory_space<vmem>>) dst(%dma_wait3A_195 : memref<128xf32, #tpu.memory_space<vmem_shared>>)
      tpu.yield
    }) : () -> ()
    %barrier3A_182 = arith.constant 0 : index
    tpu.barrier barrier_id(%barrier3A_182)
    %eq3A = arith.constant 0 : i32
    %eq3A_183 = arith.cmpi eq, %arg1, %eq3A : i32
    %convert_element_type3A = arith.extui %eq3A_183 : i1 to i32
    %cond3A = arith.constant 0 : i32
    %cond3A_184 = arith.cmpi ne, %convert_element_type3A, %cond3A : i32
    scf.if %cond3A_184 {
      "tpu.region"() ({
        %run_scoped3A_336 = tpu.sem_alloc : memref<!tpu.dma_semaphore, #tpu.memory_space<semaphore_mem>>
        tpu.enqueue_dma source(%arg14 : memref<16x128xf32, #tpu.memory_space<vmem_shared>>) target(%arg13 : memref<16x128xf32, #tpu.memory_space<vmem>>) target_semaphore(%run_scoped3A_336 : memref<!tpu.dma_semaphore, #tpu.memory_space<semaphore_mem>>)
        tpu.wait_dma2 semaphore(%run_scoped3A_336 : memref<!tpu.dma_semaphore, #tpu.memory_space<semaphore_mem>>) src(%arg14 : memref<16x128xf32, #tpu.memory_space<vmem_shared>>) dst(%arg13 : memref<16x128xf32, #tpu.memory_space<vmem>>)
        tpu.yield
      }) : () -> ()
      %get3A_185 = arith.constant 0 : i32
      %get3A_186 = arith.index_cast %get3A_185 : i32 to index
      %get3A_187 = arith.constant 0 : index
      %get3A_188 = tpu.vector_load %arg13[%get3A_186, %get3A_187] {strides = array<i32>} : memref<16x128xf32, #tpu.memory_space<vmem>>, vector<1x16xf32>,
      %get3A_189 = vector.shape_cast %get3A_188 : vector<1x16xf32> to vector<16xf32>
      %get3A_190 = arith.constant 1 : i32
      %get3A_191 = arith.index_cast %get3A_190 : i32 to index
      %get3A_192 = arith.constant 0 : index
      %get3A_193 = tpu.vector_load %arg13[%get3A_191, %get3A_192] {strides = array<i32>} : memref<16x128xf32, #tpu.memory_space<vmem>>, vector<1x16xf32>,
      %get3A_194 = vector.shape_cast %get3A_193 : vector<1x16xf32> to vector<16xf32>
      %add3A_195 = arith.addf %get3A_189, %get3A_194 : vector<16xf32>
      %get3A_196 = arith.constant 2 : i32
      %get3A_197 = arith.index_cast %get3A_196 : i32 to index
      %get3A_198 = arith.constant 0 : index
      %get3A_199 = tpu.vector_load %arg13[%get3A_197, %get3A_198] {strides = array<i32>} : memref<16x128xf32, #tpu.memory_space<vmem>>, vector<1x16xf32>,
      %get3A_200 = vector.shape_cast %get3A_199 : vector<1x16xf32> to vector<16xf32>
      %add3A_201 = arith.addf %add3A_195, %get3A_200 : vector<16xf32>
      %get3A_202 = arith.constant 3 : i32
      %get3A_203 = arith.index_cast %get3A_202 : i32 to index
      %get3A_204 = arith.constant 0 : index
      %get3A_205 = tpu.vector_load %arg13[%get3A_203, %get3A_204] {strides = array<i32>} : memref<16x128xf32, #tpu.memory_space<vmem>>, vector<1x16xf32>,
      %get3A_206 = vector.shape_cast %get3A_205 : vector<1x16xf32> to vector<16xf32>
      %add3A_207 = arith.addf %add3A_201, %get3A_206 : vector<16xf32>
      %get3A_208 = arith.constant 4 : i32
      %get3A_209 = arith.index_cast %get3A_208 : i32 to index
      %get3A_210 = arith.constant 0 : index
      %get3A_211 = tpu.vector_load %arg13[%get3A_209, %get3A_210] {strides = array<i32>} : memref<16x128xf32, #tpu.memory_space<vmem>>, vector<1x16xf32>,
      %get3A_212 = vector.shape_cast %get3A_211 : vector<1x16xf32> to vector<16xf32>
      %add3A_213 = arith.addf %add3A_207, %get3A_212 : vector<16xf32>
      %get3A_214 = arith.constant 5 : i32
      %get3A_215 = arith.index_cast %get3A_214 : i32 to index
      %get3A_216 = arith.constant 0 : index
      %get3A_217 = tpu.vector_load %arg13[%get3A_215, %get3A_216] {strides = array<i32>} : memref<16x128xf32, #tpu.memory_space<vmem>>, vector<1x16xf32>,
      %get3A_218 = vector.shape_cast %get3A_217 : vector<1x16xf32> to vector<16xf32>
      %add3A_219 = arith.addf %add3A_213, %get3A_218 : vector<16xf32>
      %get3A_220 = arith.constant 6 : i32
      %get3A_221 = arith.index_cast %get3A_220 : i32 to index
      %get3A_222 = arith.constant 0 : index
      %get3A_223 = tpu.vector_load %arg13[%get3A_221, %get3A_222] {strides = array<i32>} : memref<16x128xf32, #tpu.memory_space<vmem>>, vector<1x16xf32>,
      %get3A_224 = vector.shape_cast %get3A_223 : vector<1x16xf32> to vector<16xf32>
      %add3A_225 = arith.addf %add3A_219, %get3A_224 : vector<16xf32>
      %get3A_226 = arith.constant 7 : i32
      %get3A_227 = arith.index_cast %get3A_226 : i32 to index
      %get3A_228 = arith.constant 0 : index
      %get3A_229 = tpu.vector_load %arg13[%get3A_227, %get3A_228] {strides = array<i32>} : memref<16x128xf32, #tpu.memory_space<vmem>>, vector<1x16xf32>,
      %get3A_230 = vector.shape_cast %get3A_229 : vector<1x16xf32> to vector<16xf32>
      %add3A_231 = arith.addf %add3A_225, %get3A_230 : vector<16xf32>
      %get3A_232 = arith.constant 8 : i32
      %get3A_233 = arith.index_cast %get3A_232 : i32 to index
      %get3A_234 = arith.constant 0 : index
      %get3A_235 = tpu.vector_load %arg13[%get3A_233, %get3A_234] {strides = array<i32>} : memref<16x128xf32, #tpu.memory_space<vmem>>, vector<1x16xf32>,
      %get3A_236 = vector.shape_cast %get3A_235 : vector<1x16xf32> to vector<16xf32>
      %add3A_237 = arith.addf %add3A_231, %get3A_236 : vector<16xf32>
      %get3A_238 = arith.constant 9 : i32
      %get3A_239 = arith.index_cast %get3A_238 : i32 to index
      %get3A_240 = arith.constant 0 : index
      %get3A_241 = tpu.vector_load %arg13[%get3A_239, %get3A_240] {strides = array<i32>} : memref<16x128xf32, #tpu.memory_space<vmem>>, vector<1x16xf32>,
      %get3A_242 = vector.shape_cast %get3A_241 : vector<1x16xf32> to vector<16xf32>
      %add3A_243 = arith.addf %add3A_237, %get3A_242 : vector<16xf32>
      %get3A_244 = arith.constant 10 : i32
      %get3A_245 = arith.index_cast %get3A_244 : i32 to index
      %get3A_246 = arith.constant 0 : index
      %get3A_247 = tpu.vector_load %arg13[%get3A_245, %get3A_246] {strides = array<i32>} : memref<16x128xf32, #tpu.memory_space<vmem>>, vector<1x16xf32>,
      %get3A_248 = vector.shape_cast %get3A_247 : vector<1x16xf32> to vector<16xf32>
      %add3A_249 = arith.addf %add3A_243, %get3A_248 : vector<16xf32>
      %get3A_250 = arith.constant 11 : i32
      %get3A_251 = arith.index_cast %get3A_250 : i32 to index
      %get3A_252 = arith.constant 0 : index
      %get3A_253 = tpu.vector_load %arg13[%get3A_251, %get3A_252] {strides = array<i32>} : memref<16x128xf32, #tpu.memory_space<vmem>>, vector<1x16xf32>,
      %get3A_254 = vector.shape_cast %get3A_253 : vector<1x16xf32> to vector<16xf32>
      %add3A_255 = arith.addf %add3A_249, %get3A_254 : vector<16xf32>
      %get3A_256 = arith.constant 12 : i32
      %get3A_257 = arith.index_cast %get3A_256 : i32 to index
      %get3A_258 = arith.constant 0 : index
      %get3A_259 = tpu.vector_load %arg13[%get3A_257, %get3A_258] {strides = array<i32>} : memref<16x128xf32, #tpu.memory_space<vmem>>, vector<1x16xf32>,
      %get3A_260 = vector.shape_cast %get3A_259 : vector<1x16xf32> to vector<16xf32>
      %add3A_261 = arith.addf %add3A_255, %get3A_260 : vector<16xf32>
      %get3A_262 = arith.constant 13 : i32
      %get3A_263 = arith.index_cast %get3A_262 : i32 to index
      %get3A_264 = arith.constant 0 : index
      %get3A_265 = tpu.vector_load %arg13[%get3A_263, %get3A_264] {strides = array<i32>} : memref<16x128xf32, #tpu.memory_space<vmem>>, vector<1x16xf32>,
      %get3A_266 = vector.shape_cast %get3A_265 : vector<1x16xf32> to vector<16xf32>
      %add3A_267 = arith.addf %add3A_261, %get3A_266 : vector<16xf32>
      %get3A_268 = arith.constant 14 : i32
      %get3A_269 = arith.index_cast %get3A_268 : i32 to index
      %get3A_270 = arith.constant 0 : index
      %get3A_271 = tpu.vector_load %arg13[%get3A_269, %get3A_270] {strides = array<i32>} : memref<16x128xf32, #tpu.memory_space<vmem>>, vector<1x16xf32>,
      %get3A_272 = vector.shape_cast %get3A_271 : vector<1x16xf32> to vector<16xf32>
      %add3A_273 = arith.addf %add3A_267, %get3A_272 : vector<16xf32>
      %get3A_274 = arith.constant 15 : i32
      %get3A_275 = arith.index_cast %get3A_274 : i32 to index
      %get3A_276 = arith.constant 0 : index
      %get3A_277 = tpu.vector_load %arg13[%get3A_275, %get3A_276] {strides = array<i32>} : memref<16x128xf32, #tpu.memory_space<vmem>>, vector<1x16xf32>,
      %get3A_278 = vector.shape_cast %get3A_277 : vector<1x16xf32> to vector<16xf32>
      %add3A_279 = arith.addf %add3A_273, %get3A_278 : vector<16xf32>
      %slice3A_280 = vector.extract_strided_slice %add3A_279 {offsets = [0], sizes = [1], strides = [1]} : vector<16xf32> to vector<1xf32>
      %squeeze3A_281 = vector.extract %slice3A_280[0] : f32 from vector<1xf32>
      %slice3A_282 = vector.extract_strided_slice %add3A_279 {offsets = [1], sizes = [1], strides = [1]} : vector<16xf32> to vector<1xf32>
      %squeeze3A_283 = vector.extract %slice3A_282[0] : f32 from vector<1xf32>
      %add3A_284 = arith.addf %squeeze3A_281, %squeeze3A_283 : f32
      %slice3A_285 = vector.extract_strided_slice %add3A_279 {offsets = [2], sizes = [1], strides = [1]} : vector<16xf32> to vector<1xf32>
      %squeeze3A_286 = vector.extract %slice3A_285[0] : f32 from vector<1xf32>
      %add3A_287 = arith.addf %add3A_284, %squeeze3A_286 : f32
      %slice3A_288 = vector.extract_strided_slice %add3A_279 {offsets = [3], sizes = [1], strides = [1]} : vector<16xf32> to vector<1xf32>
      %squeeze3A_289 = vector.extract %slice3A_288[0] : f32 from vector<1xf32>
      %add3A_290 = arith.addf %add3A_287, %squeeze3A_289 : f32
      %slice3A_291 = vector.extract_strided_slice %add3A_279 {offsets = [4], sizes = [1], strides = [1]} : vector<16xf32> to vector<1xf32>
      %squeeze3A_292 = vector.extract %slice3A_291[0] : f32 from vector<1xf32>
      %add3A_293 = arith.addf %add3A_290, %squeeze3A_292 : f32
      %slice3A_294 = vector.extract_strided_slice %add3A_279 {offsets = [5], sizes = [1], strides = [1]} : vector<16xf32> to vector<1xf32>
      %squeeze3A_295 = vector.extract %slice3A_294[0] : f32 from vector<1xf32>
      %add3A_296 = arith.addf %add3A_293, %squeeze3A_295 : f32
      %slice3A_297 = vector.extract_strided_slice %add3A_279 {offsets = [6], sizes = [1], strides = [1]} : vector<16xf32> to vector<1xf32>
      %squeeze3A_298 = vector.extract %slice3A_297[0] : f32 from vector<1xf32>
      %add3A_299 = arith.addf %add3A_296, %squeeze3A_298 : f32
      %slice3A_300 = vector.extract_strided_slice %add3A_279 {offsets = [7], sizes = [1], strides = [1]} : vector<16xf32> to vector<1xf32>
      %squeeze3A_301 = vector.extract %slice3A_300[0] : f32 from vector<1xf32>
      %add3A_302 = arith.addf %add3A_299, %squeeze3A_301 : f32
      %slice3A_303 = vector.extract_strided_slice %add3A_279 {offsets = [8], sizes = [1], strides = [1]} : vector<16xf32> to vector<1xf32>
      %squeeze3A_304 = vector.extract %slice3A_303[0] : f32 from vector<1xf32>
      %add3A_305 = arith.addf %add3A_302, %squeeze3A_304 : f32
      %slice3A_306 = vector.extract_strided_slice %add3A_279 {offsets = [9], sizes = [1], strides = [1]} : vector<16xf32> to vector<1xf32>
      %squeeze3A_307 = vector.extract %slice3A_306[0] : f32 from vector<1xf32>
      %add3A_308 = arith.addf %add3A_305, %squeeze3A_307 : f32
      %slice3A_309 = vector.extract_strided_slice %add3A_279 {offsets = [10], sizes = [1], strides = [1]} : vector<16xf32> to vector<1xf32>
      %squeeze3A_310 = vector.extract %slice3A_309[0] : f32 from vector<1xf32>
      %add3A_311 = arith.addf %add3A_308, %squeeze3A_310 : f32
      %slice3A_312 = vector.extract_strided_slice %add3A_279 {offsets = [11], sizes = [1], strides = [1]} : vector<16xf32> to vector<1xf32>
      %squeeze3A_313 = vector.extract %slice3A_312[0] : f32 from vector<1xf32>
      %add3A_314 = arith.addf %add3A_311, %squeeze3A_313 : f32
      %slice3A_315 = vector.extract_strided_slice %add3A_279 {offsets = [12], sizes = [1], strides = [1]} : vector<16xf32> to vector<1xf32>
      %squeeze3A_316 = vector.extract %slice3A_315[0] : f32 from vector<1xf32>
      %add3A_317 = arith.addf %add3A_314, %squeeze3A_316 : f32
      %slice3A_318 = vector.extract_strided_slice %add3A_279 {offsets = [13], sizes = [1], strides = [1]} : vector<16xf32> to vector<1xf32>
      %squeeze3A_319 = vector.extract %slice3A_318[0] : f32 from vector<1xf32>
      %add3A_320 = arith.addf %add3A_317, %squeeze3A_319 : f32
      %slice3A_321 = vector.extract_strided_slice %add3A_279 {offsets = [14], sizes = [1], strides = [1]} : vector<16xf32> to vector<1xf32>
      %squeeze3A_322 = vector.extract %slice3A_321[0] : f32 from vector<1xf32>
      %add3A_323 = arith.addf %add3A_320, %squeeze3A_322 : f32
      %slice3A_324 = vector.extract_strided_slice %add3A_279 {offsets = [15], sizes = [1], strides = [1]} : vector<16xf32> to vector<1xf32>
      %squeeze3A_325 = vector.extract %slice3A_324[0] : f32 from vector<1xf32>
      %add3A_326 = arith.addf %add3A_323, %squeeze3A_325 : f32
      %eq3A_327 = arith.constant 0 : i32
      %eq3A_328 = vector.broadcast %eq3A_327 : i32 to vector<16xi32>
      %eq3A_329 = arith.cmpi eq, %iota3A, %eq3A_328 : vector<16xi32>
      %jit3A = arith.constant 0.000000e+00 : f32
      %broadcast_in_dim3A_330 = vector.broadcast %add3A_326 : f32 to vector<16xf32>
      %broadcast_in_dim3A_331 = vector.broadcast %jit3A : f32 to vector<16xf32>
      %select_n3A = arith.select %eq3A_329, %broadcast_in_dim3A_330, %broadcast_in_dim3A_331 : vector<16xi1>, vector<16xf32>
      %swap3A_332 = arith.constant 0 : index
      %swap3A_333 = tpu.vector_load %arg9[%swap3A_332] {strides = array<i32>} : memref<16xf32, #tpu.memory_space<vmem>>, vector<16xf32>,
      %swap3A_334 = vector.shape_cast %swap3A_333 : vector<16xf32> to vector<16xf32>
      %swap3A_335 = vector.shape_cast %select_n3A : vector<16xf32> to vector<16xf32>
      tpu.vector_store %arg9[%swap3A_332], %swap3A_335 {strides = array<i32>} : memref<16xf32, #tpu.memory_space<vmem>>, vector<16xf32>,
      "tpu.region"() ({
        %run_scoped3A_336 = tpu.sem_alloc : memref<!tpu.dma_semaphore, #tpu.memory_space<semaphore_mem>>
        %dma_start3A = arith.constant 0 : i32
        %dma_start3A_337 = tpu.memref_slice %arg5[%arg0, %dma_start3A] : memref<2x16xf32, #tpu.memory_space<hbm>> -> memref<1x16xf32, #tpu.memory_space<hbm>>
        %dma_start3A_338 = tpu.memref_squeeze %dma_start3A_337 : memref<1x16xf32, #tpu.memory_space<hbm>> -> memref<16xf32, #tpu.memory_space<hbm>>
        %dma_start3A_339 = arith.constant 0 : i32
        %dma_start3A_340 = tpu.memref_slice %arg5[%arg0, %dma_start3A_339] : memref<2x16xf32, #tpu.memory_space<hbm>> -> memref<1x16xf32, #tpu.memory_space<hbm>>
        %dma_start3A_341 = tpu.memref_squeeze %dma_start3A_340 : memref<1x16xf32, #tpu.memory_space<hbm>> -> memref<16xf32, #tpu.memory_space<hbm>>
        tpu.enqueue_dma source(%arg9 : memref<16xf32, #tpu.memory_space<vmem>>) target(%dma_start3A_341 : memref<16xf32, #tpu.memory_space<hbm>>) target_semaphore(%run_scoped3A_336 : memref<!tpu.dma_semaphore, #tpu.memory_space<semaphore_mem>>)
        %dma_wait3A = arith.constant 0 : i32
        %dma_wait3A_342 = tpu.memref_slice %arg5[%arg0, %dma_wait3A] : memref<2x16xf32, #tpu.memory_space<hbm>> -> memref<1x16xf32, #tpu.memory_space<hbm>>
        %dma_wait3A_343 = tpu.memref_squeeze %dma_wait3A_342 : memref<1x16xf32, #tpu.memory_space<hbm>> -> memref<16xf32, #tpu.memory_space<hbm>>
        %dma_wait3A_344 = arith.constant 0 : i32
        %dma_wait3A_345 = tpu.memref_slice %arg5[%arg0, %dma_wait3A_344] : memref<2x16xf32, #tpu.memory_space<hbm>> -> memref<1x16xf32, #tpu.memory_space<hbm>>
        %dma_wait3A_346 = tpu.memref_squeeze %dma_wait3A_345 : memref<1x16xf32, #tpu.memory_space<hbm>> -> memref<16xf32, #tpu.memory_space<hbm>>
        tpu.wait_dma2 semaphore(%run_scoped3A_336 : memref<!tpu.dma_semaphore, #tpu.memory_space<semaphore_mem>>) src(%arg9 : memref<16xf32, #tpu.memory_space<vmem>>) dst(%dma_wait3A_346 : memref<16xf32, #tpu.memory_space<hbm>>)
        tpu.yield
      }) : () -> ()
    } else {
    }
    return
  }
}

module attributes {stable_mosaic.version = 14 : i64} {
  func.func @_stage1(%arg0: i32, %arg1: memref<1x1xf32, #tpu.memory_space<smem>>, %arg2: memref<1024x1000xf32, #tpu.memory_space<vmem>>, %arg3: memref<1024x1000xf32, #tpu.memory_space<vmem>>, %arg4: memref<1x1x1024xf32, #tpu.memory_space<vmem>>, %arg5: memref<1x1x1024xf32, #tpu.memory_space<vmem>>, %arg6: memref<1x1x1024xf32, #tpu.memory_space<vmem>>) attributes {dimension_semantics = [#tpu.dimension_semantics<arbitrary>], iteration_bounds = array<i64: 32>, scalar_prefetch = 0 : i64, scratch_operands = 0 : i64, tpu.core_type = #tpu.core_type<tc>, window_params = [{transform_indices = @transform_0, window_bounds = array<i64: 1, 1>}, {transform_indices = @transform_1, window_bounds = array<i64: 1024, 1000>}, {transform_indices = @transform_2, window_bounds = array<i64: 1024, 1000>}, {transform_indices = @transform_3, window_bounds = array<i64: 1, 1, 1024>}, {transform_indices = @transform_4, window_bounds = array<i64: 1, 1, 1024>}, {transform_indices = @transform_5, window_bounds = array<i64: 1, 1, 1024>}]} {
    %get3A = arith.constant 0 : index
    %get3A_0 = arith.constant 0 : index
    %get3A_1 = memref.load %arg1[%get3A, %get3A_0] : memref<1x1xf32, #tpu.memory_space<smem>>
    %div3A = arith.constant 1.44269502 : f32
    %div3A_2 = arith.divf %div3A, %get3A_1 : f32
    %get3A_3 = arith.constant 0 : index
    %get3A_4 = arith.constant 0 : index
    %get3A_5 = vector.load %arg2[%get3A_3, %get3A_4] : memref<1024x1000xf32, #tpu.memory_space<vmem>>, vector<1024x1000xf32>
    %reduce_max3A = arith.constant dense<0xFF800000> : vector<1024xf32>
    %reduce_max3A_6 = vector.multi_reduction <maximumf>, %get3A_5, %reduce_max3A [1] : vector<1024x1000xf32> to vector<1024xf32>
    %broadcast_in_dim3A = vector.shape_cast %reduce_max3A_6 : vector<1024xf32> to vector<1024x1xf32>
    %iota3A = tpu.iota {dimensions = array<i32: 1>} : vector<1024x1000xi32>
    %eq3A = vector.broadcast %broadcast_in_dim3A : vector<1024x1xf32> to vector<1024x1000xf32>
    %eq3A_7 = arith.cmpf oeq, %get3A_5, %eq3A : vector<1024x1000xf32>
    %jit3A = arith.constant 1000 : i32
    %broadcast_in_dim3A_8 = vector.broadcast %jit3A : i32 to vector<1024x1000xi32>
    %select_n3A = arith.select %eq3A_7, %iota3A, %broadcast_in_dim3A_8 : vector<1024x1000xi1>, vector<1024x1000xi32>
    %reduce_min3A = arith.constant dense<2147483647> : vector<1024xi32>
    %reduce_min3A_9 = vector.multi_reduction <minsi>, %select_n3A, %reduce_min3A [1] : vector<1024x1000xi32> to vector<1024xi32>
    %broadcast_in_dim3A_10 = vector.shape_cast %reduce_min3A_9 : vector<1024xi32> to vector<1024x1xi32>
    %eq3A_11 = vector.broadcast %broadcast_in_dim3A_10 : vector<1024x1xi32> to vector<1024x1000xi32>
    %eq3A_12 = arith.cmpi eq, %iota3A, %eq3A_11 : vector<1024x1000xi32>
    %jit3A_13 = arith.constant 0xFF800000 : f32
    %broadcast_in_dim3A_14 = vector.broadcast %jit3A_13 : f32 to vector<1024x1000xf32>
    %select_n3A_15 = arith.select %eq3A_12, %broadcast_in_dim3A_14, %get3A_5 : vector<1024x1000xi1>, vector<1024x1000xf32>
    %reduce_max3A_16 = arith.constant dense<0xFF800000> : vector<1024xf32>
    %reduce_max3A_17 = vector.multi_reduction <maximumf>, %select_n3A_15, %reduce_max3A_16 [1] : vector<1024x1000xf32> to vector<1024xf32>
    %broadcast_in_dim3A_18 = vector.shape_cast %reduce_max3A_17 : vector<1024xf32> to vector<1024x1xf32>
    %sub3A = vector.broadcast %broadcast_in_dim3A : vector<1024x1xf32> to vector<1024x1000xf32>
    %sub3A_19 = arith.subf %get3A_5, %sub3A : vector<1024x1000xf32>
    %mul3A = vector.broadcast %div3A_2 : f32 to vector<1024x1000xf32>
    %mul3A_20 = arith.mulf %sub3A_19, %mul3A : vector<1024x1000xf32>
    %exp23A = math.exp2 %mul3A_20 : vector<1024x1000xf32>
    %get3A_21 = arith.constant 0 : index
    %get3A_22 = arith.constant 0 : index
    %get3A_23 = vector.load %arg3[%get3A_21, %get3A_22] : memref<1024x1000xf32, #tpu.memory_space<vmem>>, vector<1024x1000xf32>
    %broadcast_in_dim3A_24 = arith.constant 1.000000e+00 : f32
    %broadcast_in_dim3A_25 = vector.broadcast %broadcast_in_dim3A_24 : f32 to vector<1x1000xf32>
    %dot_general3A = arith.constant dense<0.000000e+00> : vector<1x1024xf32>
    %dot_general3A_26 = tpu.matmul %broadcast_in_dim3A_25, %exp23A, %dot_general3A {dimension_numbers = #tpu.dot_dimension_numbers<[1], [1], [0], [0], [0, 0, 1, 0], [], []>, transpose_lhs_hint = false} : vector<1x1000xf32>, vector<1024x1000xf32>, vector<1x1024xf32> -> vector<1x1024xf32>
    %mul3A_27 = arith.constant 14.4269505 : f32
    %mul3A_28 = vector.broadcast %mul3A_27 : f32 to vector<1024x1000xf32>
    %mul3A_29 = arith.mulf %get3A_23, %mul3A_28 : vector<1024x1000xf32>
    %exp23A_30 = math.exp2 %mul3A_29 : vector<1024x1000xf32>
    %broadcast_in_dim3A_31 = arith.constant 1.000000e+00 : f32
    %broadcast_in_dim3A_32 = vector.broadcast %broadcast_in_dim3A_31 : f32 to vector<1x1000xf32>
    %dot_general3A_33 = arith.constant dense<0.000000e+00> : vector<1x1024xf32>
    %dot_general3A_34 = tpu.matmul %broadcast_in_dim3A_32, %exp23A_30, %dot_general3A_33 {dimension_numbers = #tpu.dot_dimension_numbers<[1], [1], [0], [0], [0, 0, 1, 0], [], []>, transpose_lhs_hint = false} : vector<1x1000xf32>, vector<1024x1000xf32>, vector<1x1024xf32> -> vector<1x1024xf32>
    %mul3A_35 = arith.mulf %exp23A, %get3A_23 : vector<1024x1000xf32>
    %broadcast_in_dim3A_36 = arith.constant 1.000000e+00 : f32
    %broadcast_in_dim3A_37 = vector.broadcast %broadcast_in_dim3A_36 : f32 to vector<1x1000xf32>
    %dot_general3A_38 = arith.constant dense<0.000000e+00> : vector<1x1024xf32>
    %dot_general3A_39 = tpu.matmul %broadcast_in_dim3A_37, %mul3A_35, %dot_general3A_38 {dimension_numbers = #tpu.dot_dimension_numbers<[1], [1], [0], [0], [0, 0, 1, 0], [], []>, transpose_lhs_hint = false} : vector<1x1000xf32>, vector<1024x1000xf32>, vector<1x1024xf32> -> vector<1x1024xf32>
    %jit3A_40 = arith.constant 0.000000e+00 : f32
    %broadcast_in_dim3A_41 = vector.broadcast %jit3A_40 : f32 to vector<1024x1000xf32>
    %select_n3A_42 = arith.select %eq3A_12, %get3A_23, %broadcast_in_dim3A_41 : vector<1024x1000xi1>, vector<1024x1000xf32>
    %broadcast_in_dim3A_43 = arith.constant 1.000000e+00 : f32
    %broadcast_in_dim3A_44 = vector.broadcast %broadcast_in_dim3A_43 : f32 to vector<1x1000xf32>
    %dot_general3A_45 = arith.constant dense<0.000000e+00> : vector<1x1024xf32>
    %dot_general3A_46 = tpu.matmul %broadcast_in_dim3A_44, %select_n3A_42, %dot_general3A_45 {dimension_numbers = #tpu.dot_dimension_numbers<[1], [1], [0], [0], [0, 0, 1, 0], [], []>, transpose_lhs_hint = false} : vector<1x1000xf32>, vector<1024x1000xf32>, vector<1x1024xf32> -> vector<1x1024xf32>
    %iota3A_47 = tpu.iota {dimensions = array<i32: 0>} : vector<1024x1024xi32>
    %iota3A_48 = tpu.iota {dimensions = array<i32: 1>} : vector<1024x1024xi32>
    %add3A = arith.constant 0 : i32
    %add3A_49 = vector.broadcast %add3A : i32 to vector<1024x1024xi32>
    %add3A_50 = arith.addi %iota3A_47, %add3A_49 : vector<1024x1024xi32>
    %eq3A_51 = arith.cmpi eq, %add3A_50, %iota3A_48 : vector<1024x1024xi32>
    %convert_element_type3A = arith.extui %eq3A_51 : vector<1024x1024xi1> to vector<1024x1024xi32>
    %convert_element_type3A_52 = arith.sitofp %convert_element_type3A : vector<1024x1024xi32> to vector<1024x1024xf32>
    %sub3A_53 = arith.subf %broadcast_in_dim3A_18, %broadcast_in_dim3A : vector<1024x1xf32>
    %dot_general3A_54 = arith.constant dense<0.000000e+00> : vector<1x1024xf32>
    %dot_general3A_55 = tpu.matmul %sub3A_53, %convert_element_type3A_52, %dot_general3A_54 {dimension_numbers = #tpu.dot_dimension_numbers<[0], [0], [1], [1], [0, 1, 1, 1], [], []>, transpose_lhs_hint = false} : vector<1024x1xf32>, vector<1024x1024xf32>, vector<1x1024xf32> -> vector<1x1024xf32>
    %mul3A_56 = vector.broadcast %div3A_2 : f32 to vector<1x1024xf32>
    %mul3A_57 = arith.mulf %dot_general3A_55, %mul3A_56 : vector<1x1024xf32>
    %exp23A_58 = math.exp2 %mul3A_57 : vector<1x1024xf32>
    %div3A_59 = arith.constant 1.000000e+00 : f32
    %div3A_60 = vector.broadcast %div3A_59 : f32 to vector<1x1024xf32>
    %div3A_61 = arith.divf %div3A_60, %dot_general3A_26 : vector<1x1024xf32>
    %div3A_62 = arith.divf %exp23A_58, %dot_general3A_26 : vector<1x1024xf32>
    %add3A_63 = arith.constant 9.99999997E-7 : f32
    %add3A_64 = vector.broadcast %add3A_63 : f32 to vector<1x1024xf32>
    %add3A_65 = arith.addf %div3A_62, %add3A_64 : vector<1x1024xf32>
    %div3A_66 = arith.divf %div3A_61, %add3A_65 : vector<1x1024xf32>
    %swap3A = arith.constant 0 : index
    %swap3A_67 = arith.constant 0 : index
    %swap3A_68 = arith.constant 0 : index
    %swap3A_69 = vector.load %arg4[%swap3A, %swap3A_67, %swap3A_68] : memref<1x1x1024xf32, #tpu.memory_space<vmem>>, vector<1x1x1024xf32>
    %swap3A_70 = vector.shape_cast %swap3A_69 : vector<1x1x1024xf32> to vector<1x1024xf32>
    %swap3A_71 = vector.shape_cast %div3A_66 : vector<1x1024xf32> to vector<1x1x1024xf32>
    tpu.vector_store %arg4[%swap3A, %swap3A_67, %swap3A_68], %swap3A_71 {strides = array<i32>} : memref<1x1x1024xf32, #tpu.memory_space<vmem>>, vector<1x1x1024xf32>,
    %mul3A_72 = arith.constant 1.000000e+01 : f32
    %mul3A_73 = vector.broadcast %mul3A_72 : f32 to vector<1x1024xf32>
    %mul3A_74 = arith.mulf %dot_general3A_39, %mul3A_73 : vector<1x1024xf32>
    %div3A_75 = arith.divf %mul3A_74, %dot_general3A_26 : vector<1x1024xf32>
    %log3A = math.log %dot_general3A_34 : vector<1x1024xf32>
    %mul3A_76 = arith.constant 1.000000e+01 : f32
    %mul3A_77 = vector.broadcast %mul3A_76 : f32 to vector<1x1024xf32>
    %mul3A_78 = arith.mulf %dot_general3A_46, %mul3A_77 : vector<1x1024xf32>
    %sub3A_79 = arith.subf %div3A_75, %mul3A_78 : vector<1x1024xf32>
    %swap3A_80 = arith.constant 0 : index
    %swap3A_81 = arith.constant 0 : index
    %swap3A_82 = arith.constant 0 : index
    %swap3A_83 = vector.load %arg5[%swap3A_80, %swap3A_81, %swap3A_82] : memref<1x1x1024xf32, #tpu.memory_space<vmem>>, vector<1x1x1024xf32>
    %swap3A_84 = vector.shape_cast %swap3A_83 : vector<1x1x1024xf32> to vector<1x1024xf32>
    %swap3A_85 = vector.shape_cast %sub3A_79 : vector<1x1024xf32> to vector<1x1x1024xf32>
    tpu.vector_store %arg5[%swap3A_80, %swap3A_81, %swap3A_82], %swap3A_85 {strides = array<i32>} : memref<1x1x1024xf32, #tpu.memory_space<vmem>>, vector<1x1x1024xf32>,
    %sub3A_86 = arith.subf %log3A, %div3A_75 : vector<1x1024xf32>
    %swap3A_87 = arith.constant 0 : index
    %swap3A_88 = arith.constant 0 : index
    %swap3A_89 = arith.constant 0 : index
    %swap3A_90 = vector.load %arg6[%swap3A_87, %swap3A_88, %swap3A_89] : memref<1x1x1024xf32, #tpu.memory_space<vmem>>, vector<1x1x1024xf32>
    %swap3A_91 = vector.shape_cast %swap3A_90 : vector<1x1x1024xf32> to vector<1x1024xf32>
    %swap3A_92 = vector.shape_cast %sub3A_86 : vector<1x1024xf32> to vector<1x1x1024xf32>
    tpu.vector_store %arg6[%swap3A_87, %swap3A_88, %swap3A_89], %swap3A_92 {strides = array<i32>} : memref<1x1x1024xf32, #tpu.memory_space<vmem>>, vector<1x1x1024xf32>,
    return
  }
  func.func @transform_0(%arg0: i32) -> (i32, i32) {
    %c0_i32 = arith.constant 0 : i32
    %c0_i32_0 = arith.constant 0 : i32
    %c0_i32_1 = arith.constant 0 : i32
    return %c0_i32, %c0_i32_0 : i32, i32
  }
  func.func @transform_1(%arg0: i32) -> (i32, i32) {
    %c0_i32 = arith.constant 0 : i32
    %c0_i32_0 = arith.constant 0 : i32
    return %arg0, %c0_i32 : i32, i32
  }
  func.func @transform_2(%arg0: i32) -> (i32, i32) {
    %add3A = arith.constant 16 : i32
    %add3A_0 = arith.addi %arg0, %add3A : i32
    %jit3A = arith.constant 32 : i32
    %eq3A = arith.constant 0 : i32
    %eq3A_1 = arith.cmpi eq, %jit3A, %eq3A : i32
    %jit3A_2 = arith.constant 1 : i32
    %select_n3A = arith.select %eq3A_1, %jit3A_2, %jit3A : i32
    %rem3A = arith.remsi %add3A_0, %select_n3A : i32
    %ne3A = arith.constant 0 : i32
    %ne3A_3 = arith.cmpi ne, %rem3A, %ne3A : i32
    %lt3A = arith.constant 0 : i32
    %lt3A_4 = arith.cmpi slt, %rem3A, %lt3A : i32
    %lt3A_5 = arith.constant 0 : i32
    %lt3A_6 = arith.cmpi slt, %select_n3A, %lt3A_5 : i32
    %ne3A_7 = arith.xori %lt3A_4, %lt3A_6 : i1
    %and3A = arith.andi %ne3A_7, %ne3A_3 : i1
    %add3A_8 = arith.addi %rem3A, %select_n3A : i32
    %select_n3A_9 = arith.select %and3A, %add3A_8, %rem3A : i32
    %c0_i32 = arith.constant 0 : i32
    %c0_i32_10 = arith.constant 0 : i32
    return %select_n3A_9, %c0_i32 : i32, i32
  }
  func.func @transform_3(%arg0: i32) -> (i32, i32, i32) {
    %c0_i32 = arith.constant 0 : i32
    %c0_i32_0 = arith.constant 0 : i32
    %c0_i32_1 = arith.constant 0 : i32
    return %arg0, %c0_i32, %c0_i32_0 : i32, i32, i32
  }
  func.func @transform_4(%arg0: i32) -> (i32, i32, i32) {
    %c0_i32 = arith.constant 0 : i32
    %c0_i32_0 = arith.constant 0 : i32
    %c0_i32_1 = arith.constant 0 : i32
    return %arg0, %c0_i32, %c0_i32_0 : i32, i32, i32
  }
  func.func @transform_5(%arg0: i32) -> (i32, i32, i32) {
    %c0_i32 = arith.constant 0 : i32
    %c0_i32_0 = arith.constant 0 : i32
    %c0_i32_1 = arith.constant 0 : i32
    return %arg0, %c0_i32, %c0_i32_0 : i32, i32, i32
  }
}

</mosaic_0001>

<sc_bundles>
// kernel: kernel.4.cloned.1.call-start
scs
__scs_entry_jumppad:
0x0: {  	(pc) =	sbr.rel $0x88, $3  }
0x1: {  	(tag) =	ssettag $0x0;
	lr =	simm.s32 $0x1  }
0x2: {  	[smem:$0x3F9E] =	sst lr;
	_ =	strace $0xD0000000  }
0x3: {  	_ = 	snop  }
0x4: {  	_ = 	snop  }
0x5: {  	_ = 	snop  }
0x6: {  	_ = 	snop  }
0x7: {  	_ = 	snop  }
__scs_overlays_trampoline_lowered:
0x8: {  	[smem:$0x3FAD] =	sst s0  }
0x9: {  	[smem:$0x3FAE] =	sst s1  }
0xa: {  	[smem:$0x3FAF] =	sst s2  }
0xb: {  	[smem:$0x3FB0] =	sst s3  }
0xc: {  	[smem:$0x3FB1] =	sst s4  }
0xd: {  	[smem:$0x3FB2] =	sst s5  }
0xe: {  	[smem:$0x3FB3] =	sst s6  }
0xf: {  	[smem:$0x3FB4] =	sst s7  }
0x10: {  	[smem:$0x3FB5] =	sst s8  }
0x11: {  	[smem:$0x3FB6] =	sst s9;
	s0 =	simm.s32 @!p0 $0x0  }
0x12: {  	s1 =	sld [smem:$0x3F9C];
	s0 =	simm.s32 @p0 $0x1  }
0x13: {  	[smem:$0x3FB7] =	sst s0;
	s0 =	simm.s32 @!p1 $0x0  }
0x14: {  	s2 =	sld [smem:$0x3F9B];
	s0 =	simm.s32 @p1 $0x1  }
0x15: {  	[smem:$0x3FB8] =	sst s0;
	s0 =	simm.s32 @!p2 $0x0  }
0x16: {  	s3 =	sld [smem:$0x3FDB];
	s0 =	simm.s32 @p2 $0x1  }
0x17: {  	s4 =	simm.s32 $0x1BF5;
	[smem:$0x3FBA] =	sst s0  }
0x18: {  	s0 =	sld [smem:$0x3F9D];
	_ =	swait.ge [sflag:s4], $0x0  }
0x19: {  	s7 =	sld [smem:$0x3F9E]  }
0x1a: {  	s8 =	sadd.s32 $0xFFFFE003, lr  }
0x1b: {  	s9 =	sadd.s32 $0xFFFFFEF7, lr;
	s5 =	simm.s32 $0xFFFFFFFF;
	p2 =	slt.u32 s8, $0xFFFFF086  }
0x1c: {  	p1 =	slt.u32 s9, $0xF7A;
	s5 =	simm.s32 @!p2 $0x0  }
0x1d: {  	s5 =	simm.s32 @p1 $0x1;
	p0 =	seq.s32 s7, s2  }
0x1e: {  	s7 =	smul.u32 @!p0 $0xF7A, s2;
	p2 =	seq.s32 @!p0 s5, $0x0  }
0x1f: {  	s9 =	smul.u32 $0xF7A, s1;
	s8 =	simm.s32 @!p0 $0x1BF5;
	p2 =	por !p2, p0  }
0x20: {  	[sflag:s8] =	ssyncset.s32 @!p0 $0xFFFFF086;
	s6 =	sadd.s32 @!p0 s3, s7;
	s7 =	simm.s32 @!p0 $0x108  }
0x21: {  	s3 =	sadd.s32 s3, s9;
	s6 =	sadd.s32 @!p0 $0x88, s6;
	s7 =	simm.s32 @p2 $0x1082  }
0x22: {  	[simem:s7], [sflag:s8] =	dma.local @!p0 [hbm:s6], $0xF7A  }
0x23: {  	s9 =	sor.u32 $0xD0000000, s2;
	s6 =	simm.s32 $0x108;
	_ =	swait.ge @!p0 [sflag:s8], $0x0  }
0x24: {  	s3 =	sadd.s32 $0x88, s3;
	s6 =	simm.s32 @!p1 $0x1082;
	[sflag:s4] =	ssyncset.s32 $0xFFFFF086  }
0x25: {  	[simem:s6], [sflag:s4] =	dma.local [hbm:s3], $0xF7A  }
0x26: {  	[smem:$0x3F9E] =	sst s1;
	(tag) =	ssettag s2;
	_ =	strace s9  }
0x27: {  	s1 =	sld [smem:$0x3FAE]  }
0x28: {  	s2 =	sld [smem:$0x3FAF]  }
0x29: {  	s4 =	sld [smem:$0x3FB1]  }
0x2a: {  	p0 =	seq.s32 s5, $0x0;
	s5 =	sld [smem:$0x3FB2]  }
0x2b: {  	s6 =	sld [smem:$0x3FB3]  }
0x2c: {  	s7 =	sld [smem:$0x3FB4]  }
0x2d: {  	s3 =	simm.s32 $0x108;
	s8 =	sld [smem:$0x3FB5]  }
0x2e: {  	s3 =	simm.s32 @!p0 $0x1082;
	s9 =	sld [smem:$0x3FB6]  }
0x2f: {  	lr =	sadd.s32 s0, s3;
	s0 =	sld [smem:$0x3FAD]  }
0x30: {  	s3 =	sld [smem:$0x3FB0]  }
0x31: {  	[smem:$0x3FB9] =	sst s10  }
0x32: {  	s10 =	sld [smem:$0x3FB7];
	_ =	sdelay $0x3  }
0x33: {  	p0 =	seq.s32 s10, $0x1;
	s10 =	sld [smem:$0x3FB9];
	_ =	sdelay $0x3  }
0x34: {  	[smem:$0x3FB9] =	sst s10  }
0x35: {  	s10 =	sld [smem:$0x3FB8];
	_ =	sdelay $0x3  }
0x36: {  	p1 =	seq.s32 s10, $0x1;
	s10 =	sld [smem:$0x3FB9];
	_ =	sdelay $0x3  }
0x37: {  	[smem:$0x3FB9] =	sst s10  }
0x38: {  	s10 =	sld [smem:$0x3FBA]  }
0x39: {  	_ = 	snop;
	(pc) =	sbr.ind lr, $3  }
0x3a: {  	_ = 	snop  }
0x3b: {  	_ = 	snop  }
0x3c: {  	p2 =	seq.s32 s10, $0x1;
	s10 =	sld [smem:$0x3FB9]  }
0x3d: {  	_ =	shalt  }
0x3e: {  	_ =	shalt  }
0x3f: {  	_ =	shalt  }
0x40: {  	_ =	shalt  }
0x41: {  	_ =	shalt  }
0x42: {  	_ =	shalt  }
0x43: {  	_ =	shalt  }
0x44: {  	_ =	shalt  }
0x45: {  	_ =	shalt  }
0x46: {  	_ =	shalt  }
0x47: {  	_ =	shalt  }
0x48: {  	_ =	shalt  }
0x49: {  	_ =	shalt  }
0x4a: {  	_ =	shalt  }
0x4b: {  	_ =	shalt  }
0x4c: {  	_ =	shalt  }
0x4d: {  	_ =	shalt  }
0x4e: {  	_ =	shalt  }
0x4f: {  	_ =	shalt  }
0x50: {  	_ =	shalt  }
0x51: {  	_ =	shalt  }
0x52: {  	_ =	shalt  }
0x53: {  	_ =	shalt  }
0x54: {  	_ =	shalt  }
0x55: {  	_ =	shalt  }
0x56: {  	_ =	shalt  }
0x57: {  	_ =	shalt  }
0x58: {  	_ =	shalt  }
0x59: {  	_ =	shalt  }
0x5a: {  	_ =	shalt  }
0x5b: {  	_ =	shalt  }
0x5c: {  	_ =	shalt  }
0x5d: {  	_ =	shalt  }
0x5e: {  	_ =	shalt  }
0x5f: {  	_ =	shalt  }
0x60: {  	_ =	shalt  }
0x61: {  	_ =	shalt  }
0x62: {  	_ =	shalt  }
0x63: {  	_ =	shalt  }
0x64: {  	_ =	shalt  }
0x65: {  	_ =	shalt  }
0x66: {  	_ =	shalt  }
0x67: {  	_ =	shalt  }
0x68: {  	_ =	shalt  }
0x69: {  	_ =	shalt  }
0x6a: {  	_ =	shalt  }
0x6b: {  	_ =	shalt  }
0x6c: {  	_ =	shalt  }
0x6d: {  	_ =	shalt  }
0x6e: {  	_ =	shalt  }
0x6f: {  	_ =	shalt  }
0x70: {  	_ =	shalt  }
0x71: {  	_ =	shalt  }
0x72: {  	_ =	shalt  }
0x73: {  	_ =	shalt  }
0x74: {  	_ =	shalt  }
0x75: {  	_ =	shalt  }
0x76: {  	_ =	shalt  }
0x77: {  	_ =	shalt  }
0x78: {  	_ =	shalt  }
0x79: {  	_ =	shalt  }
0x7a: {  	_ =	shalt  }
0x7b: {  	_ =	shalt  }
0x7c: {  	_ =	shalt  }
0x7d: {  	_ =	shalt  }
0x7e: {  	_ =	shalt  }
0x7f: {  	_ =	shalt  }
0x80: {  	_ =	shalt  }
0x81: {  	_ =	shalt  }
0x82: {  	_ =	shalt  }
0x83: {  	_ =	shalt  }
0x84: {  	_ =	shalt  }
0x85: {  	_ =	shalt  }
0x86: {  	_ =	shalt  }
0x87: {  	_ =	shalt  }
.Lfunc_end0:
.L_simem_size_0:
called_computation_lowered:
.L_overlay_start_0:
0x88: {  	s2 =	sld [smem:$0x3FD9]  }
0x89: {  	s3 =	sld [smem:$0x3FFE];
	_ =	sdelay $0x1  }
0x8a: {  	s1 =	srdreg.scid  }
0x8b: {  	s0 =	sand.u32 $0x1, s1  }
0x8c: {  	s16 =	sshll.u32 s0, $0xA;
	s2 =	sadd.s32 s3, s2  }
0x8d: {  	s2 =	sadd.s32 s2, s16  }
0x8e: {  	[smem:$0x3FC5] =	sst s2  }
0x8f: {  	_ = 	snop  }
0x90: {  	(tm) =	ssettm $0x1  }
0x91: {  	s17 =	sld [smem:$0x3FFB];
	_ =	sdelay $0x3  }
0x92: {  	_ =	strace s17  }
0x93: {  	s2 =	sld [smem:$0x3FFC];
	_ =	sdelay $0x3  }
0x94: {  	_ =	strace s2  }
0x95: {  	s2 =	sld [smem:$0x3FFD];
	_ =	sdelay $0x3  }
0x96: {  	_ =	strace s2  }
0x97: {  	_ =	strace $0x8FFFFFFF  }
0x98: {  	s18 =	sld [smem:$0x3FDB];
	_ =	sdelay $0x1  }
0x99: {  	s19 =	simm.s32 $_scs_section_size  }
0x9a: {  	s4 =	simm.s32 $_size__tile_overlayer_lowered;
	s5 =	simm.s32 $_tile_overlayer_lowered  }
0x9b: {  	s22 =	simm.s32 $0x1BFF;
	s21 =	sshll.u32 s5, $0x1;
	s2 =	sadd.s32 s19, s18  }
0x9c: {  	s6 =	simm.s32 $0x0;
	s20 =	sshll.u32 s4, $0x1;
	s4 =	sadd.s32 s21, s2  }
0x9d: {  	[timem:s6], [sflag:s22] =	dma.local [hbm:s4], s20  }
0x9e: {  	_ =	swait.ge [sflag:s22], s20  }
0x9f: {  	s3 =	ssub.s32 $0x0, s20;
	[sflag:s22] =	ssyncset.done $0x0  }
0xa0: {  	[sflag:s22] =	ssyncadd.s32 s3;
	_ =	sdelay $0x1  }
0xa1: {  	s23 =	simm.s32 $0x1B8B  }
0xa2: {  	_ =	swait.ge [sflag:s23], $0x1  }
0xa3: {  	[sflag:s23] =	ssyncset.done $0x0  }
0xa4: {  	s25 =	simm.s32 $0x1B8E;
	s24 =	sld [smem:$0x3FFE];
	[sflag:s23] =	ssyncadd.s32 $0xFFFFFFFF  }
0xa5: {  	s26 =	simm.s32 $execute0_lowered;
	[smem:$0x3FD2] =	sst s25  }
0xa6: {  	s4 =	sshll.u32 s26, $0x1;
	_ =	strace $0x80000046;
	[dreg:$0x1] =	wrdreg $0xFFFFFFFF  }
0xa7: {  	s28 =	simm.s32 $_size_execute0_lowered;
	s2 =	sadd.s32 s2, s4;
	[dreg:$0x0] =	wrdreg $0x0  }
0xa8: {  	s4 =	sshll.u32 s28, $0x1;
	[dreg:$0x2] =	wrdreg s2  }
0xa9: {  	[dreg:$0x3] =	wrdreg s4  }
0xaa: {  	[dreg:$0x4] =	wrdreg $0xC0  }
0xab: {  	_ =	task [dreg:s6], $0x5FFFF  }
0xac: {  	[dreg:$0x1] =	wrdreg $0xFFFFFFFF  }
0xad: {  	[dreg:$0x0] =	wrdreg $0x60  }
0xae: {  	[dreg:$0x2] =	wrdreg s24  }
0xaf: {  	[dreg:$0x3] =	wrdreg $0x1D800  }
0xb0: {  	[dreg:$0x4] =	wrdreg $0x1E000  }
0xb1: {  	[dreg:$0x5] =	wrdreg $0x9  }
0xb2: {  	_ =	task.clear_ibuf [dreg:s6], $0x6FFFF;
	_ =	strace $0x90000046  }
0xb3: {  	s29 =	simm.s32 $0x9;
	_ =	strace $0x80000048  }
0xb4: {  	_ =	swait.ge [sflag:s29], $0x1  }
0xb5: {  	[sflag:s29] =	ssyncadd.s32 $0xFFFFFFFF  }
0xb6: {  	_ =	strace $0x90000048  }
0xb7: {  	_ =	sfence  }
0xb8: {  	s30 =	sld [smem:$0x0];
	_ =	sdelay $0x2  }
0xb9: {  	s31 =	sshll.u32 s1, $0xD;
	s1 =	sshrl.u32 s1, $0x2  }
0xba: {  	s3 =	sand.u32 $0x4000, s31;
	s1 =	sadd.s32 s1, s30  }
0xbb: {  	s0 =	sor.u32 s3, s0;
	s1 =	sshll.u32 s1, $0x11  }
0xbc: {  	s0 =	sor.u32 s1, s0  }
0xbd: {  	s0 =	sadd.s32 $0x8F2B, s0  }
0xbe: {  	[sflag:s0] =	ssyncadd.remote.s32 $0x1  }
0xbf: {  	_ =	sfence.sel $0xFFFF  }
0xc0: {  	[dreg:$0x0] =	wrdreg $0xFFFFFFFF;
	(pc) =	sbr.abs _section_cstart, $3  }
0xc1: {  	[dreg:$0x1] =	wrdreg $0xFFFFFFFF  }
0xc2: {  	_ =	task.clear_ibuf [dreg:s6], $0x2FFFF;
	_ =	strace $0x9FFFFFFF  }
0xc3: {  	(tm) =	ssettm $0x7FFFFFFF  }
tec
execute0_lowered:
.L_overlay_start_1:
0x0: {  	(tag) =	ssettag $0x1  }
0x1: {  	s0 =	rddreg [dreg:$0x0]  }
0x2: {  	s1 =	rddreg [dreg:$0x1]  }
0x3: {  	s2 =	rddreg [dreg:$0x2]  }
0x4: {  	s3 =	simm.s32 $0x0;
	s4 =	srdreg.scid;
	s21 =	stileid.u32  }
0x5: {  	s13 =	simm.s32 $0x80;
	s14 =	simm.s32 $0x100;
	s15 =	simm.s32 $0x1  }
0x6: {  	s19 =	simm.s32 $0xD00;
	s20 =	simm.s32 $0xD80;
	s24 =	simm.s32 $0x0  }
0x7: {  	[smem:$0x7FF] =	sst s3;
	s4 =	sand.u32 $0x1, s4;
	s6 =	sshll.u32 s21, $0x8  }
0x8: {  	s8 =	sshll.u32 s21, $0x7;
	s30 =	sshll.u32 s21, $0x9;
	p0 =	sne.s32 s21, $0x0  }
0x9: {  	_ =	strace $0x80000047;
	s5 =	sshll.u32 s4, $0x4;
	s4 =	ssub.s32 $0x2, s4  }
.Ltmp0:
0xa: {  	s9 =	sadd.s32 s8, s2;
	s10 =	sadd.s32 s8, s1;
	(pc) =	sbr.rel .LBB2_1-.Ltmp0, $4  }
0xb: {  	s11 =	sadd.s32 s5, s0;
	s7 =	sshrl.u32 s4, $0x1;
	s5 =	sor.u32 s5, s6  }
0xc: {  	s18 =	sshrl.u32 s30, $0x2;
	s12 =	ssub.s32 s4, s7;
	s5 =	sadd.s32 s0, s5  }
0xd: {  	s4 =	sshll.u32 s21, $0xA;
	s31 =	sadd.s32 $0x3000, s11;
	s6 =	sadd.s32 $0x2000, s5  }
0xe: {  	v0 =	vimm.s32 $0x0;
	v1 =	vlaneseq.u32;
	vm0 =	vcmask $0x300;
	s7 =	sadd.s32 $0x1000, s5;
	[dreg:$0x4] =	wrdreg s31;
	s12 =	smax.u32 s12, $0x1  }
.LBB2_15:
0xf: {  	s24 =	sadd.s32 $0x1, s24  }
0x10: {  	p1 =	sne.s32 s24, s12  }
.Ltmp1:
0x11: {  	_ = 	snop;
	(pc) =	sbr.rel @!p1 .LBB2_16-.Ltmp1, $1  }
0x12: {  	_ =	sdelay $0x3  }
.LBB2_1:
0x13: {  	s0 =	simm.s32 $0x0  }
0x14: {  	[tilespmem:s0], [sflag:$0x1] =	stream.strided.gather [hbm4b:s5+s13], $0x400, s14, s13, $0x38;
	[tilespmem:$0x1F00] =	vst v63  }
0x15: {  	_ =	swait.ge [sflag:s15], $0x400  }
0x16: {  	[sflag:s15] =	ssyncset.done $0x0  }
0x17: {  	s30 =	simm.s32 $0x400;
	[sflag:s15] =	ssyncadd.s32 $0xFFFFFC00  }
0x18: {  	[tilespmem:s30], [sflag:$0x1] =	stream.strided.gather [hbm4b:s6+s13], $0x400, s14, s13, $0x38;
	[tilespmem:$0x1F00] =	vst v63  }
0x19: {  	_ =	swait.ge [sflag:s15], $0x400  }
0x1a: {  	[sflag:s15] =	ssyncset.done $0x0  }
0x1b: {  	s31 =	simm.s32 $0x800;
	[sflag:s15] =	ssyncadd.s32 $0xFFFFFC00  }
0x1c: {  	[tilespmem:s31], [sflag:$0x1] =	stream.strided.gather [hbm4b:s7+s13], $0x400, s14, s13, $0x38;
	[tilespmem:$0x1F00] =	vst v63  }
0x1d: {  	_ =	swait.ge [sflag:s15], $0x400  }
0x1e: {  	[sflag:s15] =	ssyncset.done $0x0  }
0x1f: {  	s25 =	simm.s32 $0x3F000000;
	[sflag:s15] =	ssyncadd.s32 $0xFFFFFC00  }
0x20: {  	s28 =	simm.s32 $0x49F42400;
	s26 =	simm.s32 $0x0;
	[bflag:$0x0] =	sbarrier.arrive $0xFFFF  }
.LBB2_2:
0x21: {  	s0 =	ssub.s32 s28, s25  }
0x22: {  	s22 =	sadd.s32 $0x1, s0;
	p1 =	slt.u32 s0, $0x7FFFFFFF;
	s0 =	simm.s32 $0x1  }
0x23: {  	s0 =	simm.s32 @!p1 $0x0;
	s23 =	sshra.s32 s22, $0x1F  }
0x24: {  	s21 =	sand.u32 $0x1, s22;
	s0 =	sadd.s32 s0, s23  }
0x25: {  	s29 =	sshrl.u32 s22, $0x1F;
	p2 =	seq.s32 s21, $0x1;
	p6 =	sne.s32 s0, $0x1  }
0x26: {  	s31 =	simm.s32 $0x0;
	s22 =	sadd.s32 s29, s22;
	p1 =	por !p6, !p2  }
0x27: {  	s23 =	sshra.s32 s22, $0x1;
	s22 =	simm.s32 $0x1;
	p1 =	por !p1, !p1  }
0x28: {  	v3 =	vld [tilespmem:s31+$0x0];
	s0 =	sadd.s32 s25, s23;
	s22 =	simm.s32 @!p1 $0x0  }
0x29: {  	v5 =	vld [tilespmem:s31+$0x10];
	s29 =	ssub.s32 s0, s22  }
0x2a: {  	v7 =	vld [tilespmem:s31+$0x20];
	v2 =	vmov s29  }
0x2b: {  	v6 =	vld [tilespmem:s31+$0x30];
	v2 =	vbroadcast v2, $0x0  }
0x2c: {  	v4 =	vld [tilespmem:s31+$0x40]  }
0x2d: {  	vm1 =	vge.f32 v3, v2;
	v3 =	vld [tilespmem:s31+$0x50]  }
0x2e: {  	v8 =	vimm.s32 $0x0;
	v9 =	vsel vm1, $0x1, v0;
	vm1 =	vge.f32 v5, v2;
	v5 =	vld [tilespmem:s31+$0x60]  }
0x2f: {  	s30 =	simm.s32 $0x400;
	s0 =	simm.s32 $0x80;
	v8 =	vadd.s32 v9, v8;
	v9 =	vsel vm1, $0x1, v0;
	vm1 =	vge.f32 v7, v2;
	v7 =	vld [tilespmem:s31+$0x70]  }
.LBB2_3:
0x30: {  	p1 =	sne.s32 s30, $0xE00;
	v10 =	vld [tilespmem:s0+$0x0];
	v8 =	vadd.s32 v9, v8;
	v9 =	vsel vm1, $0x1, v0;
	vm1 =	vge.f32 v6, v2  }
0x31: {  	v11 =	vld [tilespmem:s0+$0x10];
	v6 =	vadd.s32 v9, v8;
	v8 =	vsel vm1, $0x1, v0;
	vm1 =	vge.f32 v4, v2  }
0x32: {  	v12 =	vld [tilespmem:s0+$0x20];
	v4 =	vadd.s32 v8, v6;
	v8 =	vsel vm1, $0x1, v0;
	vm1 =	vge.f32 v3, v2  }
.Ltmp2:
0x33: {  	v6 =	vld [tilespmem:s0+$0x30];
	v3 =	vadd.s32 v8, v4;
	v8 =	vsel vm1, $0x1, v0;
	vm1 =	vge.f32 v5, v2;
	(pc) =	sbr.rel @p1 .LBB2_3-.Ltmp2, $4  }
0x34: {  	v4 =	vld [tilespmem:s0+$0x40];
	v5 =	vadd.s32 v8, v3;
	v8 =	vsel vm1, $0x1, v0;
	vm1 =	vge.f32 v7, v2  }
0x35: {  	vm2 =	vge.f32 v10, v2;
	v3 =	vld [tilespmem:s0+$0x50];
	v7 =	vadd.s32 v8, v5;
	v8 =	vsel vm1, $0x1, v0  }
0x36: {  	v9 =	vsel vm2, $0x1, v0;
	vm1 =	vge.f32 v11, v2;
	v5 =	vld [tilespmem:s0+$0x60];
	v7 =	vadd.s32 v8, v7  }
0x37: {  	v8 =	vadd.s32 v9, v7;
	v9 =	vsel vm1, $0x1, v0;
	vm1 =	vge.f32 v12, v2;
	v7 =	vld [tilespmem:s0+$0x70];
	s0 =	sshra.s32 s30, $0x2;
	s30 =	sadd.s32 $0x200, s30  }
0x38: {  	v10 =	vld [tilespmem:s0+$0x0];
	v8 =	vadd.s32 v9, v8;
	v35 =	vsel vm1, $0x1, v0;
	vm1 =	vge.f32 v6, v2  }
0x39: {  	v36 =	vld [tilespmem:s0+$0x10];
	v8 =	vadd.s32 v35, v8;
	v37 =	vsel vm1, $0x1, v0;
	vm1 =	vge.f32 v4, v2  }
0x3a: {  	v38 =	vld [tilespmem:s0+$0x20];
	v8 =	vadd.s32 v37, v8;
	v39 =	vsel vm1, $0x1, v0;
	vm1 =	vge.f32 v3, v2  }
0x3b: {  	v3 =	vld [tilespmem:s0+$0x30];
	v8 =	vadd.s32 v39, v8;
	v40 =	vsel vm1, $0x1, v0;
	vm1 =	vge.f32 v5, v2  }
0x3c: {  	v41 =	vld [tilespmem:s0+$0x40];
	v8 =	vadd.s32 v40, v8;
	v42 =	vsel vm1, $0x1, v0;
	vm1 =	vge.f32 v7, v2  }
0x3d: {  	v43 =	vld [tilespmem:s0+$0x50];
	vm2 =	vge.f32 v10, v2;
	v8 =	vadd.s32 v42, v8;
	v44 =	vsel vm1, $0x1, v0  }
0x3e: {  	v45 =	vld [tilespmem:s0+$0x60];
	vm1 =	vge.f32 v36, v2;
	v10 =	vsel vm2, $0x1, v0;
	v8 =	vadd.s32 v44, v8  }
0x3f: {  	v47 =	vld [tilespmem:s0+$0x70];
	v46 =	vsel vm1, $0x1, v0;
	vm1 =	vge.f32 v38, v2;
	v8 =	vadd.s32 v10, v8  }
0x40: {  	v48 =	vsel vm1, $0x1, v0;
	vm1 =	vge.f32 v3, v2;
	v8 =	vadd.s32 v46, v8  }
0x41: {  	v49 =	vsel vm1, $0x1, v0;
	vm1 =	vge.f32 v41, v2;
	v3 =	vadd.s32 v48, v8  }
0x42: {  	v5 =	vsel vm1, $0x1, v0;
	vm1 =	vge.f32 v43, v2;
	v3 =	vadd.s32 v49, v3  }
0x43: {  	v50 =	vsel vm1, $0x1, v0;
	vm1 =	vge.f32 v45, v2;
	v3 =	vadd.s32 v5, v3  }
0x44: {  	s3 =	sshll.u32 s26, $0xB;
	v51 =	vsel vm1, $0x1, v0;
	vm1 =	vge.f32 v47, v2;
	v3 =	vadd.s32 v50, v3  }
0x45: {  	s0 =	sand.u32 $0x800, s3;
	v2 =	vadd.s32 v51, v3;
	v3 =	vsel vm1, $0x1, v0  }
0x46: {  	s0 =	sadd.s32 s0, s2;
	v2 =	vadd.s32 v3, v2  }
0x47: {  	s22 =	sadd.s32 s18, s0;
	[tilespmem:$0xD00] =	vst v2  }
0x48: {  	[spmem:s22] =	stream.linear.scatter [tilespmem:s19], [sflag:$0x1], $0x80, $0x38;
	[tilespmem:$0x1F00] =	vst v63  }
0x49: {  	_ =	swait.ge [sflag:s15], $0x80  }
0x4a: {  	[sflag:s15] =	ssyncset.done $0x0  }
0x4b: {  	[sflag:s15] =	ssyncadd.s32 $0xFFFFFF80  }
0x4c: {  	[bflag:$0x0] =	sbarrier.arrive $0xFFFF  }
0x4d: {  	[tilespmem:s20], [sflag:$0x1] =	stream.linear.gather [spmem:s0], $0x800, $0x38;
	[tilespmem:$0x1F00] =	vst v63  }
0x4e: {  	_ =	swait.ge [sflag:s15], $0x800  }
0x4f: {  	[sflag:s15] =	ssyncset.done $0x0  }
0x50: {  	[sflag:s15] =	ssyncadd.s32 $0xFFFFF800  }
0x51: {  	v2 =	vld [tilespmem:$0xD80]  }
0x52: {  	v3 =	vld [tilespmem:$0xE00]  }
0x53: {  	v52 =	vld [tilespmem:$0xE80]  }
0x54: {  	v53 =	vld [tilespmem:$0xF00]  }
0x55: {  	v54 =	vld [tilespmem:$0xF80]  }
0x56: {  	v55 =	vld [tilespmem:$0x1000]  }
0x57: {  	v2 =	vadd.s32 v2, v3;
	v3 =	vld [tilespmem:$0x1080]  }
0x58: {  	v56 =	vld [tilespmem:$0x1100];
	v2 =	vadd.s32 v52, v2  }
0x59: {  	v57 =	vld [tilespmem:$0x1180];
	v2 =	vadd.s32 v53, v2  }
0x5a: {  	v58 =	vld [tilespmem:$0x1200];
	v2 =	vadd.s32 v54, v2  }
0x5b: {  	v59 =	vld [tilespmem:$0x1280];
	v2 =	vadd.s32 v55, v2  }
0x5c: {  	v2 =	vadd.s32 v3, v2;
	v3 =	vld [tilespmem:$0x1300]  }
0x5d: {  	v60 =	vld [tilespmem:$0x1380];
	v2 =	vadd.s32 v56, v2  }
0x5e: {  	v61 =	vld [tilespmem:$0x1400];
	v2 =	vadd.s32 v57, v2  }
0x5f: {  	v62 =	vld [tilespmem:$0x1480];
	v2 =	vadd.s32 v58, v2  }
0x60: {  	v63 =	vld [tilespmem:$0x1500];
	v2 =	vadd.s32 v59, v2  }
0x61: {  	v2 =	vadd.s32 v3, v2  }
0x62: {  	v2 =	vadd.s32 v60, v2  }
0x63: {  	v2 =	vadd.s32 v61, v2  }
0x64: {  	v2 =	vadd.s32 v62, v2  }
0x65: {  	v2 =	vadd.s32 v63, v2  }
0x66: {  	(v2sf) =	vpush v2, $0x0  }
0x67: {  	(v2sf) =	vpush v2, $0x1  }
0x68: {  	(v2sf) =	vpush v2, $0x2  }
0x69: {  	(v2sf) =	vpush v2, $0x3  }
0x6a: {  	(v2sf) =	vpush v2, $0x4  }
0x6b: {  	(v2sf) =	vpush v2, $0x5  }
0x6c: {  	(v2sf) =	vpush v2, $0x6  }
0x6d: {  	(v2sf) =	vpush v2, $0x7  }
0x6e: {  	(v2sf) =	vpush v2, $0x8  }
0x6f: {  	(v2sf) =	vpush v2, $0x9  }
0x70: {  	(v2sf) =	vpush v2, $0xA  }
0x71: {  	(v2sf) =	vpush v2, $0xB  }
0x72: {  	(v2sf) =	vpush v2, $0xC  }
0x73: {  	(v2sf) =	vpush v2, $0xD  }
0x74: {  	(v2sf) =	vpush v2, $0xE  }
0x75: {  	s11 =	spop (v2sf);
	(v2sf) =	vpush v2, $0xF  }
0x76: {  	s16 =	spop (v2sf)  }
0x77: {  	s0 =	sadd.s32 s16, s11;
	s17 =	spop (v2sf)  }
0x78: {  	s0 =	sadd.s32 s17, s0;
	s21 =	spop (v2sf)  }
0x79: {  	s0 =	sadd.s32 s21, s0;
	s23 =	spop (v2sf)  }
0x7a: {  	s0 =	sadd.s32 s23, s0;
	s30 =	spop (v2sf)  }
0x7b: {  	s0 =	sadd.s32 s30, s0;
	s31 =	spop (v2sf)  }
0x7c: {  	s0 =	sadd.s32 s31, s0;
	s1 =	spop (v2sf)  }
0x7d: {  	s0 =	sadd.s32 s1, s0;
	s3 =	spop (v2sf)  }
0x7e: {  	s0 =	sadd.s32 s3, s0;
	s11 =	spop (v2sf)  }
0x7f: {  	s0 =	sadd.s32 s11, s0;
	s16 =	spop (v2sf)  }
0x80: {  	s0 =	sadd.s32 s16, s0;
	s17 =	spop (v2sf)  }
0x81: {  	s0 =	sadd.s32 s17, s0;
	s21 =	spop (v2sf)  }
0x82: {  	s26 =	sadd.s32 $0x1, s26;
	s0 =	sadd.s32 s21, s0;
	s23 =	spop (v2sf)  }
0x83: {  	p2 =	sne.s32 s26, $0x1C;
	s0 =	sadd.s32 s23, s0;
	s30 =	spop (v2sf)  }
.Ltmp3:
0x84: {  	s0 =	sadd.s32 s30, s0;
	s31 =	spop (v2sf);
	(pc) =	sbr.rel @p2 .LBB2_2-.Ltmp3, $4  }
0x85: {  	s0 =	sadd.s32 s31, s0  }
0x86: {  	p1 =	sgt.s32 s0, $0x26A7;
	s0 =	sadd.s32 $0xFFFFFFFF, s29  }
0x87: {  	s0 =	smov.u32 @p1 s28  }
0x88: {  	s25 =	smov.u32 @p1 s29;
	s28 =	smov.u32 s0  }
0x89: {  	s22 =	simm.s32 $0x0  }
0x8a: {  	v3 =	vld [tilespmem:s22+$0x0]  }
0x8b: {  	v5 =	vld [tilespmem:s22+$0x10]  }
0x8c: {  	v2 =	vmov s25;
	v7 =	vld [tilespmem:s22+$0x20]  }
0x8d: {  	v2 =	vbroadcast v2, $0x0;
	v6 =	vld [tilespmem:s22+$0x30]  }
0x8e: {  	v4 =	vld [tilespmem:s22+$0x40]  }
0x8f: {  	vm1 =	vgt.f32 v3, v2;
	v3 =	vld [tilespmem:s22+$0x50]  }
0x90: {  	v8 =	vimm.s32 $0x0;
	v9 =	vsel vm1, $0x1, v0;
	vm1 =	vgt.f32 v5, v2;
	v5 =	vld [tilespmem:s22+$0x60]  }
0x91: {  	s0 =	simm.s32 $0x80;
	s25 =	simm.s32 $0x400;
	v8 =	vadd.s32 v9, v8;
	v9 =	vsel vm1, $0x1, v0;
	vm1 =	vgt.f32 v7, v2;
	v7 =	vld [tilespmem:s22+$0x70]  }
.LBB2_6:
0x92: {  	p1 =	sne.s32 s25, $0xE00;
	v10 =	vld [tilespmem:s0+$0x0];
	v8 =	vadd.s32 v9, v8;
	v9 =	vsel vm1, $0x1, v0;
	vm1 =	vgt.f32 v6, v2  }
0x93: {  	v11 =	vld [tilespmem:s0+$0x10];
	v6 =	vadd.s32 v9, v8;
	v8 =	vsel vm1, $0x1, v0;
	vm1 =	vgt.f32 v4, v2  }
0x94: {  	v12 =	vld [tilespmem:s0+$0x20];
	v4 =	vadd.s32 v8, v6;
	v8 =	vsel vm1, $0x1, v0;
	vm1 =	vgt.f32 v3, v2  }
.Ltmp4:
0x95: {  	v6 =	vld [tilespmem:s0+$0x30];
	v3 =	vadd.s32 v8, v4;
	v8 =	vsel vm1, $0x1, v0;
	vm1 =	vgt.f32 v5, v2;
	(pc) =	sbr.rel @p1 .LBB2_6-.Ltmp4, $4  }
0x96: {  	v4 =	vld [tilespmem:s0+$0x40];
	v5 =	vadd.s32 v8, v3;
	v8 =	vsel vm1, $0x1, v0;
	vm1 =	vgt.f32 v7, v2  }
0x97: {  	vm2 =	vgt.f32 v10, v2;
	v3 =	vld [tilespmem:s0+$0x50];
	v7 =	vadd.s32 v8, v5;
	v8 =	vsel vm1, $0x1, v0  }
0x98: {  	v9 =	vsel vm2, $0x1, v0;
	vm1 =	vgt.f32 v11, v2;
	v5 =	vld [tilespmem:s0+$0x60];
	v7 =	vadd.s32 v8, v7  }
0x99: {  	v8 =	vadd.s32 v9, v7;
	v9 =	vsel vm1, $0x1, v0;
	vm1 =	vgt.f32 v12, v2;
	v7 =	vld [tilespmem:s0+$0x70];
	s0 =	sshra.s32 s25, $0x2;
	s25 =	sadd.s32 $0x200, s25  }
0x9a: {  	v10 =	vld [tilespmem:s0+$0x0];
	v8 =	vadd.s32 v9, v8;
	v32 =	vsel vm1, $0x1, v0;
	vm1 =	vgt.f32 v6, v2  }
0x9b: {  	v33 =	vld [tilespmem:s0+$0x10];
	v8 =	vadd.s32 v32, v8;
	v34 =	vsel vm1, $0x1, v0;
	vm1 =	vgt.f32 v4, v2  }
0x9c: {  	v35 =	vld [tilespmem:s0+$0x20];
	v8 =	vadd.s32 v34, v8;
	v36 =	vsel vm1, $0x1, v0;
	vm1 =	vgt.f32 v3, v2  }
0x9d: {  	v3 =	vld [tilespmem:s0+$0x30];
	v8 =	vadd.s32 v36, v8;
	v37 =	vsel vm1, $0x1, v0;
	vm1 =	vgt.f32 v5, v2  }
0x9e: {  	v38 =	vld [tilespmem:s0+$0x40];
	v8 =	vadd.s32 v37, v8;
	v39 =	vsel vm1, $0x1, v0;
	vm1 =	vgt.f32 v7, v2  }
0x9f: {  	v40 =	vld [tilespmem:s0+$0x50];
	vm2 =	vgt.f32 v10, v2;
	v8 =	vadd.s32 v39, v8;
	v41 =	vsel vm1, $0x1, v0  }
0xa0: {  	v42 =	vld [tilespmem:s0+$0x60];
	vm1 =	vgt.f32 v33, v2;
	v10 =	vsel vm2, $0x1, v0;
	v8 =	vadd.s32 v41, v8  }
0xa1: {  	v44 =	vld [tilespmem:s0+$0x70];
	v43 =	vsel vm1, $0x1, v0;
	vm1 =	vgt.f32 v35, v2;
	v8 =	vadd.s32 v10, v8  }
0xa2: {  	v45 =	vsel vm1, $0x1, v0;
	vm1 =	vgt.f32 v3, v2;
	v8 =	vadd.s32 v43, v8  }
0xa3: {  	v46 =	vsel vm1, $0x1, v0;
	vm1 =	vgt.f32 v38, v2;
	v3 =	vadd.s32 v45, v8  }
0xa4: {  	v5 =	vsel vm1, $0x1, v0;
	vm1 =	vgt.f32 v40, v2;
	v3 =	vadd.s32 v46, v3  }
0xa5: {  	v47 =	vsel vm1, $0x1, v0;
	vm1 =	vgt.f32 v42, v2;
	v3 =	vadd.s32 v5, v3  }
0xa6: {  	v48 =	vsel vm1, $0x1, v0;
	vm1 =	vgt.f32 v44, v2;
	v3 =	vadd.s32 v47, v3  }
0xa7: {  	v4 =	vsel vm1, $0x1, v0;
	v3 =	vadd.s32 v48, v3  }
0xa8: {  	v3 =	vadd.s32 v4, v3  }
0xa9: {  	[tilespmem:$0xD00] =	vst v3  }
0xaa: {  	[spmem:s9] =	stream.linear.scatter [tilespmem:s19], [sflag:$0x1], $0x80, $0x38;
	[tilespmem:$0x1F00] =	vst v63  }
0xab: {  	_ =	swait.ge [sflag:s15], $0x80  }
0xac: {  	[sflag:s15] =	ssyncset.done $0x0  }
0xad: {  	[sflag:s15] =	ssyncadd.s32 $0xFFFFFF80  }
0xae: {  	[bflag:$0x0] =	sbarrier.arrive $0xFFFF  }
0xaf: {  	[tilespmem:s20], [sflag:$0x1] =	stream.linear.gather [spmem:s2], $0x800, $0x38;
	[tilespmem:$0x1F00] =	vst v63  }
0xb0: {  	_ =	swait.ge [sflag:s15], $0x800  }
0xb1: {  	[sflag:s15] =	ssyncset.done $0x0  }
0xb2: {  	[sflag:s15] =	ssyncadd.s32 $0xFFFFF800  }
0xb3: {  	v3 =	vld [tilespmem:$0xD80]  }
0xb4: {  	v49 =	vld [tilespmem:$0xE00]  }
0xb5: {  	v50 =	vld [tilespmem:$0xE80]  }
0xb6: {  	v51 =	vld [tilespmem:$0xF00]  }
0xb7: {  	v52 =	vld [tilespmem:$0xF80]  }
0xb8: {  	v53 =	vld [tilespmem:$0x1000]  }
0xb9: {  	v54 =	vld [tilespmem:$0x1080];
	v3 =	vadd.s32 v3, v49  }
0xba: {  	v55 =	vld [tilespmem:$0x1100];
	v3 =	vadd.s32 v50, v3  }
0xbb: {  	v56 =	vld [tilespmem:$0x1180];
	v3 =	vadd.s32 v51, v3  }
0xbc: {  	v57 =	vld [tilespmem:$0x1200];
	v3 =	vadd.s32 v52, v3  }
0xbd: {  	v58 =	vld [tilespmem:$0x1280];
	v3 =	vadd.s32 v53, v3  }
0xbe: {  	v59 =	vld [tilespmem:$0x1300];
	v3 =	vadd.s32 v54, v3  }
0xbf: {  	v60 =	vld [tilespmem:$0x1380];
	v3 =	vadd.s32 v55, v3  }
0xc0: {  	v61 =	vld [tilespmem:$0x1400];
	v3 =	vadd.s32 v56, v3  }
0xc1: {  	v62 =	vld [tilespmem:$0x1480];
	v3 =	vadd.s32 v57, v3  }
0xc2: {  	v63 =	vld [tilespmem:$0x1500];
	v3 =	vadd.s32 v58, v3  }
0xc3: {  	v3 =	vadd.s32 v59, v3  }
0xc4: {  	v3 =	vadd.s32 v60, v3  }
0xc5: {  	v3 =	vadd.s32 v61, v3  }
0xc6: {  	v3 =	vadd.s32 v62, v3  }
0xc7: {  	v3 =	vadd.s32 v63, v3  }
0xc8: {  	(v2sf) =	vpush v3, $0x0  }
0xc9: {  	(v2sf) =	vpush v3, $0x1  }
0xca: {  	(v2sf) =	vpush v3, $0x2  }
0xcb: {  	(v2sf) =	vpush v3, $0x3  }
0xcc: {  	(v2sf) =	vpush v3, $0x4  }
0xcd: {  	(v2sf) =	vpush v3, $0x5  }
0xce: {  	(v2sf) =	vpush v3, $0x6  }
0xcf: {  	(v2sf) =	vpush v3, $0x7  }
0xd0: {  	(v2sf) =	vpush v3, $0x8  }
0xd1: {  	(v2sf) =	vpush v3, $0x9  }
0xd2: {  	(v2sf) =	vpush v3, $0xA  }
0xd3: {  	(v2sf) =	vpush v3, $0xB  }
0xd4: {  	(v2sf) =	vpush v3, $0xC  }
0xd5: {  	(v2sf) =	vpush v3, $0xD  }
0xd6: {  	(v2sf) =	vpush v3, $0xE  }
0xd7: {  	s25 =	spop (v2sf);
	(v2sf) =	vpush v3, $0xF  }
0xd8: {  	s22 =	spop (v2sf)  }
0xd9: {  	s23 =	spop (v2sf);
	s0 =	sadd.s32 s25, s22  }
0xda: {  	s26 =	spop (v2sf);
	s0 =	sadd.s32 s23, s0  }
0xdb: {  	s30 =	spop (v2sf);
	s0 =	sadd.s32 s26, s0  }
0xdc: {  	s31 =	spop (v2sf);
	s0 =	sadd.s32 s30, s0  }
0xdd: {  	s1 =	spop (v2sf);
	s0 =	sadd.s32 s31, s0  }
0xde: {  	s3 =	spop (v2sf);
	s0 =	sadd.s32 s1, s0  }
0xdf: {  	s11 =	spop (v2sf);
	s0 =	sadd.s32 s3, s0  }
0xe0: {  	s16 =	spop (v2sf);
	s0 =	sadd.s32 s11, s0  }
0xe1: {  	s17 =	spop (v2sf);
	s0 =	sadd.s32 s16, s0  }
0xe2: {  	s21 =	spop (v2sf);
	s0 =	sadd.s32 s17, s0  }
0xe3: {  	s25 =	spop (v2sf);
	s0 =	sadd.s32 s21, s0  }
0xe4: {  	s26 =	spop (v2sf);
	s0 =	sadd.s32 s25, s0  }
0xe5: {  	s30 =	spop (v2sf);
	s0 =	sadd.s32 s26, s0  }
0xe6: {  	s31 =	spop (v2sf);
	s0 =	sadd.s32 s30, s0  }
0xe7: {  	s29 =	simm.s32 $0x3FFF;
	s0 =	sadd.s32 s31, s0  }
0xe8: {  	s28 =	simm.s32 $0x0;
	s25 =	simm.s32 $0x0;
	s26 =	ssub.s32 $0x26A8, s0  }
.LBB2_8:
0xe9: {  	s0 =	sadd.s32 s25, s29  }
0xea: {  	s31 =	simm.s32 $0x40;
	s17 =	sadd.s32 $0x0, s4;
	s22 =	sand.u32 $0x1, s0  }
0xeb: {  	p1 =	slt.s32 s0, $0x1;
	s16 =	sshrl.u32 s0, $0x1F;
	v4 =	vld [tilespmem:s31+$0x30];
	p2 =	seq.s32 s22, $0x1  }
0xec: {  	v5 =	vld [tilespmem:s31+$0x20];
	s21 =	sadd.s32 $0x60, s17;
	s23 =	sadd.s32 $0x70, s17;
	p1 =	por !p1, !p2  }
0xed: {  	v6 =	vld [tilespmem:s31+$0x10];
	s0 =	sadd.s32 s16, s0;
	s22 =	simm.s32 $0x1;
	p1 =	por !p1, !p1  }
0xee: {  	v7 =	vimm.s32 $0x0;
	v8 =	vld [tilespmem:s31+$0x0];
	v11 =	vor.u32 s17, v1;
	s1 =	sadd.s32 $0x30, s17;
	s0 =	sshra.s32 s0, $0x1;
	s22 =	simm.s32 @!p1 $0x0  }
0xef: {  	v9 =	vld [tilespmem:s31+$0xFFFFFFF0];
	s11 =	sadd.s32 $0x40, s17;
	s16 =	sadd.s32 $0x50, s17;
	v12 =	vor.u32 s21, v1;
	v13 =	vor.u32 s23, v1;
	v14 =	vor.u32 s1, v1;
	s30 =	ssub.s32 s0, s22  }
0xf0: {  	v10 =	vld [tilespmem:s31+$0xFFFFFFC0];
	s23 =	sadd.s32 $0x20, s17;
	v15 =	vor.u32 s11, v1;
	v16 =	vor.u32 s16, v1;
	s22 =	sadd.s32 $0x10, s17;
	s0 =	simm.s32 $0x80;
	v3 =	vmov s30  }
.LBB2_9:
0xf1: {  	p1 =	sne.s32 s0, $0x380;
	vm6 =	vle.s32 v11, v3;
	v11 =	vld [tilespmem:s31+$0xFFFFFFD0];
	v17 =	vor.u32 s22, v1;
	v18 =	vor.u32 s23, v1  }
0xf2: {  	vm4 =	vle.s32 v16, v3;
	vm2 =	vle.s32 v12, v3;
	vm1 =	vle.s32 v13, v3;
	v19 =	vld [tilespmem:s31+$0xFFFFFFE0]  }
0xf3: {  	vm8 =	vle.s32 v14, v3;
	vm9 =	vle.s32 v15, v3;
	vm7 =	vle.s32 v18, v3  }
0xf4: {  	vm5 =	veq.f32 v5, v2;
	vm3 =	veq.f32 v4, v2;
	vm10 =	vle.s32 v17, v3  }
0xf5: {  	vm13 =	veq.f32 v6, v2;
	vm12 =	veq.f32 v8, v2;
	vm11 =	veq.f32 v10, v2  }
0xf6: {  	vm14 =	veq.f32 v9, v2;
	vm6 =	vmand vm6, vm11;
	vm11 =	veq.f32 v11, v2  }
0xf7: {  	v4 =	vsel vm6, $0x1, v0;
	vm6 =	vmand vm10, vm11;
	vm10 =	veq.f32 v19, v2  }
0xf8: {  	v4 =	vadd.s32 v4, v7;
	v5 =	vsel vm6, $0x1, v0;
	vm6 =	vmand vm7, vm10  }
0xf9: {  	v4 =	vadd.s32 v5, v4;
	v5 =	vsel vm6, $0x1, v0;
	vm6 =	vmand vm8, vm14  }
0xfa: {  	s31 =	sadd.s32 $0x80, s31;
	v5 =	vadd.s32 v5, v4;
	v6 =	vsel vm6, $0x1, v0;
	vm6 =	vmand vm9, vm12  }
0xfb: {  	vm4 =	vmand vm4, vm13;
	v4 =	vld [tilespmem:s31+$0x30];
	v6 =	vadd.s32 v6, v5;
	v7 =	vsel vm6, $0x1, v0  }
.Ltmp5:
0xfc: {  	vm2 =	vmand vm2, vm5;
	v8 =	vsel vm4, $0x1, v0;
	v5 =	vld [tilespmem:s31+$0x20];
	v7 =	vadd.s32 v7, v6;
	(pc) =	sbr.rel @p1 .LBB2_9-.Ltmp5, $4  }
0xfd: {  	s1 =	sadd.s32 s0, s4;
	vm1 =	vmand vm1, vm3;
	v9 =	vsel vm2, $0x1, v0;
	v6 =	vld [tilespmem:s31+$0x10];
	v7 =	vadd.s32 v8, v7  }
0xfe: {  	s11 =	sadd.s32 $0x60, s1;
	s16 =	sadd.s32 $0x70, s1;
	v10 =	vsel vm1, $0x1, v0;
	v11 =	vor.u32 s1, v1;
	v8 =	vld [tilespmem:s31+$0x0];
	v7 =	vadd.s32 v9, v7  }
0xff: {  	s17 =	sadd.s32 $0x30, s1;
	s21 =	sadd.s32 $0x40, s1;
	s3 =	sadd.s32 $0x50, s1;
	v12 =	vor.u32 s11, v1;
	v13 =	vor.u32 s16, v1;
	v9 =	vld [tilespmem:s31+$0xFFFFFFF0];
	v7 =	vadd.s32 v10, v7  }
0x100: {  	s0 =	sadd.s32 $0x80, s0;
	s22 =	sadd.s32 $0x10, s1;
	s23 =	sadd.s32 $0x20, s1;
	v14 =	vor.u32 s17, v1;
	v15 =	vor.u32 s21, v1;
	v16 =	vor.u32 s3, v1;
	v10 =	vld [tilespmem:s31+$0xFFFFFFC0]  }
0x101: {  	vm2 =	vle.s32 v11, v3;
	v41 =	vld [tilespmem:s31+$0xFFFFFFD0];
	v17 =	vor.u32 s22, v1;
	v18 =	vor.u32 s23, v1  }
0x102: {  	v19 =	vld [tilespmem:s31+$0xFFFFFFE0];
	vm3 =	vle.s32 v16, v3;
	vm4 =	vle.s32 v12, v3;
	vm1 =	vle.s32 v13, v3  }
0x103: {  	vm6 =	vle.s32 v14, v3;
	vm7 =	vle.s32 v15, v3;
	vm9 =	veq.f32 v5, v2  }
0x104: {  	vm10 =	veq.f32 v4, v2;
	vm5 =	vle.s32 v18, v3;
	vm8 =	vle.s32 v17, v3  }
0x105: {  	vm13 =	veq.f32 v6, v2;
	vm12 =	veq.f32 v8, v2;
	vm11 =	veq.f32 v10, v2  }
0x106: {  	vm14 =	veq.f32 v9, v2;
	vm2 =	vmand vm2, vm11;
	vm11 =	veq.f32 v41, v2  }
0x107: {  	vm15 =	veq.f32 v19, v2;
	v3 =	vsel vm2, $0x1, v0;
	vm2 =	vmand vm8, vm11  }
0x108: {  	v3 =	vadd.s32 v3, v7;
	v42 =	vsel vm2, $0x1, v0;
	vm2 =	vmand vm5, vm15  }
0x109: {  	v3 =	vadd.s32 v42, v3;
	v43 =	vsel vm2, $0x1, v0;
	vm2 =	vmand vm6, vm14  }
0x10a: {  	v3 =	vadd.s32 v43, v3;
	v44 =	vsel vm2, $0x1, v0;
	vm2 =	vmand vm7, vm12  }
0x10b: {  	v3 =	vadd.s32 v44, v3;
	v45 =	vsel vm2, $0x1, v0;
	vm2 =	vmand vm3, vm13  }
0x10c: {  	s0 =	sxor.u32 $0xFFFFFFFF, s28;
	v3 =	vadd.s32 v45, v3;
	v46 =	vsel vm2, $0x1, v0;
	vm2 =	vmand vm4, vm9  }
0x10d: {  	vm1 =	vmand vm1, vm10;
	s0 =	sshll.u32 s0, $0xB;
	v3 =	vadd.s32 v46, v3;
	v47 =	vsel vm2, $0x1, v0  }
0x10e: {  	v48 =	vsel vm1, $0x1, v0;
	s0 =	sand.u32 $0x800, s0;
	v3 =	vadd.s32 v47, v3  }
0x10f: {  	s0 =	sadd.s32 s0, s2;
	v3 =	vadd.s32 v48, v3  }
0x110: {  	s1 =	sadd.s32 s8, s0;
	[tilespmem:$0xD00] =	vst v3  }
0x111: {  	[spmem:s1] =	stream.linear.scatter [tilespmem:s19], [sflag:$0x1], $0x80, $0x38;
	[tilespmem:$0x1F00] =	vst v63  }
0x112: {  	_ =	swait.ge [sflag:s15], $0x80  }
0x113: {  	[sflag:s15] =	ssyncset.done $0x0  }
0x114: {  	[sflag:s15] =	ssyncadd.s32 $0xFFFFFF80  }
0x115: {  	[bflag:$0x0] =	sbarrier.arrive $0xFFFF  }
0x116: {  	[tilespmem:s20], [sflag:$0x1] =	stream.linear.gather [spmem:s0], $0x800, $0x38;
	[tilespmem:$0x1F00] =	vst v63  }
0x117: {  	_ =	swait.ge [sflag:s15], $0x800  }
0x118: {  	[sflag:s15] =	ssyncset.done $0x0  }
0x119: {  	[sflag:s15] =	ssyncadd.s32 $0xFFFFF800  }
0x11a: {  	v3 =	vld [tilespmem:$0xD80]  }
0x11b: {  	v49 =	vld [tilespmem:$0xE00]  }
0x11c: {  	v50 =	vld [tilespmem:$0xE80]  }
0x11d: {  	v51 =	vld [tilespmem:$0xF00]  }
0x11e: {  	v52 =	vld [tilespmem:$0xF80]  }
0x11f: {  	v53 =	vld [tilespmem:$0x1000]  }
0x120: {  	v54 =	vld [tilespmem:$0x1080];
	v3 =	vadd.s32 v3, v49  }
0x121: {  	v55 =	vld [tilespmem:$0x1100];
	v3 =	vadd.s32 v50, v3  }
0x122: {  	v56 =	vld [tilespmem:$0x1180];
	v3 =	vadd.s32 v51, v3  }
0x123: {  	v57 =	vld [tilespmem:$0x1200];
	v3 =	vadd.s32 v52, v3  }
0x124: {  	v58 =	vld [tilespmem:$0x1280];
	v3 =	vadd.s32 v53, v3  }
0x125: {  	v59 =	vld [tilespmem:$0x1300];
	v3 =	vadd.s32 v54, v3  }
0x126: {  	v60 =	vld [tilespmem:$0x1380];
	v3 =	vadd.s32 v55, v3  }
0x127: {  	v61 =	vld [tilespmem:$0x1400];
	v3 =	vadd.s32 v56, v3  }
0x128: {  	v62 =	vld [tilespmem:$0x1480];
	v3 =	vadd.s32 v57, v3  }
0x129: {  	v63 =	vld [tilespmem:$0x1500];
	v3 =	vadd.s32 v58, v3  }
0x12a: {  	v3 =	vadd.s32 v59, v3  }
0x12b: {  	v3 =	vadd.s32 v60, v3  }
0x12c: {  	v3 =	vadd.s32 v61, v3  }
0x12d: {  	v3 =	vadd.s32 v62, v3  }
0x12e: {  	v3 =	vadd.s32 v63, v3  }
0x12f: {  	(v2sf) =	vpush v3, $0x0  }
0x130: {  	(v2sf) =	vpush v3, $0x1  }
0x131: {  	(v2sf) =	vpush v3, $0x2  }
0x132: {  	(v2sf) =	vpush v3, $0x3  }
0x133: {  	(v2sf) =	vpush v3, $0x4  }
0x134: {  	(v2sf) =	vpush v3, $0x5  }
0x135: {  	(v2sf) =	vpush v3, $0x6  }
0x136: {  	(v2sf) =	vpush v3, $0x7  }
0x137: {  	(v2sf) =	vpush v3, $0x8  }
0x138: {  	(v2sf) =	vpush v3, $0x9  }
0x139: {  	(v2sf) =	vpush v3, $0xA  }
0x13a: {  	(v2sf) =	vpush v3, $0xB  }
0x13b: {  	(v2sf) =	vpush v3, $0xC  }
0x13c: {  	(v2sf) =	vpush v3, $0xD  }
0x13d: {  	(v2sf) =	vpush v3, $0xE  }
0x13e: {  	s1 =	spop (v2sf);
	(v2sf) =	vpush v3, $0xF  }
0x13f: {  	s11 =	spop (v2sf)  }
0x140: {  	s3 =	spop (v2sf);
	s0 =	sadd.s32 s11, s1  }
0x141: {  	s16 =	spop (v2sf);
	s0 =	sadd.s32 s3, s0  }
0x142: {  	s17 =	spop (v2sf);
	s0 =	sadd.s32 s16, s0  }
0x143: {  	s21 =	spop (v2sf);
	s0 =	sadd.s32 s17, s0  }
0x144: {  	s22 =	spop (v2sf);
	s0 =	sadd.s32 s21, s0  }
0x145: {  	s23 =	spop (v2sf);
	s0 =	sadd.s32 s22, s0  }
0x146: {  	s31 =	spop (v2sf);
	s0 =	sadd.s32 s23, s0  }
0x147: {  	s11 =	spop (v2sf);
	s0 =	sadd.s32 s31, s0  }
0x148: {  	s16 =	spop (v2sf);
	s0 =	sadd.s32 s11, s0  }
0x149: {  	s17 =	spop (v2sf);
	s0 =	sadd.s32 s16, s0  }
0x14a: {  	s21 =	spop (v2sf);
	s0 =	sadd.s32 s17, s0  }
0x14b: {  	s28 =	sadd.s32 $0x1, s28;
	s22 =	spop (v2sf);
	s0 =	sadd.s32 s21, s0  }
0x14c: {  	p2 =	seq.s32 s28, $0xE;
	s23 =	spop (v2sf);
	s0 =	sadd.s32 s22, s0  }
.Ltmp6:
0x14d: {  	s0 =	sadd.s32 s23, s0;
	s31 =	spop (v2sf);
	(pc) =	sbr.rel @!p2 .LBB2_8-.Ltmp6, $4  }
0x14e: {  	s0 =	sadd.s32 s31, s0  }
0x14f: {  	p1 =	slt.s32 s0, s26  }
0x150: {  	s0 =	sadd.s32 $0x1, s30;
	s30 =	smov.u32 @p1 s29  }
0x151: {  	s25 =	smov.u32 @p1 s0;
	s29 =	smov.u32 s30  }
0x152: {  	s0 =	simm.s32 $0x40  }
0x153: {  	v6 =	vld [tilespmem:s0+$0x30]  }
0x154: {  	v5 =	vld [tilespmem:s0+$0x20]  }
0x155: {  	s1 =	sadd.s32 $0x0, s4;
	v7 =	vld [tilespmem:s0+$0x10]  }
0x156: {  	v3 =	vmov s25;
	v4 =	vimm.f32 $0.0e+00;
	s3 =	sadd.s32 $0x70, s1;
	v8 =	vld [tilespmem:s0+$0x0];
	s11 =	sadd.s32 $0x60, s1  }
0x157: {  	v9 =	vor.u32 s1, v1;
	v11 =	vld [tilespmem:s0+$0xFFFFFFF0];
	s30 =	sadd.s32 $0x30, s1;
	s16 =	sadd.s32 $0x40, s1;
	s17 =	sadd.s32 $0x50, s1;
	v10 =	vor.u32 s3, v1;
	v12 =	vor.u32 s11, v1  }
0x158: {  	v13 =	vld [tilespmem:s0+$0xFFFFFFC0];
	s31 =	sadd.s32 $0x10, s1;
	s1 =	sadd.s32 $0x20, s1;
	v14 =	vor.u32 s30, v1;
	v15 =	vor.u32 s16, v1;
	v16 =	vor.u32 s17, v1  }
0x159: {  	v17 =	vld [tilespmem:s0+$0xFFFFFFE0];
	vm10 =	vle.s32 v9, v3;
	v9 =	vor.u32 s31, v1;
	v18 =	vor.u32 s1, v1  }
0x15a: {  	s26 =	simm.s32 $0x440;
	v19 =	vld [tilespmem:s0+$0xFFFFFFD0];
	vm4 =	vle.s32 v16, v3;
	vm3 =	vle.s32 v12, v3;
	vm1 =	vle.s32 v10, v3  }
0x15b: {  	s25 =	simm.s32 $0x840;
	v10 =	vld [tilespmem:s26+$0xFFFFFFC0];
	vm11 =	vle.s32 v18, v3;
	vm8 =	vle.s32 v14, v3;
	vm6 =	vle.s32 v15, v3  }
0x15c: {  	v12 =	vld [tilespmem:s25+$0xFFFFFFC0];
	vm12 =	vle.s32 v9, v3;
	vm5 =	veq.f32 v5, v2;
	vm2 =	veq.f32 v6, v2  }
0x15d: {  	v9 =	vld [tilespmem:s26+$0xFFFFFFD0];
	vm13 =	veq.f32 v13, v2;
	vm9 =	veq.f32 v8, v2;
	vm7 =	veq.f32 v7, v2  }
0x15e: {  	v14 =	vld [tilespmem:s26+$0xFFFFFFE0];
	vm14 =	vgt.f32 v13, v2;
	vm15 =	veq.f32 v17, v2;
	vm10 =	vmand vm10, vm13  }
0x15f: {  	v13 =	vld [tilespmem:s25+$0xFFFFFFD0];
	vm13 =	veq.f32 v11, v2;
	vm11 =	vmand vm11, vm15;
	vm6 =	vmand vm6, vm9  }
0x160: {  	v15 =	vld [tilespmem:s25+$0xFFFFFFE0];
	vm4 =	vmand vm4, vm7;
	vm10 =	vmor vm14, vm10;
	vm14 =	veq.f32 v19, v2  }
0x161: {  	v16 =	vld [tilespmem:s25+$0xFFFFFFF0];
	v10 =	vnsel vm10, $0x0, v10;
	vm10 =	vgt.f32 v19, v2;
	vm12 =	vmand vm12, vm14  }
0x162: {  	s28 =	simm.s32 $0xC0;
	v10 =	vadd.f32 v10, v4;
	v4 =	vadd.f32 v12, v4;
	vm10 =	vmor vm10, vm12;
	v12 =	vld [tilespmem:s26+$0xFFFFFFF0]  }
0x163: {  	vm15 =	vgt.f32 v5, v2;
	v5 =	vld [tilespmem:s28+$0x30];
	vm14 =	vgt.f32 v17, v2;
	v9 =	vnsel vm10, $0x0, v9  }
0x164: {  	vm10 =	vmor vm14, vm11;
	v9 =	vadd.f32 v9, v10;
	v4 =	vadd.f32 v13, v4;
	v10 =	vld [tilespmem:s26+$0x0]  }
0x165: {  	vm8 =	vmand vm8, vm13;
	vm12 =	vgt.f32 v11, v2;
	v11 =	vld [tilespmem:s25+$0x0];
	v13 =	vnsel vm10, $0x0, v14  }
0x166: {  	vm8 =	vmor vm12, vm8;
	v9 =	vadd.f32 v13, v9;
	v4 =	vadd.f32 v15, v4;
	v13 =	vld [tilespmem:s26+$0x10]  }
0x167: {  	vm3 =	vmand vm3, vm5;
	vm13 =	vgt.f32 v8, v2;
	v8 =	vld [tilespmem:s25+$0x10];
	v12 =	vnsel vm8, $0x0, v12  }
0x168: {  	vm6 =	vmor vm13, vm6;
	v9 =	vadd.f32 v12, v9;
	v4 =	vadd.f32 v16, v4;
	v12 =	vld [tilespmem:s26+$0x20]  }
0x169: {  	s17 =	sadd.s32 $0x80, s4;
	vm1 =	vmand vm1, vm2;
	vm14 =	vgt.f32 v7, v2;
	v7 =	vld [tilespmem:s25+$0x20];
	v10 =	vnsel vm6, $0x0, v10  }
0x16a: {  	s31 =	sadd.s32 $0x50, s17;
	vm4 =	vmor vm14, vm4;
	v9 =	vadd.f32 v10, v9;
	v4 =	vadd.f32 v11, v4;
	v10 =	vld [tilespmem:s26+$0x30]  }
0x16b: {  	s22 =	sadd.s32 $0x60, s17;
	vm3 =	vmor vm15, vm3;
	v17 =	vor.u32 s31, v1;
	v15 =	vld [tilespmem:s25+$0x30];
	v11 =	vnsel vm4, $0x0, v13  }
0x16c: {  	s30 =	sadd.s32 $0x40, s17;
	v14 =	vor.u32 s22, v1;
	v9 =	vadd.f32 v11, v9;
	v8 =	vadd.f32 v8, v4;
	v4 =	vld [tilespmem:s28+$0x20]  }
0x16d: {  	v16 =	vor.u32 s30, v1;
	v11 =	vnsel vm3, $0x0, v12;
	vm3 =	vgt.f32 v6, v2;
	v6 =	vld [tilespmem:s28+$0x10]  }
0x16e: {  	s21 =	sadd.s32 $0x70, s17;
	v9 =	vadd.f32 v11, v9;
	v11 =	vadd.f32 v7, v8;
	vm1 =	vmor vm3, vm1;
	v7 =	vld [tilespmem:s28+$0x0]  }
0x16f: {  	s23 =	sadd.s32 $0x30, s17;
	v13 =	vor.u32 s17, v1;
	v12 =	vor.u32 s21, v1;
	v8 =	vld [tilespmem:s28+$0xFFFFFFF0];
	v10 =	vnsel vm1, $0x0, v10  }
0x170: {  	s29 =	simm.s32 $0x100;
	s0 =	sadd.s32 $0x20, s17;
	s22 =	sadd.s32 $0x10, s17;
	v9 =	vadd.f32 v10, v9;
	v10 =	vadd.f32 v15, v11;
	v11 =	vld [tilespmem:s28+$0xFFFFFFC0];
	v15 =	vor.u32 s23, v1  }
.LBB2_12:
0x171: {  	p1 =	sne.s32 s29, $0x380;
	vm11 =	vle.s32 v13, v3;
	v13 =	vor.u32 s22, v1;
	v18 =	vld [tilespmem:s28+$0xFFFFFFE0];
	v19 =	vor.u32 s0, v1  }
0x172: {  	vm4 =	vle.s32 v17, v3;
	vm2 =	vle.s32 v14, v3;
	vm1 =	vle.s32 v12, v3;
	s26 =	sadd.s32 $0x80, s26;
	v20 =	vld [tilespmem:s28+$0xFFFFFFD0]  }
0x173: {  	vm8 =	vle.s32 v15, v3;
	vm6 =	vle.s32 v16, v3;
	s25 =	sadd.s32 $0x80, s25;
	vm10 =	vle.s32 v19, v3;
	v12 =	vld [tilespmem:s26+$0xFFFFFFC0]  }
0x174: {  	vm5 =	veq.f32 v4, v2;
	vm3 =	veq.f32 v5, v2;
	vm12 =	vle.s32 v13, v3;
	v14 =	vld [tilespmem:s25+$0xFFFFFFC0]  }
0x175: {  	vm7 =	veq.f32 v6, v2;
	vm9 =	veq.f32 v7, v2;
	vm13 =	veq.f32 v11, v2;
	v13 =	vld [tilespmem:s26+$0xFFFFFFD0]  }
0x176: {  	vm14 =	vgt.f32 v11, v2;
	vm11 =	vmand vm11, vm13;
	v11 =	vld [tilespmem:s25+$0xFFFFFFD0];
	vm13 =	veq.f32 v8, v2  }
0x177: {  	vm15 =	veq.f32 v18, v2;
	vm11 =	vmor vm14, vm11;
	vm14 =	veq.f32 v20, v2;
	v15 =	vld [tilespmem:s26+$0xFFFFFFE0]  }
0x178: {  	v12 =	vnsel vm11, $0x0, v12;
	vm11 =	vgt.f32 v20, v2;
	vm12 =	vmand vm12, vm14;
	v16 =	vld [tilespmem:s25+$0xFFFFFFE0]  }
0x179: {  	v9 =	vadd.f32 v12, v9;
	v10 =	vadd.f32 v14, v10;
	vm11 =	vmor vm11, vm12;
	v12 =	vld [tilespmem:s26+$0xFFFFFFF0]  }
0x17a: {  	vm10 =	vmand vm10, vm15;
	v13 =	vnsel vm11, $0x0, v13;
	vm11 =	vgt.f32 v18, v2;
	v14 =	vld [tilespmem:s25+$0xFFFFFFF0]  }
0x17b: {  	v9 =	vadd.f32 v13, v9;
	v10 =	vadd.f32 v11, v10;
	vm10 =	vmor vm11, vm10;
	v11 =	vld [tilespmem:s26+$0x0]  }
0x17c: {  	vm8 =	vmand vm8, vm13;
	v13 =	vnsel vm10, $0x0, v15;
	vm10 =	vgt.f32 v8, v2;
	v8 =	vld [tilespmem:s25+$0x0]  }
0x17d: {  	v9 =	vadd.f32 v13, v9;
	v10 =	vadd.f32 v16, v10;
	vm8 =	vmor vm10, vm8;
	v13 =	vld [tilespmem:s26+$0x10]  }
0x17e: {  	vm6 =	vmand vm6, vm9;
	v12 =	vnsel vm8, $0x0, v12;
	vm8 =	vgt.f32 v7, v2;
	v7 =	vld [tilespmem:s25+$0x10]  }
0x17f: {  	v9 =	vadd.f32 v12, v9;
	v10 =	vadd.f32 v14, v10;
	vm6 =	vmor vm8, vm6;
	v12 =	vld [tilespmem:s26+$0x20]  }
0x180: {  	vm4 =	vmand vm4, vm7;
	v11 =	vnsel vm6, $0x0, v11;
	vm6 =	vgt.f32 v6, v2;
	v14 =	vld [tilespmem:s25+$0x20]  }
0x181: {  	v6 =	vadd.f32 v11, v9;
	v8 =	vadd.f32 v8, v10;
	vm4 =	vmor vm6, vm4;
	v9 =	vld [tilespmem:s26+$0x30]  }
0x182: {  	vm2 =	vmand vm2, vm5;
	s28 =	sadd.s32 $0x80, s28;
	v10 =	vnsel vm4, $0x0, v13;
	vm4 =	vgt.f32 v4, v2;
	v11 =	vld [tilespmem:s25+$0x30]  }
0x183: {  	v18 =	vld [tilespmem:s28+$0x30];
	v10 =	vadd.f32 v10, v6;
	v7 =	vadd.f32 v7, v8;
	vm2 =	vmor vm4, vm2  }
.Ltmp7:
0x184: {  	s0 =	sadd.s32 s29, s4;
	vm1 =	vmand vm1, vm3;
	v4 =	vld [tilespmem:s28+$0x20];
	v8 =	vnsel vm2, $0x0, v12;
	vm2 =	vgt.f32 v5, v2;
	(pc) =	sbr.rel @p1 .LBB2_12-.Ltmp7, $4  }
0x185: {  	s1 =	sadd.s32 $0x70, s0;
	v6 =	vld [tilespmem:s28+$0x10];
	v19 =	vadd.f32 v8, v10;
	v10 =	vadd.f32 v14, v7;
	vm1 =	vmor vm2, vm1  }
0x186: {  	s3 =	sadd.s32 $0x60, s0;
	v13 =	vor.u32 s0, v1;
	v12 =	vor.u32 s1, v1;
	v7 =	vld [tilespmem:s28+$0x0];
	v9 =	vnsel vm1, $0x0, v9  }
0x187: {  	s11 =	sadd.s32 $0x40, s0;
	s16 =	sadd.s32 $0x50, s0;
	s1 =	sadd.s32 $0x30, s0;
	v14 =	vor.u32 s3, v1;
	v8 =	vld [tilespmem:s28+$0xFFFFFFF0];
	v9 =	vadd.f32 v9, v19;
	v10 =	vadd.f32 v11, v10  }
0x188: {  	s29 =	sadd.s32 $0x80, s29;
	s22 =	sadd.s32 $0x10, s0;
	v17 =	vor.u32 s16, v1;
	v16 =	vor.u32 s11, v1;
	s0 =	sadd.s32 $0x20, s0;
	v15 =	vor.u32 s1, v1;
	v11 =	vld [tilespmem:s28+$0xFFFFFFC0];
	v5 =	vmovc v18  }
0x189: {  	vm10 =	vle.s32 v13, v3;
	v43 =	vor.u32 s22, v1;
	v18 =	vld [tilespmem:s28+$0xFFFFFFE0];
	v19 =	vor.u32 s0, v1  }
0x18a: {  	v20 =	vld [tilespmem:s28+$0xFFFFFFD0];
	vm4 =	vle.s32 v17, v3;
	vm2 =	vle.s32 v14, v3;
	vm1 =	vle.s32 v12, v3;
	s30 =	sadd.s32 $0x80, s26  }
0x18b: {  	vm8 =	vle.s32 v15, v3;
	vm6 =	vle.s32 v16, v3;
	s1 =	sadd.s32 $0x80, s25;
	vm5 =	veq.f32 v4, v2;
	v44 =	vld [tilespmem:s30+$0xFFFFFFC0]  }
0x18c: {  	vm3 =	veq.f32 v5, v2;
	vm11 =	vle.s32 v19, v3;
	v45 =	vld [tilespmem:s1+$0xFFFFFFC0];
	vm12 =	vle.s32 v43, v3  }
0x18d: {  	v3 =	vld [tilespmem:s30+$0xFFFFFFD0];
	vm7 =	veq.f32 v6, v2;
	vm9 =	veq.f32 v7, v2;
	vm13 =	veq.f32 v11, v2  }
0x18e: {  	v46 =	vld [tilespmem:s1+$0xFFFFFFD0];
	vm14 =	vgt.f32 v11, v2;
	vm10 =	vmand vm10, vm13;
	vm13 =	veq.f32 v8, v2  }
0x18f: {  	v47 =	vld [tilespmem:s30+$0xFFFFFFE0];
	vm15 =	veq.f32 v18, v2;
	vm10 =	vmor vm14, vm10;
	vm14 =	veq.f32 v20, v2  }
0x190: {  	v48 =	vld [tilespmem:s1+$0xFFFFFFE0];
	v12 =	vnsel vm10, $0x0, v44;
	vm10 =	vgt.f32 v20, v2;
	vm12 =	vmand vm12, vm14  }
0x191: {  	v49 =	vld [tilespmem:s30+$0xFFFFFFF0];
	v10 =	vadd.f32 v45, v10;
	v9 =	vadd.f32 v12, v9;
	vm10 =	vmor vm10, vm12  }
0x192: {  	v50 =	vld [tilespmem:s1+$0xFFFFFFF0];
	vm11 =	vmand vm11, vm15;
	vm14 =	vgt.f32 v18, v2;
	v3 =	vnsel vm10, $0x0, v3  }
0x193: {  	v52 =	vld [tilespmem:s30+$0x0];
	v51 =	vadd.f32 v46, v10;
	vm10 =	vmor vm14, vm11;
	v3 =	vadd.f32 v3, v9  }
0x194: {  	v54 =	vld [tilespmem:s1+$0x0];
	vm8 =	vmand vm8, vm13;
	vm12 =	vgt.f32 v8, v2;
	v53 =	vnsel vm10, $0x0, v47  }
0x195: {  	v55 =	vld [tilespmem:s30+$0x10];
	vm8 =	vmor vm12, vm8;
	v9 =	vadd.f32 v48, v51;
	v3 =	vadd.f32 v53, v3  }
0x196: {  	v56 =	vld [tilespmem:s1+$0x10];
	vm6 =	vmand vm6, vm9;
	vm13 =	vgt.f32 v7, v2;
	v12 =	vnsel vm8, $0x0, v49  }
0x197: {  	v57 =	vld [tilespmem:s30+$0x20];
	vm6 =	vmor vm13, vm6;
	v9 =	vadd.f32 v50, v9;
	v3 =	vadd.f32 v12, v3  }
0x198: {  	v58 =	vld [tilespmem:s1+$0x20];
	vm4 =	vmand vm4, vm7;
	v10 =	vnsel vm6, $0x0, v52;
	vm14 =	vgt.f32 v6, v2  }
0x199: {  	v59 =	vld [tilespmem:s30+$0x30];
	vm4 =	vmor vm14, vm4;
	v8 =	vadd.f32 v54, v9;
	v3 =	vadd.f32 v10, v3  }
0x19a: {  	vm2 =	vmand vm2, vm5;
	v61 =	vld [tilespmem:s1+$0x30];
	vm15 =	vgt.f32 v4, v2;
	v60 =	vnsel vm4, $0x0, v55  }
0x19b: {  	vm2 =	vmor vm15, vm2;
	v7 =	vadd.f32 v56, v8;
	v3 =	vadd.f32 v60, v3  }
0x19c: {  	vm1 =	vmand vm1, vm3;
	v62 =	vnsel vm2, $0x0, v57;
	vm2 =	vgt.f32 v5, v2  }
0x19d: {  	vm1 =	vmor vm2, vm1;
	v2 =	vadd.f32 v62, v3;
	v3 =	vadd.f32 v58, v7  }
0x19e: {  	v63 =	vnsel vm1, $0x0, v59  }
0x19f: {  	v2 =	vadd.f32 v63, v2;
	v3 =	vadd.f32 v61, v3;
	_ =	sdelay $0x1  }
0x1a0: {  	v2 =	vadd.f32 v3, v2;
	_ =	sdelay $0x1  }
0x1a1: {  	s31 =	simm.s32 $0xC80;
	[tilespmem:$0xC80] =	vst v2  }
0x1a2: {  	[spmem:s10] =	stream.linear.scatter [tilespmem:s31], [sflag:$0x1], $0x80, $0x38;
	[tilespmem:$0x1F00] =	vst v63  }
.Ltmp8:
0x1a3: {  	_ =	swait.ge [sflag:s15], $0x80;
	(pc) =	sbr.rel @p0 .LBB2_15-.Ltmp8, $3  }
0x1a4: {  	[sflag:s15] =	ssyncset.done $0x0  }
0x1a5: {  	[sflag:s15] =	ssyncadd.s32 $0xFFFFFF80  }
0x1a6: {  	[bflag:$0x0] =	sbarrier.arrive $0xFFFF;
	_ =	sdelay $0x1  }
0x1a7: {  	s0 =	rddreg [dreg:$0x1];
	s1 =	simm.s32 $0x1580  }
0x1a8: {  	[tilespmem:s1], [sflag:$0x1] =	stream.linear.gather [spmem:s0], $0x800, $0x38;
	[tilespmem:$0x1F00] =	vst v63  }
0x1a9: {  	_ =	swait.ge [sflag:s15], $0x800  }
0x1aa: {  	[sflag:s15] =	ssyncset.done $0x0  }
0x1ab: {  	[sflag:s15] =	ssyncadd.s32 $0xFFFFF800  }
0x1ac: {  	v2 =	vld [tilespmem:$0x1580]  }
0x1ad: {  	v3 =	vld [tilespmem:$0x1600];
	_ =	sdelay $0x1  }
0x1ae: {  	v4 =	vld [tilespmem:$0x1680];
	_ =	sdelay $0x1  }
0x1af: {  	v5 =	vld [tilespmem:$0x1700]  }
0x1b0: {  	v2 =	vadd.f32 v3, v2  }
0x1b1: {  	v3 =	vld [tilespmem:$0x1780]  }
0x1b2: {  	v2 =	vadd.f32 v4, v2  }
0x1b3: {  	v56 =	vld [tilespmem:$0x1800]  }
0x1b4: {  	v2 =	vadd.f32 v5, v2  }
0x1b5: {  	v57 =	vld [tilespmem:$0x1880]  }
0x1b6: {  	v2 =	vadd.f32 v3, v2  }
0x1b7: {  	v3 =	vld [tilespmem:$0x1900]  }
0x1b8: {  	v2 =	vadd.f32 v56, v2  }
0x1b9: {  	v58 =	vld [tilespmem:$0x1980]  }
0x1ba: {  	v2 =	vadd.f32 v57, v2  }
0x1bb: {  	v59 =	vld [tilespmem:$0x1A00]  }
0x1bc: {  	v2 =	vadd.f32 v3, v2  }
0x1bd: {  	v3 =	vld [tilespmem:$0x1A80]  }
0x1be: {  	v2 =	vadd.f32 v58, v2  }
0x1bf: {  	v60 =	vld [tilespmem:$0x1B00]  }
0x1c0: {  	v2 =	vadd.f32 v59, v2  }
0x1c1: {  	v61 =	vld [tilespmem:$0x1B80]  }
0x1c2: {  	v2 =	vadd.f32 v3, v2  }
0x1c3: {  	v3 =	vld [tilespmem:$0x1C00]  }
0x1c4: {  	v2 =	vadd.f32 v60, v2  }
0x1c5: {  	v62 =	vld [tilespmem:$0x1C80]  }
0x1c6: {  	v2 =	vadd.f32 v61, v2  }
0x1c7: {  	v63 =	vld [tilespmem:$0x1D00]  }
0x1c8: {  	v2 =	vadd.f32 v3, v2;
	_ =	sdelay $0x1  }
0x1c9: {  	v2 =	vadd.f32 v62, v2;
	_ =	sdelay $0x1  }
0x1ca: {  	v2 =	vadd.f32 v63, v2;
	_ =	sdelay $0x1  }
0x1cb: {  	(v2sf) =	vpush v2, $0x0  }
0x1cc: {  	(v2sf) =	vpush v2, $0x1;
	_ =	sdelay $0x1  }
0x1cd: {  	(v2sf) =	vpush v2, $0x2;
	_ =	sdelay $0x1  }
0x1ce: {  	(v2sf) =	vpush v2, $0x3;
	_ =	sdelay $0x1  }
0x1cf: {  	(v2sf) =	vpush v2, $0x4;
	_ =	sdelay $0x1  }
0x1d0: {  	(v2sf) =	vpush v2, $0x5;
	_ =	sdelay $0x1  }
0x1d1: {  	(v2sf) =	vpush v2, $0x6;
	_ =	sdelay $0x1  }
0x1d2: {  	(v2sf) =	vpush v2, $0x7;
	_ =	sdelay $0x1  }
0x1d3: {  	s26 =	spop (v2sf);
	(v2sf) =	vpush v2, $0x8  }
0x1d4: {  	s28 =	spop (v2sf)  }
0x1d5: {  	(v2sf) =	vpush v2, $0x9;
	s0 =	sadd.f32 s28, s26  }
0x1d6: {  	s29 =	spop (v2sf)  }
0x1d7: {  	(v2sf) =	vpush v2, $0xA;
	s0 =	sadd.f32 s0, s29  }
0x1d8: {  	s30 =	spop (v2sf)  }
0x1d9: {  	(v2sf) =	vpush v2, $0xB;
	s0 =	sadd.f32 s0, s30  }
0x1da: {  	s31 =	spop (v2sf)  }
0x1db: {  	(v2sf) =	vpush v2, $0xC;
	s0 =	sadd.f32 s0, s31  }
0x1dc: {  	s3 =	spop (v2sf)  }
0x1dd: {  	(v2sf) =	vpush v2, $0xD;
	s0 =	sadd.f32 s0, s3  }
0x1de: {  	s11 =	spop (v2sf)  }
0x1df: {  	(v2sf) =	vpush v2, $0xE;
	s0 =	sadd.f32 s0, s11  }
0x1e0: {  	s16 =	spop (v2sf)  }
0x1e1: {  	(v2sf) =	vpush v2, $0xF;
	s0 =	sadd.f32 s0, s16  }
0x1e2: {  	s17 =	spop (v2sf)  }
0x1e3: {  	s0 =	sadd.f32 s0, s17  }
0x1e4: {  	s21 =	spop (v2sf)  }
0x1e5: {  	s0 =	sadd.f32 s0, s21  }
0x1e6: {  	s22 =	spop (v2sf)  }
0x1e7: {  	s0 =	sadd.f32 s0, s22  }
0x1e8: {  	s23 =	spop (v2sf)  }
0x1e9: {  	s0 =	sadd.f32 s0, s23  }
0x1ea: {  	s25 =	spop (v2sf)  }
0x1eb: {  	s0 =	sadd.f32 s0, s25  }
0x1ec: {  	s26 =	spop (v2sf)  }
0x1ed: {  	s0 =	sadd.f32 s0, s26  }
0x1ee: {  	s28 =	spop (v2sf)  }
0x1ef: {  	s0 =	sadd.f32 s0, s28  }
0x1f0: {  	s29 =	spop (v2sf)  }
0x1f1: {  	s0 =	sadd.f32 s0, s29;
	_ =	sdelay $0x1  }
0x1f2: {  	v2 =	vmov s0  }
0x1f3: {  	s30 =	simm.s32 $0x0;
	v2 =	vnsel vm0, $0x0, v2  }
.Ltmp9:
0x1f4: {  	s31 =	rddreg [dreg:$0x4];
	s3 =	simm.s32 $0xC00;
	[tilespmem:$0xC00] =	vst v2;
	(pc) =	sbr.rel .LBB2_15-.Ltmp9, $4  }
0x1f5: {  	[hbm4b:s31+s30] =	stream.linear.scatter [tilespmem:s3], [sflag:$0x1], $0x80, $0x38;
	[tilespmem:$0x1F00] =	vst v63  }
0x1f6: {  	_ =	swait.ge [sflag:s15], $0x80  }
0x1f7: {  	[sflag:s15] =	ssyncset.done $0x0  }
0x1f8: {  	[sflag:s15] =	ssyncadd.s32 $0xFFFFFF80  }
.LBB2_16:
0x1f9: {  	_ =	sfence.sel $0x180000  }
0x1fa: {  	[bflag:$0x0] =	sbarrier.arrive $0xFFFF  }
0x1fb: {  	_ =	strace $0x90000047  }
0x1fc: {  	[bflag:$0x2] =	sbarrier.arrive $0xFFFF  }
0x1fd: {  	s0 =	rddreg [dreg:$0x3]  }
0x1fe: {  	s0 =	sadd.s32 @!p0 $0x100000, s0  }
0x1ff: {  	[sflag:s0] =	ssyncadd.tile.s32 @!p0 $0x1;
	_ =	shalt  }
.Lfunc_end2:
_tile_overlayer_lowered:
.L_overlay_start_2:
0x200: {  	(tag) =	ssettag $0x2  }
0x201: {  	s0 =	rddreg [dreg:$0x0];
	s2 =	stileid.u32  }
0x202: {  	s1 =	rddreg [dreg:$0x1];
	p0 =	sne.s32 s2, $0x0  }
0x203: {  	s3 =	rddreg [dreg:$0x2];
	[bflag:$0x3] =	sbarrier.arrive $0xFFFF;
	s2 =	simm.s32 @!p0 $0x1C01  }
0x204: {  	[timem:s3], [sflag:s2] =	dma.local @!p0 [hbm:s0], s1  }
0x205: {  	s0 =	simm.s32 @!p0 $0x1  }
0x206: {  	_ =	swait.ge @!p0 [sflag:s0], s1  }
0x207: {  	s1 =	ssub.s32 @!p0 $0x0, s1;
	[sflag:s0] =	ssyncset.done @!p0 $0x0  }
0x208: {  	[sflag:s0] =	ssyncadd.s32 @!p0 s1  }
0x209: {  	[bflag:$0x3] =	sbarrier.arrive $0xFFFF  }
0x20a: {  	_ =	shalt  }

</sc_bundles>
